<compile_context>
chip_gen: v7x
topology: tpu7x:2x2x1
jax: 0.10.2.dev20260603
libtpu: 0.0.44.dev20260713+nightly
codegen_flags: <defaults>
</compile_context>

<pallas_src>
import functools

import jax
import jax.numpy as jnp
from jax import lax
from jax.experimental import pallas as pl
from jax.experimental.pallas import tpu as pltpu
from jax.experimental.pallas import tpu_sc as plsc

N = 10000
E = 320000
D = 128
B = 64
OUT = 1

NC = 2
NS = 16
NW = NC * NS
EPW = E // NW
CH = 80
CPW = EPW // CH
NBUF = 3
NP = 10112
RPS = NP // NS
LRPS = N - (NS - 1) * RPS

BN = 1000
GN = N // BN


def _sc_aggregate(h, pk3, zeros):
    mesh = plsc.VectorSubcoreMesh(core_axis_name="c", subcore_axis_name="s")

    @functools.partial(
        pl.kernel,
        out_type=jax.ShapeDtypeStruct((NC, NP, D), jnp.float32),
        mesh=mesh,
        scratch_types=[
            pltpu.VMEM_SHARED((NP, D), jnp.float32),
            pltpu.VMEM((CPW, CH), jnp.int32),
            pltpu.VMEM((NBUF, CH), jnp.int32),
            pltpu.VMEM((NBUF, CH), jnp.int32),
            pltpu.VMEM((NBUF, CH, D), jnp.float32),
            pltpu.SemaphoreType.DMA,
            pltpu.SemaphoreType.DMA,
        ],
    )
    def agg(h_hbm, pk_hbm, z_hbm, out_hbm, acc, pkv, srcu, dstu, rows, sem,
            semi):
        c = lax.axis_index("c")
        s = lax.axis_index("s")
        w = c * NS + s
        pltpu.async_copy(pk_hbm.at[w], pkv, semi)
        base = s * RPS
        @pl.when(s < NS - 1)
        def _():
            @pl.when(c == 0)
            def _():
                pltpu.sync_copy(h_hbm.at[pl.ds(base, RPS)],
                                acc.at[pl.ds(base, RPS)])
            @pl.when(c != 0)
            def _():
                pltpu.sync_copy(z_hbm, acc.at[pl.ds(base, RPS)])
        @pl.when(s == NS - 1)
        def _():
            @pl.when(c == 0)
            def _():
                pltpu.sync_copy(h_hbm.at[pl.ds(base, LRPS)],
                                acc.at[pl.ds(base, LRPS)])
            @pl.when(c != 0)
            def _():
                pltpu.sync_copy(z_hbm.at[pl.ds(0, LRPS)],
                                acc.at[pl.ds(base, LRPS)])
        pltpu.make_async_copy(pk_hbm.at[w], pkv, semi).wait()

        def unpack(j, b):
            for l in range(CH // 16):
                pk = pkv[j, pl.ds(16 * l, 16)]
                srcu[b, pl.ds(16 * l, 16)] = pk & 0xFFFF
                dstu[b, pl.ds(16 * l, 16)] = lax.shift_right_logical(pk, 16)

        for b in range(NBUF):
            unpack(b, b)
            pltpu.async_copy(h_hbm.at[srcu.at[b]], rows.at[b], sem)
        plsc.subcore_barrier()

        def body(i, carry):
            for b in range(NBUF):
                j = i * NBUF + b
                pltpu.make_async_copy(
                    h_hbm.at[srcu.at[b]], rows.at[b], sem).wait()
                pltpu.sync_copy(rows.at[b], acc.at[dstu.at[b]], add=True)

                @pl.when(j + NBUF < CPW)
                def _():
                    unpack(j + NBUF, b)
                    pltpu.async_copy(h_hbm.at[srcu.at[b]], rows.at[b], sem)
            return carry

        lax.fori_loop(0, CPW // NBUF, body, 0, unroll=False)
        for t in range(CPW - (CPW // NBUF) * NBUF):
            pltpu.make_async_copy(
                h_hbm.at[srcu.at[t]], rows.at[t], sem).wait()
            pltpu.sync_copy(rows.at[t], acc.at[dstu.at[t]], add=True)
        plsc.subcore_barrier()
        @pl.when(s < NS - 1)
        def _():
            pltpu.sync_copy(acc.at[pl.ds(base, RPS)],
                            out_hbm.at[c, pl.ds(base, RPS)])
        @pl.when(s == NS - 1)
        def _():
            pltpu.sync_copy(acc.at[pl.ds(base, LRPS)],
                            out_hbm.at[c, pl.ds(base, LRPS)])

    return agg(h, pk3, zeros)


def _mlp_body(agg, w1_ref, b1_ref, w2_ref, b2_ref):
    h1 = jnp.maximum(
        jnp.dot(agg, w1_ref[...], preferred_element_type=jnp.float32)
        + b1_ref[...], 0.0)
    return (jnp.dot(h1, w2_ref[...], preferred_element_type=jnp.float32)
            + b2_ref[...])


def _tc_mlp1(p, w1t, b1, w2t, b2):
    def body(p_ref, w1_ref, b1_ref, w2_ref, b2_ref, o_ref):
        agg = p_ref[0] + p_ref[1]
        o_ref[...] = _mlp_body(agg, w1_ref, b1_ref, w2_ref, b2_ref)

    return pl.pallas_call(
        body,
        grid=(GN,),
        in_specs=[
            pl.BlockSpec((NC, BN, D), lambda i: (0, i, 0)),
            pl.BlockSpec((D, D), lambda i: (0, 0)),
            pl.BlockSpec((1, D), lambda i: (0, 0)),
            pl.BlockSpec((D, D), lambda i: (0, 0)),
            pl.BlockSpec((1, D), lambda i: (0, 0)),
        ],
        out_specs=pl.BlockSpec((BN, D), lambda i: (i, 0)),
        out_shape=jax.ShapeDtypeStruct((N, D), jnp.float32),
    )(p, w1t, b1, w2t, b2)


def _tc_mlp2_pool_reg(q, xb3, w1t, b1, w2t, b2, wr1t, br1, wr2t, br2):
    def body(q_ref, xb_ref, w1_ref, b1_ref, w2_ref, b2_ref,
             wr1_ref, br1_ref, wr2_ref, br2_ref, o_ref, pooled, cnt):
        i = pl.program_id(0)

        @pl.when(i == 0)
        def _():
            pooled[...] = jnp.zeros_like(pooled)
            cnt[...] = jnp.zeros_like(cnt)

        agg = q_ref[0] + q_ref[1]
        h2 = _mlp_body(agg, w1_ref, b1_ref, w2_ref, b2_ref)
        gid = lax.broadcasted_iota(jnp.int32, (B, BN), 0)
        maskf = (jnp.broadcast_to(xb_ref[0], (B, BN)) == gid
                 ).astype(jnp.float32)
        pooled[...] += jnp.dot(maskf, h2, preferred_element_type=jnp.float32)
        cnt[...] += jnp.broadcast_to(
            jnp.sum(maskf, axis=1, keepdims=True), (B, D))

        @pl.when(i == GN - 1)
        def _():
            mean = pooled[...] / jnp.maximum(cnt[...], 1.0)
            r = jnp.maximum(
                jnp.dot(mean, wr1_ref[...], preferred_element_type=jnp.float32)
                + br1_ref[...], 0.0)
            o_ref[...] = (jnp.dot(r, wr2_ref[...],
                                  preferred_element_type=jnp.float32)
                          + br2_ref[...])

    return pl.pallas_call(
        body,
        grid=(GN,),
        in_specs=[
            pl.BlockSpec((NC, BN, D), lambda i: (0, i, 0)),
            pl.BlockSpec((1, 1, BN), lambda i: (i, 0, 0)),
            pl.BlockSpec((D, D), lambda i: (0, 0)),
            pl.BlockSpec((1, D), lambda i: (0, 0)),
            pl.BlockSpec((D, D), lambda i: (0, 0)),
            pl.BlockSpec((1, D), lambda i: (0, 0)),
            pl.BlockSpec((D, D), lambda i: (0, 0)),
            pl.BlockSpec((1, D), lambda i: (0, 0)),
            pl.BlockSpec((D, D), lambda i: (0, 0)),
            pl.BlockSpec((1, D), lambda i: (0, 0)),
        ],
        out_specs=pl.BlockSpec((B, D), lambda i: (0, 0)),
        out_shape=jax.ShapeDtypeStruct((B, D), jnp.float32),
        scratch_shapes=[
            pltpu.VMEM((B, D), jnp.float32),
            pltpu.VMEM((B, D), jnp.float32),
        ],
    )(q, xb3, w1t, b1, w2t, b2, wr1t, br1, wr2t, br2)


def kernel(x, edge_index, pos, x_batch, W1a, b1a, W2a, b2a,
           W1b, b1b, W2b, b2b, Wr1, br1, Wr2, br2):
    pk3 = (edge_index[0] | (edge_index[1] << 16)).reshape(NW, CPW, CH)
    zeros = jnp.zeros((RPS, D), jnp.float32)
    xb3 = x_batch.reshape(GN, 1, BN)

    w1at, w2at = W1a.T, W2a.T
    w1bt, w2bt = W1b.T, W2b.T
    wr1t = Wr1.T
    wr2t = jnp.pad(Wr2.T, ((0, 0), (0, D - OUT)))
    b1a2, b2a2 = b1a.reshape(1, D), b2a.reshape(1, D)
    b1b2, b2b2 = b1b.reshape(1, D), b2b.reshape(1, D)
    br12 = br1.reshape(1, D)
    br22 = jnp.pad(br2.reshape(1, OUT), ((0, 0), (0, D - OUT)))

    p = _sc_aggregate(x, pk3, zeros)
    h = _tc_mlp1(p, w1at, b1a2, w2at, b2a2)
    q = _sc_aggregate(h, pk3, zeros)
    out = _tc_mlp2_pool_reg(q, xb3, w1bt, b1b2, w2bt, b2b2,
                            wr1t, br12, wr2t, br22)
    return out[:, :OUT]

# --- scband reference (transcript-rebuilt; emitter-appended) ---
"""Pipeline reference for scband-tree-regressor-20572893348711 (READ-ONLY COPY).

The authoritative reference and input builder live on the scoring server;
editing this copy changes nothing except your own understanding.
"""

import jax, jax.numpy as jnp
import numpy as np

N = 10000
E = 320000
D = 128
H = 128
OUT = 1
B = 64


def setup_inputs(seed: int = 0) -> dict:
    key = jax.random.key(seed)
    ks = jax.random.split(key, 20)
    x = jax.random.normal(ks[0], (N, D), dtype=jnp.float32)
    edge_index = jax.random.randint(ks[1], (2, E), 0, N, dtype=jnp.int32)
    pos = jax.random.uniform(ks[2], (N, 1), dtype=jnp.float32)
    x_batch = jnp.sort(jax.random.randint(ks[3], (N,), 0, B, dtype=jnp.int32))
    s1 = 1.0 / np.sqrt(D)
    s2 = 1.0 / np.sqrt(H)
    # conv layer 1 MLP: Lin(D,H), ReLU, Lin(H,H)
    W1a = jax.random.normal(ks[4], (H, D), dtype=jnp.float32) * s1
    b1a = jnp.zeros((H,), dtype=jnp.float32)
    W2a = jax.random.normal(ks[5], (H, H), dtype=jnp.float32) * s2
    b2a = jnp.zeros((H,), dtype=jnp.float32)
    # conv layer 2 MLP: Lin(H,H), ReLU, Lin(H,H)
    W1b = jax.random.normal(ks[6], (H, H), dtype=jnp.float32) * s2
    b1b = jnp.zeros((H,), dtype=jnp.float32)
    W2b = jax.random.normal(ks[7], (H, H), dtype=jnp.float32) * s2
    b2b = jnp.zeros((H,), dtype=jnp.float32)
    # regressor: Lin(H, H), ReLU, Lin(H, OUT)
    Wr1 = jax.random.normal(ks[8], (H, H), dtype=jnp.float32) * s2
    br1 = jnp.zeros((H,), dtype=jnp.float32)
    Wr2 = jax.random.normal(ks[9], (OUT, H), dtype=jnp.float32) * s2
    br2 = jnp.zeros((OUT,), dtype=jnp.float32)
    return {"x": x, "edge_index": edge_index, "pos": pos, "x_batch": x_batch,
            "W1a": W1a, "b1a": b1a, "W2a": W2a, "b2a": b2a,
            "W1b": W1b, "b1b": b1b, "W2b": W2b, "b2b": b2b,
            "Wr1": Wr1, "br1": br1, "Wr2": Wr2, "br2": br2}


def reference(x, edge_index, pos, x_batch,
              W1a, b1a, W2a, b2a, W1b, b1b, W2b, b2b,
              Wr1, br1, Wr2, br2):
    # cut=0 -> single order covering all nodes; full edge set used.
    # loop_flag=True -> append self loops before propagate (default aggr='add').
    loop = jnp.arange(N, dtype=edge_index.dtype)
    src = jnp.concatenate([edge_index[0], loop])
    dst = jnp.concatenate([edge_index[1], loop])

    def conv(h, W1, b1, W2, b2):
        agg = jax.ops.segment_sum(h[src], dst, num_segments=N)
        h1 = jnp.maximum(agg @ W1.T + b1, 0.0)
        return h1 @ W2.T + b2

    h = conv(x, W1a, b1a, W2a, b2a)
    h = conv(h, W1b, b1b, W2b, b2b)

    # scatter_mean over graph ids
    sums = jax.ops.segment_sum(h, x_batch, num_segments=B)
    counts = jax.ops.segment_sum(jnp.ones((N,), dtype=h.dtype), x_batch, num_segments=B)
    tree_out = sums / jnp.clip(counts, 1.0)[:, None]

    # regressor (global_feat is None)
    r = jnp.maximum(tree_out @ Wr1.T + br1, 0.0)
    tree_pred = r @ Wr2.T + br2
    return tree_pred

if __name__ == "__main__":
    import jax
    _d = setup_inputs()
    print(jax.jit(kernel)(*tuple(_d.values())))

</pallas_src>

<mosaic_0001>
#map = affine_map<(d0, d1) -> (0, 0)>
#map1 = affine_map<(d0, d1) -> (0, 0, 0)>
module attributes {stable_mosaic.version = 14 : i64} {
  func.func @agg(%arg0: i32, %arg1: i32, %arg2: memref<10000x128xf32, #tpu.memory_space<hbm>>, %arg3: memref<32x125x80xi32, #tpu.memory_space<hbm>>, %arg4: memref<632x128xf32, #tpu.memory_space<hbm>>, %arg5: memref<2x10112x128xf32, #tpu.memory_space<hbm>>, %arg6: memref<10112x128xf32, #tpu.memory_space<vmem_shared>>, %arg7: memref<125x80xi32, #tpu.memory_space<vmem>>, %arg8: memref<3x80xi32, #tpu.memory_space<vmem>>, %arg9: memref<3x80xi32, #tpu.memory_space<vmem>>, %arg10: memref<3x80x128xf32, #tpu.memory_space<vmem>>, %arg11: memref<!tpu.dma_semaphore, #tpu.memory_space<semaphore_mem>>, %arg12: memref<!tpu.dma_semaphore, #tpu.memory_space<semaphore_mem>>) attributes {dimension_semantics = [#tpu.dimension_semantics<core_parallel>, #tpu.dimension_semantics<subcore_parallel>], iteration_bounds = array<i64: 2, 16>, scalar_prefetch = 0 : i64, scratch_operands = 7 : i64, tpu.core_type = #tpu.core_type<sc_vector_subcore>, window_params = [{transform_indices = #map}, {transform_indices = #map1}, {transform_indices = #map}, {transform_indices = #map1}]} {
    %mul3A = arith.constant 16 : i32
    %mul3A_0 = arith.muli %arg0, %mul3A : i32
    %add3A = arith.addi %mul3A_0, %arg1 : i32
    %dma_start3A = arith.constant 0 : i32
    %dma_start3A_1 = arith.constant 0 : i32
    %dma_start3A_2 = tpu.memref_slice %arg3[%add3A, %dma_start3A, %dma_start3A_1] : memref<32x125x80xi32, #tpu.memory_space<hbm>> -> memref<1x125x80xi32, #tpu.memory_space<hbm>>
    %dma_start3A_3 = tpu.memref_squeeze %dma_start3A_2 : memref<1x125x80xi32, #tpu.memory_space<hbm>> -> memref<125x80xi32, #tpu.memory_space<hbm>>
    %dma_start3A_4 = arith.constant 0 : i32
    %dma_start3A_5 = arith.constant 0 : i32
    %dma_start3A_6 = tpu.memref_slice %arg3[%add3A, %dma_start3A_4, %dma_start3A_5] : memref<32x125x80xi32, #tpu.memory_space<hbm>> -> memref<1x125x80xi32, #tpu.memory_space<hbm>>
    %dma_start3A_7 = tpu.memref_squeeze %dma_start3A_6 : memref<1x125x80xi32, #tpu.memory_space<hbm>> -> memref<125x80xi32, #tpu.memory_space<hbm>>
    tpu.enqueue_dma source(%dma_start3A_7 : memref<125x80xi32, #tpu.memory_space<hbm>>) target(%arg7 : memref<125x80xi32, #tpu.memory_space<vmem>>) target_semaphore(%arg12 : memref<!tpu.dma_semaphore, #tpu.memory_space<semaphore_mem>>)
    %mul3A_8 = arith.constant 632 : i32
    %mul3A_9 = arith.muli %arg1, %mul3A_8 : i32
    %lt3A = arith.constant 15 : i32
    %lt3A_10 = arith.cmpi slt, %arg1, %lt3A : i32
    %convert_element_type3A = arith.extui %lt3A_10 : i1 to i32
    %cond3A = arith.constant 0 : i32
    %cond3A_11 = arith.cmpi ne, %convert_element_type3A, %cond3A : i32
    scf.if %cond3A_11 {
      %eq3A_443 = arith.constant 0 : i32
      %eq3A_444 = arith.cmpi eq, %arg0, %eq3A_443 : i32
      %convert_element_type3A_445 = arith.extui %eq3A_444 : i1 to i32
      %cond3A_446 = arith.constant 0 : i32
      %cond3A_447 = arith.cmpi ne, %convert_element_type3A_445, %cond3A_446 : i32
      scf.if %cond3A_447 {
        "tpu.region"() ({
          %run_scoped3A_452 = tpu.sem_alloc : memref<!tpu.dma_semaphore, #tpu.memory_space<semaphore_mem>>
          %dma_start3A_453 = arith.constant 0 : i32
          %dma_start3A_454 = tpu.memref_slice %arg6[%mul3A_9, %dma_start3A_453] : memref<10112x128xf32, #tpu.memory_space<vmem_shared>> -> memref<632x128xf32, #tpu.memory_space<vmem_shared>>
          %dma_start3A_455 = arith.constant 0 : i32
          %dma_start3A_456 = tpu.memref_slice %arg2[%mul3A_9, %dma_start3A_455] : memref<10000x128xf32, #tpu.memory_space<hbm>> -> memref<632x128xf32, #tpu.memory_space<hbm>>
          tpu.enqueue_dma source(%dma_start3A_456 : memref<632x128xf32, #tpu.memory_space<hbm>>) target(%dma_start3A_454 : memref<632x128xf32, #tpu.memory_space<vmem_shared>>) target_semaphore(%run_scoped3A_452 : memref<!tpu.dma_semaphore, #tpu.memory_space<semaphore_mem>>)
          %dma_wait3A_457 = arith.constant 0 : i32
          %dma_wait3A_458 = tpu.memref_slice %arg6[%mul3A_9, %dma_wait3A_457] : memref<10112x128xf32, #tpu.memory_space<vmem_shared>> -> memref<632x128xf32, #tpu.memory_space<vmem_shared>>
          %dma_wait3A_459 = arith.constant 0 : i32
          %dma_wait3A_460 = tpu.memref_slice %arg2[%mul3A_9, %dma_wait3A_459] : memref<10000x128xf32, #tpu.memory_space<hbm>> -> memref<632x128xf32, #tpu.memory_space<hbm>>
          tpu.wait_dma2 semaphore(%run_scoped3A_452 : memref<!tpu.dma_semaphore, #tpu.memory_space<semaphore_mem>>) src(%dma_wait3A_460 : memref<632x128xf32, #tpu.memory_space<hbm>>) dst(%dma_wait3A_458 : memref<632x128xf32, #tpu.memory_space<vmem_shared>>)
          tpu.yield
        }) : () -> ()
      } else {
      }
      %ne3A = arith.constant 0 : i32
      %ne3A_448 = arith.cmpi ne, %arg0, %ne3A : i32
      %convert_element_type3A_449 = arith.extui %ne3A_448 : i1 to i32
      %cond3A_450 = arith.constant 0 : i32
      %cond3A_451 = arith.cmpi ne, %convert_element_type3A_449, %cond3A_450 : i32
      scf.if %cond3A_451 {
        "tpu.region"() ({
          %run_scoped3A_452 = tpu.sem_alloc : memref<!tpu.dma_semaphore, #tpu.memory_space<semaphore_mem>>
          %dma_start3A_453 = arith.constant 0 : i32
          %dma_start3A_454 = tpu.memref_slice %arg6[%mul3A_9, %dma_start3A_453] : memref<10112x128xf32, #tpu.memory_space<vmem_shared>> -> memref<632x128xf32, #tpu.memory_space<vmem_shared>>
          tpu.enqueue_dma source(%arg4 : memref<632x128xf32, #tpu.memory_space<hbm>>) target(%dma_start3A_454 : memref<632x128xf32, #tpu.memory_space<vmem_shared>>) target_semaphore(%run_scoped3A_452 : memref<!tpu.dma_semaphore, #tpu.memory_space<semaphore_mem>>)
          %dma_wait3A_455 = arith.constant 0 : i32
          %dma_wait3A_456 = tpu.memref_slice %arg6[%mul3A_9, %dma_wait3A_455] : memref<10112x128xf32, #tpu.memory_space<vmem_shared>> -> memref<632x128xf32, #tpu.memory_space<vmem_shared>>
          tpu.wait_dma2 semaphore(%run_scoped3A_452 : memref<!tpu.dma_semaphore, #tpu.memory_space<semaphore_mem>>) src(%arg4 : memref<632x128xf32, #tpu.memory_space<hbm>>) dst(%dma_wait3A_456 : memref<632x128xf32, #tpu.memory_space<vmem_shared>>)
          tpu.yield
        }) : () -> ()
      } else {
      }
    } else {
    }
    %eq3A = arith.constant 15 : i32
    %eq3A_12 = arith.cmpi eq, %arg1, %eq3A : i32
    %convert_element_type3A_13 = arith.extui %eq3A_12 : i1 to i32
    %cond3A_14 = arith.constant 0 : i32
    %cond3A_15 = arith.cmpi ne, %convert_element_type3A_13, %cond3A_14 : i32
    scf.if %cond3A_15 {
      %eq3A_443 = arith.constant 0 : i32
      %eq3A_444 = arith.cmpi eq, %arg0, %eq3A_443 : i32
      %convert_element_type3A_445 = arith.extui %eq3A_444 : i1 to i32
      %cond3A_446 = arith.constant 0 : i32
      %cond3A_447 = arith.cmpi ne, %convert_element_type3A_445, %cond3A_446 : i32
      scf.if %cond3A_447 {
        "tpu.region"() ({
          %run_scoped3A_452 = tpu.sem_alloc : memref<!tpu.dma_semaphore, #tpu.memory_space<semaphore_mem>>
          %dma_start3A_453 = arith.constant 0 : i32
          %dma_start3A_454 = tpu.memref_slice %arg6[%mul3A_9, %dma_start3A_453] : memref<10112x128xf32, #tpu.memory_space<vmem_shared>> -> memref<520x128xf32, #tpu.memory_space<vmem_shared>>
          %dma_start3A_455 = arith.constant 0 : i32
          %dma_start3A_456 = tpu.memref_slice %arg2[%mul3A_9, %dma_start3A_455] : memref<10000x128xf32, #tpu.memory_space<hbm>> -> memref<520x128xf32, #tpu.memory_space<hbm>>
          tpu.enqueue_dma source(%dma_start3A_456 : memref<520x128xf32, #tpu.memory_space<hbm>>) target(%dma_start3A_454 : memref<520x128xf32, #tpu.memory_space<vmem_shared>>) target_semaphore(%run_scoped3A_452 : memref<!tpu.dma_semaphore, #tpu.memory_space<semaphore_mem>>)
          %dma_wait3A_457 = arith.constant 0 : i32
          %dma_wait3A_458 = tpu.memref_slice %arg6[%mul3A_9, %dma_wait3A_457] : memref<10112x128xf32, #tpu.memory_space<vmem_shared>> -> memref<520x128xf32, #tpu.memory_space<vmem_shared>>
          %dma_wait3A_459 = arith.constant 0 : i32
          %dma_wait3A_460 = tpu.memref_slice %arg2[%mul3A_9, %dma_wait3A_459] : memref<10000x128xf32, #tpu.memory_space<hbm>> -> memref<520x128xf32, #tpu.memory_space<hbm>>
          tpu.wait_dma2 semaphore(%run_scoped3A_452 : memref<!tpu.dma_semaphore, #tpu.memory_space<semaphore_mem>>) src(%dma_wait3A_460 : memref<520x128xf32, #tpu.memory_space<hbm>>) dst(%dma_wait3A_458 : memref<520x128xf32, #tpu.memory_space<vmem_shared>>)
          tpu.yield
        }) : () -> ()
      } else {
      }
      %ne3A = arith.constant 0 : i32
      %ne3A_448 = arith.cmpi ne, %arg0, %ne3A : i32
      %convert_element_type3A_449 = arith.extui %ne3A_448 : i1 to i32
      %cond3A_450 = arith.constant 0 : i32
      %cond3A_451 = arith.cmpi ne, %convert_element_type3A_449, %cond3A_450 : i32
      scf.if %cond3A_451 {
        "tpu.region"() ({
          %run_scoped3A_452 = tpu.sem_alloc : memref<!tpu.dma_semaphore, #tpu.memory_space<semaphore_mem>>
          %dma_start3A_453 = arith.constant 0 : i32
          %dma_start3A_454 = tpu.memref_slice %arg6[%mul3A_9, %dma_start3A_453] : memref<10112x128xf32, #tpu.memory_space<vmem_shared>> -> memref<520x128xf32, #tpu.memory_space<vmem_shared>>
          %dma_start3A_455 = arith.constant 0 : i32
          %dma_start3A_456 = arith.constant 0 : i32
          %dma_start3A_457 = tpu.memref_slice %arg4[%dma_start3A_455, %dma_start3A_456] : memref<632x128xf32, #tpu.memory_space<hbm>> -> memref<520x128xf32, #tpu.memory_space<hbm>>
          tpu.enqueue_dma source(%dma_start3A_457 : memref<520x128xf32, #tpu.memory_space<hbm>>) target(%dma_start3A_454 : memref<520x128xf32, #tpu.memory_space<vmem_shared>>) target_semaphore(%run_scoped3A_452 : memref<!tpu.dma_semaphore, #tpu.memory_space<semaphore_mem>>)
          %dma_wait3A_458 = arith.constant 0 : i32
          %dma_wait3A_459 = tpu.memref_slice %arg6[%mul3A_9, %dma_wait3A_458] : memref<10112x128xf32, #tpu.memory_space<vmem_shared>> -> memref<520x128xf32, #tpu.memory_space<vmem_shared>>
          %dma_wait3A_460 = arith.constant 0 : i32
          %dma_wait3A_461 = arith.constant 0 : i32
          %dma_wait3A_462 = tpu.memref_slice %arg4[%dma_wait3A_460, %dma_wait3A_461] : memref<632x128xf32, #tpu.memory_space<hbm>> -> memref<520x128xf32, #tpu.memory_space<hbm>>
          tpu.wait_dma2 semaphore(%run_scoped3A_452 : memref<!tpu.dma_semaphore, #tpu.memory_space<semaphore_mem>>) src(%dma_wait3A_462 : memref<520x128xf32, #tpu.memory_space<hbm>>) dst(%dma_wait3A_459 : memref<520x128xf32, #tpu.memory_space<vmem_shared>>)
          tpu.yield
        }) : () -> ()
      } else {
      }
    } else {
    }
    %dma_wait3A = arith.constant 0 : i32
    %dma_wait3A_16 = arith.constant 0 : i32
    %dma_wait3A_17 = tpu.memref_slice %arg3[%add3A, %dma_wait3A, %dma_wait3A_16] : memref<32x125x80xi32, #tpu.memory_space<hbm>> -> memref<1x125x80xi32, #tpu.memory_space<hbm>>
    %dma_wait3A_18 = tpu.memref_squeeze %dma_wait3A_17 : memref<1x125x80xi32, #tpu.memory_space<hbm>> -> memref<125x80xi32, #tpu.memory_space<hbm>>
    %dma_wait3A_19 = arith.constant 0 : i32
    %dma_wait3A_20 = arith.constant 0 : i32
    %dma_wait3A_21 = tpu.memref_slice %arg3[%add3A, %dma_wait3A_19, %dma_wait3A_20] : memref<32x125x80xi32, #tpu.memory_space<hbm>> -> memref<1x125x80xi32, #tpu.memory_space<hbm>>
    %dma_wait3A_22 = tpu.memref_squeeze %dma_wait3A_21 : memref<1x125x80xi32, #tpu.memory_space<hbm>> -> memref<125x80xi32, #tpu.memory_space<hbm>>
    tpu.wait_dma2 semaphore(%arg12 : memref<!tpu.dma_semaphore, #tpu.memory_space<semaphore_mem>>) src(%dma_wait3A_22 : memref<125x80xi32, #tpu.memory_space<hbm>>) dst(%arg7 : memref<125x80xi32, #tpu.memory_space<vmem>>)
    %get3A = arith.constant 0 : i32
    %get3A_23 = arith.index_cast %get3A : i32 to index
    %get3A_24 = arith.constant 0 : index
    %get3A_25 = tpu.vector_load %arg7[%get3A_23, %get3A_24] {strides = array<i32>} : memref<125x80xi32, #tpu.memory_space<vmem>>, vector<1x16xi32>,
    %get3A_26 = vector.shape_cast %get3A_25 : vector<1x16xi32> to vector<16xi32>
    %and3A = arith.constant 65535 : i32
    %and3A_27 = vector.broadcast %and3A : i32 to vector<16xi32>
    %and3A_28 = arith.andi %get3A_26, %and3A_27 : vector<16xi32>
    %swap3A = arith.constant 0 : i32
    %swap3A_29 = arith.index_cast %swap3A : i32 to index
    %swap3A_30 = arith.constant 0 : index
    %swap3A_31 = tpu.vector_load %arg8[%swap3A_29, %swap3A_30] {strides = array<i32>} : memref<3x80xi32, #tpu.memory_space<vmem>>, vector<1x16xi32>,
    %swap3A_32 = vector.shape_cast %swap3A_31 : vector<1x16xi32> to vector<16xi32>
    %swap3A_33 = vector.shape_cast %and3A_28 : vector<16xi32> to vector<1x16xi32>
    tpu.vector_store %arg8[%swap3A_29, %swap3A_30], %swap3A_33 {strides = array<i32>} : memref<3x80xi32, #tpu.memory_space<vmem>>, vector<1x16xi32>,
    %shift_right_logical3A = arith.constant 16 : i32
    %shift_right_logical3A_34 = vector.broadcast %shift_right_logical3A : i32 to vector<16xi32>
    %shift_right_logical3A_35 = arith.shrui %get3A_26, %shift_right_logical3A_34 : vector<16xi32>
    %swap3A_36 = arith.constant 0 : i32
    %swap3A_37 = arith.index_cast %swap3A_36 : i32 to index
    %swap3A_38 = arith.constant 0 : index
    %swap3A_39 = tpu.vector_load %arg9[%swap3A_37, %swap3A_38] {strides = array<i32>} : memref<3x80xi32, #tpu.memory_space<vmem>>, vector<1x16xi32>,
    %swap3A_40 = vector.shape_cast %swap3A_39 : vector<1x16xi32> to vector<16xi32>
    %swap3A_41 = vector.shape_cast %shift_right_logical3A_35 : vector<16xi32> to vector<1x16xi32>
    tpu.vector_store %arg9[%swap3A_37, %swap3A_38], %swap3A_41 {strides = array<i32>} : memref<3x80xi32, #tpu.memory_space<vmem>>, vector<1x16xi32>,
    %get3A_42 = arith.constant 0 : i32
    %get3A_43 = arith.index_cast %get3A_42 : i32 to index
    %get3A_44 = arith.constant 16 : index
    %get3A_45 = tpu.vector_load %arg7[%get3A_43, %get3A_44] {strides = array<i32>} : memref<125x80xi32, #tpu.memory_space<vmem>>, vector<1x16xi32>,
    %get3A_46 = vector.shape_cast %get3A_45 : vector<1x16xi32> to vector<16xi32>
    %and3A_47 = arith.constant 65535 : i32
    %and3A_48 = vector.broadcast %and3A_47 : i32 to vector<16xi32>
    %and3A_49 = arith.andi %get3A_46, %and3A_48 : vector<16xi32>
    %swap3A_50 = arith.constant 0 : i32
    %swap3A_51 = arith.index_cast %swap3A_50 : i32 to index
    %swap3A_52 = arith.constant 16 : index
    %swap3A_53 = tpu.vector_load %arg8[%swap3A_51, %swap3A_52] {strides = array<i32>} : memref<3x80xi32, #tpu.memory_space<vmem>>, vector<1x16xi32>,
    %swap3A_54 = vector.shape_cast %swap3A_53 : vector<1x16xi32> to vector<16xi32>
    %swap3A_55 = vector.shape_cast %and3A_49 : vector<16xi32> to vector<1x16xi32>
    tpu.vector_store %arg8[%swap3A_51, %swap3A_52], %swap3A_55 {strides = array<i32>} : memref<3x80xi32, #tpu.memory_space<vmem>>, vector<1x16xi32>,
    %shift_right_logical3A_56 = arith.constant 16 : i32
    %shift_right_logical3A_57 = vector.broadcast %shift_right_logical3A_56 : i32 to vector<16xi32>
    %shift_right_logical3A_58 = arith.shrui %get3A_46, %shift_right_logical3A_57 : vector<16xi32>
    %swap3A_59 = arith.constant 0 : i32
    %swap3A_60 = arith.index_cast %swap3A_59 : i32 to index
    %swap3A_61 = arith.constant 16 : index
    %swap3A_62 = tpu.vector_load %arg9[%swap3A_60, %swap3A_61] {strides = array<i32>} : memref<3x80xi32, #tpu.memory_space<vmem>>, vector<1x16xi32>,
    %swap3A_63 = vector.shape_cast %swap3A_62 : vector<1x16xi32> to vector<16xi32>
    %swap3A_64 = vector.shape_cast %shift_right_logical3A_58 : vector<16xi32> to vector<1x16xi32>
    tpu.vector_store %arg9[%swap3A_60, %swap3A_61], %swap3A_64 {strides = array<i32>} : memref<3x80xi32, #tpu.memory_space<vmem>>, vector<1x16xi32>,
    %get3A_65 = arith.constant 0 : i32
    %get3A_66 = arith.index_cast %get3A_65 : i32 to index
    %get3A_67 = arith.constant 32 : index
    %get3A_68 = tpu.vector_load %arg7[%get3A_66, %get3A_67] {strides = array<i32>} : memref<125x80xi32, #tpu.memory_space<vmem>>, vector<1x16xi32>,
    %get3A_69 = vector.shape_cast %get3A_68 : vector<1x16xi32> to vector<16xi32>
    %and3A_70 = arith.constant 65535 : i32
    %and3A_71 = vector.broadcast %and3A_70 : i32 to vector<16xi32>
    %and3A_72 = arith.andi %get3A_69, %and3A_71 : vector<16xi32>
    %swap3A_73 = arith.constant 0 : i32
    %swap3A_74 = arith.index_cast %swap3A_73 : i32 to index
    %swap3A_75 = arith.constant 32 : index
    %swap3A_76 = tpu.vector_load %arg8[%swap3A_74, %swap3A_75] {strides = array<i32>} : memref<3x80xi32, #tpu.memory_space<vmem>>, vector<1x16xi32>,
    %swap3A_77 = vector.shape_cast %swap3A_76 : vector<1x16xi32> to vector<16xi32>
    %swap3A_78 = vector.shape_cast %and3A_72 : vector<16xi32> to vector<1x16xi32>
    tpu.vector_store %arg8[%swap3A_74, %swap3A_75], %swap3A_78 {strides = array<i32>} : memref<3x80xi32, #tpu.memory_space<vmem>>, vector<1x16xi32>,
    %shift_right_logical3A_79 = arith.constant 16 : i32
    %shift_right_logical3A_80 = vector.broadcast %shift_right_logical3A_79 : i32 to vector<16xi32>
    %shift_right_logical3A_81 = arith.shrui %get3A_69, %shift_right_logical3A_80 : vector<16xi32>
    %swap3A_82 = arith.constant 0 : i32
    %swap3A_83 = arith.index_cast %swap3A_82 : i32 to index
    %swap3A_84 = arith.constant 32 : index
    %swap3A_85 = tpu.vector_load %arg9[%swap3A_83, %swap3A_84] {strides = array<i32>} : memref<3x80xi32, #tpu.memory_space<vmem>>, vector<1x16xi32>,
    %swap3A_86 = vector.shape_cast %swap3A_85 : vector<1x16xi32> to vector<16xi32>
    %swap3A_87 = vector.shape_cast %shift_right_logical3A_81 : vector<16xi32> to vector<1x16xi32>
    tpu.vector_store %arg9[%swap3A_83, %swap3A_84], %swap3A_87 {strides = array<i32>} : memref<3x80xi32, #tpu.memory_space<vmem>>, vector<1x16xi32>,
    %get3A_88 = arith.constant 0 : i32
    %get3A_89 = arith.index_cast %get3A_88 : i32 to index
    %get3A_90 = arith.constant 48 : index
    %get3A_91 = tpu.vector_load %arg7[%get3A_89, %get3A_90] {strides = array<i32>} : memref<125x80xi32, #tpu.memory_space<vmem>>, vector<1x16xi32>,
    %get3A_92 = vector.shape_cast %get3A_91 : vector<1x16xi32> to vector<16xi32>
    %and3A_93 = arith.constant 65535 : i32
    %and3A_94 = vector.broadcast %and3A_93 : i32 to vector<16xi32>
    %and3A_95 = arith.andi %get3A_92, %and3A_94 : vector<16xi32>
    %swap3A_96 = arith.constant 0 : i32
    %swap3A_97 = arith.index_cast %swap3A_96 : i32 to index
    %swap3A_98 = arith.constant 48 : index
    %swap3A_99 = tpu.vector_load %arg8[%swap3A_97, %swap3A_98] {strides = array<i32>} : memref<3x80xi32, #tpu.memory_space<vmem>>, vector<1x16xi32>,
    %swap3A_100 = vector.shape_cast %swap3A_99 : vector<1x16xi32> to vector<16xi32>
    %swap3A_101 = vector.shape_cast %and3A_95 : vector<16xi32> to vector<1x16xi32>
    tpu.vector_store %arg8[%swap3A_97, %swap3A_98], %swap3A_101 {strides = array<i32>} : memref<3x80xi32, #tpu.memory_space<vmem>>, vector<1x16xi32>,
    %shift_right_logical3A_102 = arith.constant 16 : i32
    %shift_right_logical3A_103 = vector.broadcast %shift_right_logical3A_102 : i32 to vector<16xi32>
    %shift_right_logical3A_104 = arith.shrui %get3A_92, %shift_right_logical3A_103 : vector<16xi32>
    %swap3A_105 = arith.constant 0 : i32
    %swap3A_106 = arith.index_cast %swap3A_105 : i32 to index
    %swap3A_107 = arith.constant 48 : index
    %swap3A_108 = tpu.vector_load %arg9[%swap3A_106, %swap3A_107] {strides = array<i32>} : memref<3x80xi32, #tpu.memory_space<vmem>>, vector<1x16xi32>,
    %swap3A_109 = vector.shape_cast %swap3A_108 : vector<1x16xi32> to vector<16xi32>
    %swap3A_110 = vector.shape_cast %shift_right_logical3A_104 : vector<16xi32> to vector<1x16xi32>
    tpu.vector_store %arg9[%swap3A_106, %swap3A_107], %swap3A_110 {strides = array<i32>} : memref<3x80xi32, #tpu.memory_space<vmem>>, vector<1x16xi32>,
    %get3A_111 = arith.constant 0 : i32
    %get3A_112 = arith.index_cast %get3A_111 : i32 to index
    %get3A_113 = arith.constant 64 : index
    %get3A_114 = tpu.vector_load %arg7[%get3A_112, %get3A_113] {strides = array<i32>} : memref<125x80xi32, #tpu.memory_space<vmem>>, vector<1x16xi32>,
    %get3A_115 = vector.shape_cast %get3A_114 : vector<1x16xi32> to vector<16xi32>
    %and3A_116 = arith.constant 65535 : i32
    %and3A_117 = vector.broadcast %and3A_116 : i32 to vector<16xi32>
    %and3A_118 = arith.andi %get3A_115, %and3A_117 : vector<16xi32>
    %swap3A_119 = arith.constant 0 : i32
    %swap3A_120 = arith.index_cast %swap3A_119 : i32 to index
    %swap3A_121 = arith.constant 64 : index
    %swap3A_122 = tpu.vector_load %arg8[%swap3A_120, %swap3A_121] {strides = array<i32>} : memref<3x80xi32, #tpu.memory_space<vmem>>, vector<1x16xi32>,
    %swap3A_123 = vector.shape_cast %swap3A_122 : vector<1x16xi32> to vector<16xi32>
    %swap3A_124 = vector.shape_cast %and3A_118 : vector<16xi32> to vector<1x16xi32>
    tpu.vector_store %arg8[%swap3A_120, %swap3A_121], %swap3A_124 {strides = array<i32>} : memref<3x80xi32, #tpu.memory_space<vmem>>, vector<1x16xi32>,
    %shift_right_logical3A_125 = arith.constant 16 : i32
    %shift_right_logical3A_126 = vector.broadcast %shift_right_logical3A_125 : i32 to vector<16xi32>
    %shift_right_logical3A_127 = arith.shrui %get3A_115, %shift_right_logical3A_126 : vector<16xi32>
    %swap3A_128 = arith.constant 0 : i32
    %swap3A_129 = arith.index_cast %swap3A_128 : i32 to index
    %swap3A_130 = arith.constant 64 : index
    %swap3A_131 = tpu.vector_load %arg9[%swap3A_129, %swap3A_130] {strides = array<i32>} : memref<3x80xi32, #tpu.memory_space<vmem>>, vector<1x16xi32>,
    %swap3A_132 = vector.shape_cast %swap3A_131 : vector<1x16xi32> to vector<16xi32>
    %swap3A_133 = vector.shape_cast %shift_right_logical3A_127 : vector<16xi32> to vector<1x16xi32>
    tpu.vector_store %arg9[%swap3A_129, %swap3A_130], %swap3A_133 {strides = array<i32>} : memref<3x80xi32, #tpu.memory_space<vmem>>, vector<1x16xi32>,
    %dma_start3A_134 = arith.constant 0 : i32
    %dma_start3A_135 = arith.constant 0 : i32
    %dma_start3A_136 = arith.constant 0 : i32
    %dma_start3A_137 = arith.constant 0 : i32
    %dma_start3A_138 = tpu.memref_slice %arg10[%dma_start3A_135, %dma_start3A_136, %dma_start3A_137] : memref<3x80x128xf32, #tpu.memory_space<vmem>> -> memref<1x80x128xf32, #tpu.memory_space<vmem>>
    %dma_start3A_139 = tpu.memref_squeeze %dma_start3A_138 : memref<1x80x128xf32, #tpu.memory_space<vmem>> -> memref<80x128xf32, #tpu.memory_space<vmem>>
    %dma_start3A_140 = arith.constant 0 : i32
    %dma_start3A_141 = tpu.memref_slice %arg8[%dma_start3A_134, %dma_start3A_140] : memref<3x80xi32, #tpu.memory_space<vmem>> -> memref<1x80xi32, #tpu.memory_space<vmem>>
    %dma_start3A_142 = tpu.memref_squeeze %dma_start3A_141 : memref<1x80xi32, #tpu.memory_space<vmem>> -> memref<80xi32, #tpu.memory_space<vmem>>
    %dma_start3A_143 = arith.constant 0 : i32
    %dma_start3A_144 = arith.constant 0 : i32
    %dma_start3A_145 = tpu.memref_slice %arg2[%dma_start3A_143, %dma_start3A_144] : memref<10000x128xf32, #tpu.memory_space<hbm>> -> memref<10000x128xf32, #tpu.memory_space<hbm>>
    tpu.enqueue_indirect_dma source(%dma_start3A_145 : memref<10000x128xf32, #tpu.memory_space<hbm>>) target(%dma_start3A_139 : memref<80x128xf32, #tpu.memory_space<vmem>>) offsets(%dma_start3A_142 : memref<80xi32, #tpu.memory_space<vmem>>) semaphore(%arg11 : memref<!tpu.dma_semaphore, #tpu.memory_space<semaphore_mem>>)
    %get3A_146 = arith.constant 1 : i32
    %get3A_147 = arith.index_cast %get3A_146 : i32 to index
    %get3A_148 = arith.constant 0 : index
    %get3A_149 = tpu.vector_load %arg7[%get3A_147, %get3A_148] {strides = array<i32>} : memref<125x80xi32, #tpu.memory_space<vmem>>, vector<1x16xi32>,
    %get3A_150 = vector.shape_cast %get3A_149 : vector<1x16xi32> to vector<16xi32>
    %and3A_151 = arith.constant 65535 : i32
    %and3A_152 = vector.broadcast %and3A_151 : i32 to vector<16xi32>
    %and3A_153 = arith.andi %get3A_150, %and3A_152 : vector<16xi32>
    %swap3A_154 = arith.constant 1 : i32
    %swap3A_155 = arith.index_cast %swap3A_154 : i32 to index
    %swap3A_156 = arith.constant 0 : index
    %swap3A_157 = tpu.vector_load %arg8[%swap3A_155, %swap3A_156] {strides = array<i32>} : memref<3x80xi32, #tpu.memory_space<vmem>>, vector<1x16xi32>,
    %swap3A_158 = vector.shape_cast %swap3A_157 : vector<1x16xi32> to vector<16xi32>
    %swap3A_159 = vector.shape_cast %and3A_153 : vector<16xi32> to vector<1x16xi32>
    tpu.vector_store %arg8[%swap3A_155, %swap3A_156], %swap3A_159 {strides = array<i32>} : memref<3x80xi32, #tpu.memory_space<vmem>>, vector<1x16xi32>,
    %shift_right_logical3A_160 = arith.constant 16 : i32
    %shift_right_logical3A_161 = vector.broadcast %shift_right_logical3A_160 : i32 to vector<16xi32>
    %shift_right_logical3A_162 = arith.shrui %get3A_150, %shift_right_logical3A_161 : vector<16xi32>
    %swap3A_163 = arith.constant 1 : i32
    %swap3A_164 = arith.index_cast %swap3A_163 : i32 to index
    %swap3A_165 = arith.constant 0 : index
    %swap3A_166 = tpu.vector_load %arg9[%swap3A_164, %swap3A_165] {strides = array<i32>} : memref<3x80xi32, #tpu.memory_space<vmem>>, vector<1x16xi32>,
    %swap3A_167 = vector.shape_cast %swap3A_166 : vector<1x16xi32> to vector<16xi32>
    %swap3A_168 = vector.shape_cast %shift_right_logical3A_162 : vector<16xi32> to vector<1x16xi32>
    tpu.vector_store %arg9[%swap3A_164, %swap3A_165], %swap3A_168 {strides = array<i32>} : memref<3x80xi32, #tpu.memory_space<vmem>>, vector<1x16xi32>,
    %get3A_169 = arith.constant 1 : i32
    %get3A_170 = arith.index_cast %get3A_169 : i32 to index
    %get3A_171 = arith.constant 16 : index
    %get3A_172 = tpu.vector_load %arg7[%get3A_170, %get3A_171] {strides = array<i32>} : memref<125x80xi32, #tpu.memory_space<vmem>>, vector<1x16xi32>,
    %get3A_173 = vector.shape_cast %get3A_172 : vector<1x16xi32> to vector<16xi32>
    %and3A_174 = arith.constant 65535 : i32
    %and3A_175 = vector.broadcast %and3A_174 : i32 to vector<16xi32>
    %and3A_176 = arith.andi %get3A_173, %and3A_175 : vector<16xi32>
    %swap3A_177 = arith.constant 1 : i32
    %swap3A_178 = arith.index_cast %swap3A_177 : i32 to index
    %swap3A_179 = arith.constant 16 : index
    %swap3A_180 = tpu.vector_load %arg8[%swap3A_178, %swap3A_179] {strides = array<i32>} : memref<3x80xi32, #tpu.memory_space<vmem>>, vector<1x16xi32>,
    %swap3A_181 = vector.shape_cast %swap3A_180 : vector<1x16xi32> to vector<16xi32>
    %swap3A_182 = vector.shape_cast %and3A_176 : vector<16xi32> to vector<1x16xi32>
    tpu.vector_store %arg8[%swap3A_178, %swap3A_179], %swap3A_182 {strides = array<i32>} : memref<3x80xi32, #tpu.memory_space<vmem>>, vector<1x16xi32>,
    %shift_right_logical3A_183 = arith.constant 16 : i32
    %shift_right_logical3A_184 = vector.broadcast %shift_right_logical3A_183 : i32 to vector<16xi32>
    %shift_right_logical3A_185 = arith.shrui %get3A_173, %shift_right_logical3A_184 : vector<16xi32>
    %swap3A_186 = arith.constant 1 : i32
    %swap3A_187 = arith.index_cast %swap3A_186 : i32 to index
    %swap3A_188 = arith.constant 16 : index
    %swap3A_189 = tpu.vector_load %arg9[%swap3A_187, %swap3A_188] {strides = array<i32>} : memref<3x80xi32, #tpu.memory_space<vmem>>, vector<1x16xi32>,
    %swap3A_190 = vector.shape_cast %swap3A_189 : vector<1x16xi32> to vector<16xi32>
    %swap3A_191 = vector.shape_cast %shift_right_logical3A_185 : vector<16xi32> to vector<1x16xi32>
    tpu.vector_store %arg9[%swap3A_187, %swap3A_188], %swap3A_191 {strides = array<i32>} : memref<3x80xi32, #tpu.memory_space<vmem>>, vector<1x16xi32>,
    %get3A_192 = arith.constant 1 : i32
    %get3A_193 = arith.index_cast %get3A_192 : i32 to index
    %get3A_194 = arith.constant 32 : index
    %get3A_195 = tpu.vector_load %arg7[%get3A_193, %get3A_194] {strides = array<i32>} : memref<125x80xi32, #tpu.memory_space<vmem>>, vector<1x16xi32>,
    %get3A_196 = vector.shape_cast %get3A_195 : vector<1x16xi32> to vector<16xi32>
    %and3A_197 = arith.constant 65535 : i32
    %and3A_198 = vector.broadcast %and3A_197 : i32 to vector<16xi32>
    %and3A_199 = arith.andi %get3A_196, %and3A_198 : vector<16xi32>
    %swap3A_200 = arith.constant 1 : i32
    %swap3A_201 = arith.index_cast %swap3A_200 : i32 to index
    %swap3A_202 = arith.constant 32 : index
    %swap3A_203 = tpu.vector_load %arg8[%swap3A_201, %swap3A_202] {strides = array<i32>} : memref<3x80xi32, #tpu.memory_space<vmem>>, vector<1x16xi32>,
    %swap3A_204 = vector.shape_cast %swap3A_203 : vector<1x16xi32> to vector<16xi32>
    %swap3A_205 = vector.shape_cast %and3A_199 : vector<16xi32> to vector<1x16xi32>
    tpu.vector_store %arg8[%swap3A_201, %swap3A_202], %swap3A_205 {strides = array<i32>} : memref<3x80xi32, #tpu.memory_space<vmem>>, vector<1x16xi32>,
    %shift_right_logical3A_206 = arith.constant 16 : i32
    %shift_right_logical3A_207 = vector.broadcast %shift_right_logical3A_206 : i32 to vector<16xi32>
    %shift_right_logical3A_208 = arith.shrui %get3A_196, %shift_right_logical3A_207 : vector<16xi32>
    %swap3A_209 = arith.constant 1 : i32
    %swap3A_210 = arith.index_cast %swap3A_209 : i32 to index
    %swap3A_211 = arith.constant 32 : index
    %swap3A_212 = tpu.vector_load %arg9[%swap3A_210, %swap3A_211] {strides = array<i32>} : memref<3x80xi32, #tpu.memory_space<vmem>>, vector<1x16xi32>,
    %swap3A_213 = vector.shape_cast %swap3A_212 : vector<1x16xi32> to vector<16xi32>
    %swap3A_214 = vector.shape_cast %shift_right_logical3A_208 : vector<16xi32> to vector<1x16xi32>
    tpu.vector_store %arg9[%swap3A_210, %swap3A_211], %swap3A_214 {strides = array<i32>} : memref<3x80xi32, #tpu.memory_space<vmem>>, vector<1x16xi32>,
    %get3A_215 = arith.constant 1 : i32
    %get3A_216 = arith.index_cast %get3A_215 : i32 to index
    %get3A_217 = arith.constant 48 : index
    %get3A_218 = tpu.vector_load %arg7[%get3A_216, %get3A_217] {strides = array<i32>} : memref<125x80xi32, #tpu.memory_space<vmem>>, vector<1x16xi32>,
    %get3A_219 = vector.shape_cast %get3A_218 : vector<1x16xi32> to vector<16xi32>
    %and3A_220 = arith.constant 65535 : i32
    %and3A_221 = vector.broadcast %and3A_220 : i32 to vector<16xi32>
    %and3A_222 = arith.andi %get3A_219, %and3A_221 : vector<16xi32>
    %swap3A_223 = arith.constant 1 : i32
    %swap3A_224 = arith.index_cast %swap3A_223 : i32 to index
    %swap3A_225 = arith.constant 48 : index
    %swap3A_226 = tpu.vector_load %arg8[%swap3A_224, %swap3A_225] {strides = array<i32>} : memref<3x80xi32, #tpu.memory_space<vmem>>, vector<1x16xi32>,
    %swap3A_227 = vector.shape_cast %swap3A_226 : vector<1x16xi32> to vector<16xi32>
    %swap3A_228 = vector.shape_cast %and3A_222 : vector<16xi32> to vector<1x16xi32>
    tpu.vector_store %arg8[%swap3A_224, %swap3A_225], %swap3A_228 {strides = array<i32>} : memref<3x80xi32, #tpu.memory_space<vmem>>, vector<1x16xi32>,
    %shift_right_logical3A_229 = arith.constant 16 : i32
    %shift_right_logical3A_230 = vector.broadcast %shift_right_logical3A_229 : i32 to vector<16xi32>
    %shift_right_logical3A_231 = arith.shrui %get3A_219, %shift_right_logical3A_230 : vector<16xi32>
    %swap3A_232 = arith.constant 1 : i32
    %swap3A_233 = arith.index_cast %swap3A_232 : i32 to index
    %swap3A_234 = arith.constant 48 : index
    %swap3A_235 = tpu.vector_load %arg9[%swap3A_233, %swap3A_234] {strides = array<i32>} : memref<3x80xi32, #tpu.memory_space<vmem>>, vector<1x16xi32>,
    %swap3A_236 = vector.shape_cast %swap3A_235 : vector<1x16xi32> to vector<16xi32>
    %swap3A_237 = vector.shape_cast %shift_right_logical3A_231 : vector<16xi32> to vector<1x16xi32>
    tpu.vector_store %arg9[%swap3A_233, %swap3A_234], %swap3A_237 {strides = array<i32>} : memref<3x80xi32, #tpu.memory_space<vmem>>, vector<1x16xi32>,
    %get3A_238 = arith.constant 1 : i32
    %get3A_239 = arith.index_cast %get3A_238 : i32 to index
    %get3A_240 = arith.constant 64 : index
    %get3A_241 = tpu.vector_load %arg7[%get3A_239, %get3A_240] {strides = array<i32>} : memref<125x80xi32, #tpu.memory_space<vmem>>, vector<1x16xi32>,
    %get3A_242 = vector.shape_cast %get3A_241 : vector<1x16xi32> to vector<16xi32>
    %and3A_243 = arith.constant 65535 : i32
    %and3A_244 = vector.broadcast %and3A_243 : i32 to vector<16xi32>
    %and3A_245 = arith.andi %get3A_242, %and3A_244 : vector<16xi32>
    %swap3A_246 = arith.constant 1 : i32
    %swap3A_247 = arith.index_cast %swap3A_246 : i32 to index
    %swap3A_248 = arith.constant 64 : index
    %swap3A_249 = tpu.vector_load %arg8[%swap3A_247, %swap3A_248] {strides = array<i32>} : memref<3x80xi32, #tpu.memory_space<vmem>>, vector<1x16xi32>,
    %swap3A_250 = vector.shape_cast %swap3A_249 : vector<1x16xi32> to vector<16xi32>
    %swap3A_251 = vector.shape_cast %and3A_245 : vector<16xi32> to vector<1x16xi32>
    tpu.vector_store %arg8[%swap3A_247, %swap3A_248], %swap3A_251 {strides = array<i32>} : memref<3x80xi32, #tpu.memory_space<vmem>>, vector<1x16xi32>,
    %shift_right_logical3A_252 = arith.constant 16 : i32
    %shift_right_logical3A_253 = vector.broadcast %shift_right_logical3A_252 : i32 to vector<16xi32>
    %shift_right_logical3A_254 = arith.shrui %get3A_242, %shift_right_logical3A_253 : vector<16xi32>
    %swap3A_255 = arith.constant 1 : i32
    %swap3A_256 = arith.index_cast %swap3A_255 : i32 to index
    %swap3A_257 = arith.constant 64 : index
    %swap3A_258 = tpu.vector_load %arg9[%swap3A_256, %swap3A_257] {strides = array<i32>} : memref<3x80xi32, #tpu.memory_space<vmem>>, vector<1x16xi32>,
    %swap3A_259 = vector.shape_cast %swap3A_258 : vector<1x16xi32> to vector<16xi32>
    %swap3A_260 = vector.shape_cast %shift_right_logical3A_254 : vector<16xi32> to vector<1x16xi32>
    tpu.vector_store %arg9[%swap3A_256, %swap3A_257], %swap3A_260 {strides = array<i32>} : memref<3x80xi32, #tpu.memory_space<vmem>>, vector<1x16xi32>,
    %dma_start3A_261 = arith.constant 1 : i32
    %dma_start3A_262 = arith.constant 1 : i32
    %dma_start3A_263 = arith.constant 0 : i32
    %dma_start3A_264 = arith.constant 0 : i32
    %dma_start3A_265 = tpu.memref_slice %arg10[%dma_start3A_262, %dma_start3A_263, %dma_start3A_264] : memref<3x80x128xf32, #tpu.memory_space<vmem>> -> memref<1x80x128xf32, #tpu.memory_space<vmem>>
    %dma_start3A_266 = tpu.memref_squeeze %dma_start3A_265 : memref<1x80x128xf32, #tpu.memory_space<vmem>> -> memref<80x128xf32, #tpu.memory_space<vmem>>
    %dma_start3A_267 = arith.constant 0 : i32
    %dma_start3A_268 = tpu.memref_slice %arg8[%dma_start3A_261, %dma_start3A_267] : memref<3x80xi32, #tpu.memory_space<vmem>> -> memref<1x80xi32, #tpu.memory_space<vmem>>
    %dma_start3A_269 = tpu.memref_squeeze %dma_start3A_268 : memref<1x80xi32, #tpu.memory_space<vmem>> -> memref<80xi32, #tpu.memory_space<vmem>>
    %dma_start3A_270 = arith.constant 0 : i32
    %dma_start3A_271 = arith.constant 0 : i32
    %dma_start3A_272 = tpu.memref_slice %arg2[%dma_start3A_270, %dma_start3A_271] : memref<10000x128xf32, #tpu.memory_space<hbm>> -> memref<10000x128xf32, #tpu.memory_space<hbm>>
    tpu.enqueue_indirect_dma source(%dma_start3A_272 : memref<10000x128xf32, #tpu.memory_space<hbm>>) target(%dma_start3A_266 : memref<80x128xf32, #tpu.memory_space<vmem>>) offsets(%dma_start3A_269 : memref<80xi32, #tpu.memory_space<vmem>>) semaphore(%arg11 : memref<!tpu.dma_semaphore, #tpu.memory_space<semaphore_mem>>)
    %get3A_273 = arith.constant 2 : i32
    %get3A_274 = arith.index_cast %get3A_273 : i32 to index
    %get3A_275 = arith.constant 0 : index
    %get3A_276 = tpu.vector_load %arg7[%get3A_274, %get3A_275] {strides = array<i32>} : memref<125x80xi32, #tpu.memory_space<vmem>>, vector<1x16xi32>,
    %get3A_277 = vector.shape_cast %get3A_276 : vector<1x16xi32> to vector<16xi32>
    %and3A_278 = arith.constant 65535 : i32
    %and3A_279 = vector.broadcast %and3A_278 : i32 to vector<16xi32>
    %and3A_280 = arith.andi %get3A_277, %and3A_279 : vector<16xi32>
    %swap3A_281 = arith.constant 2 : i32
    %swap3A_282 = arith.index_cast %swap3A_281 : i32 to index
    %swap3A_283 = arith.constant 0 : index
    %swap3A_284 = tpu.vector_load %arg8[%swap3A_282, %swap3A_283] {strides = array<i32>} : memref<3x80xi32, #tpu.memory_space<vmem>>, vector<1x16xi32>,
    %swap3A_285 = vector.shape_cast %swap3A_284 : vector<1x16xi32> to vector<16xi32>
    %swap3A_286 = vector.shape_cast %and3A_280 : vector<16xi32> to vector<1x16xi32>
    tpu.vector_store %arg8[%swap3A_282, %swap3A_283], %swap3A_286 {strides = array<i32>} : memref<3x80xi32, #tpu.memory_space<vmem>>, vector<1x16xi32>,
    %shift_right_logical3A_287 = arith.constant 16 : i32
    %shift_right_logical3A_288 = vector.broadcast %shift_right_logical3A_287 : i32 to vector<16xi32>
    %shift_right_logical3A_289 = arith.shrui %get3A_277, %shift_right_logical3A_288 : vector<16xi32>
    %swap3A_290 = arith.constant 2 : i32
    %swap3A_291 = arith.index_cast %swap3A_290 : i32 to index
    %swap3A_292 = arith.constant 0 : index
    %swap3A_293 = tpu.vector_load %arg9[%swap3A_291, %swap3A_292] {strides = array<i32>} : memref<3x80xi32, #tpu.memory_space<vmem>>, vector<1x16xi32>,
    %swap3A_294 = vector.shape_cast %swap3A_293 : vector<1x16xi32> to vector<16xi32>
    %swap3A_295 = vector.shape_cast %shift_right_logical3A_289 : vector<16xi32> to vector<1x16xi32>
    tpu.vector_store %arg9[%swap3A_291, %swap3A_292], %swap3A_295 {strides = array<i32>} : memref<3x80xi32, #tpu.memory_space<vmem>>, vector<1x16xi32>,
    %get3A_296 = arith.constant 2 : i32
    %get3A_297 = arith.index_cast %get3A_296 : i32 to index
    %get3A_298 = arith.constant 16 : index
    %get3A_299 = tpu.vector_load %arg7[%get3A_297, %get3A_298] {strides = array<i32>} : memref<125x80xi32, #tpu.memory_space<vmem>>, vector<1x16xi32>,
    %get3A_300 = vector.shape_cast %get3A_299 : vector<1x16xi32> to vector<16xi32>
    %and3A_301 = arith.constant 65535 : i32
    %and3A_302 = vector.broadcast %and3A_301 : i32 to vector<16xi32>
    %and3A_303 = arith.andi %get3A_300, %and3A_302 : vector<16xi32>
    %swap3A_304 = arith.constant 2 : i32
    %swap3A_305 = arith.index_cast %swap3A_304 : i32 to index
    %swap3A_306 = arith.constant 16 : index
    %swap3A_307 = tpu.vector_load %arg8[%swap3A_305, %swap3A_306] {strides = array<i32>} : memref<3x80xi32, #tpu.memory_space<vmem>>, vector<1x16xi32>,
    %swap3A_308 = vector.shape_cast %swap3A_307 : vector<1x16xi32> to vector<16xi32>
    %swap3A_309 = vector.shape_cast %and3A_303 : vector<16xi32> to vector<1x16xi32>
    tpu.vector_store %arg8[%swap3A_305, %swap3A_306], %swap3A_309 {strides = array<i32>} : memref<3x80xi32, #tpu.memory_space<vmem>>, vector<1x16xi32>,
    %shift_right_logical3A_310 = arith.constant 16 : i32
    %shift_right_logical3A_311 = vector.broadcast %shift_right_logical3A_310 : i32 to vector<16xi32>
    %shift_right_logical3A_312 = arith.shrui %get3A_300, %shift_right_logical3A_311 : vector<16xi32>
    %swap3A_313 = arith.constant 2 : i32
    %swap3A_314 = arith.index_cast %swap3A_313 : i32 to index
    %swap3A_315 = arith.constant 16 : index
    %swap3A_316 = tpu.vector_load %arg9[%swap3A_314, %swap3A_315] {strides = array<i32>} : memref<3x80xi32, #tpu.memory_space<vmem>>, vector<1x16xi32>,
    %swap3A_317 = vector.shape_cast %swap3A_316 : vector<1x16xi32> to vector<16xi32>
    %swap3A_318 = vector.shape_cast %shift_right_logical3A_312 : vector<16xi32> to vector<1x16xi32>
    tpu.vector_store %arg9[%swap3A_314, %swap3A_315], %swap3A_318 {strides = array<i32>} : memref<3x80xi32, #tpu.memory_space<vmem>>, vector<1x16xi32>,
    %get3A_319 = arith.constant 2 : i32
    %get3A_320 = arith.index_cast %get3A_319 : i32 to index
    %get3A_321 = arith.constant 32 : index
    %get3A_322 = tpu.vector_load %arg7[%get3A_320, %get3A_321] {strides = array<i32>} : memref<125x80xi32, #tpu.memory_space<vmem>>, vector<1x16xi32>,
    %get3A_323 = vector.shape_cast %get3A_322 : vector<1x16xi32> to vector<16xi32>
    %and3A_324 = arith.constant 65535 : i32
    %and3A_325 = vector.broadcast %and3A_324 : i32 to vector<16xi32>
    %and3A_326 = arith.andi %get3A_323, %and3A_325 : vector<16xi32>
    %swap3A_327 = arith.constant 2 : i32
    %swap3A_328 = arith.index_cast %swap3A_327 : i32 to index
    %swap3A_329 = arith.constant 32 : index
    %swap3A_330 = tpu.vector_load %arg8[%swap3A_328, %swap3A_329] {strides = array<i32>} : memref<3x80xi32, #tpu.memory_space<vmem>>, vector<1x16xi32>,
    %swap3A_331 = vector.shape_cast %swap3A_330 : vector<1x16xi32> to vector<16xi32>
    %swap3A_332 = vector.shape_cast %and3A_326 : vector<16xi32> to vector<1x16xi32>
    tpu.vector_store %arg8[%swap3A_328, %swap3A_329], %swap3A_332 {strides = array<i32>} : memref<3x80xi32, #tpu.memory_space<vmem>>, vector<1x16xi32>,
    %shift_right_logical3A_333 = arith.constant 16 : i32
    %shift_right_logical3A_334 = vector.broadcast %shift_right_logical3A_333 : i32 to vector<16xi32>
    %shift_right_logical3A_335 = arith.shrui %get3A_323, %shift_right_logical3A_334 : vector<16xi32>
    %swap3A_336 = arith.constant 2 : i32
    %swap3A_337 = arith.index_cast %swap3A_336 : i32 to index
    %swap3A_338 = arith.constant 32 : index
    %swap3A_339 = tpu.vector_load %arg9[%swap3A_337, %swap3A_338] {strides = array<i32>} : memref<3x80xi32, #tpu.memory_space<vmem>>, vector<1x16xi32>,
    %swap3A_340 = vector.shape_cast %swap3A_339 : vector<1x16xi32> to vector<16xi32>
    %swap3A_341 = vector.shape_cast %shift_right_logical3A_335 : vector<16xi32> to vector<1x16xi32>
    tpu.vector_store %arg9[%swap3A_337, %swap3A_338], %swap3A_341 {strides = array<i32>} : memref<3x80xi32, #tpu.memory_space<vmem>>, vector<1x16xi32>,
    %get3A_342 = arith.constant 2 : i32
    %get3A_343 = arith.index_cast %get3A_342 : i32 to index
    %get3A_344 = arith.constant 48 : index
    %get3A_345 = tpu.vector_load %arg7[%get3A_343, %get3A_344] {strides = array<i32>} : memref<125x80xi32, #tpu.memory_space<vmem>>, vector<1x16xi32>,
    %get3A_346 = vector.shape_cast %get3A_345 : vector<1x16xi32> to vector<16xi32>
    %and3A_347 = arith.constant 65535 : i32
    %and3A_348 = vector.broadcast %and3A_347 : i32 to vector<16xi32>
    %and3A_349 = arith.andi %get3A_346, %and3A_348 : vector<16xi32>
    %swap3A_350 = arith.constant 2 : i32
    %swap3A_351 = arith.index_cast %swap3A_350 : i32 to index
    %swap3A_352 = arith.constant 48 : index
    %swap3A_353 = tpu.vector_load %arg8[%swap3A_351, %swap3A_352] {strides = array<i32>} : memref<3x80xi32, #tpu.memory_space<vmem>>, vector<1x16xi32>,
    %swap3A_354 = vector.shape_cast %swap3A_353 : vector<1x16xi32> to vector<16xi32>
    %swap3A_355 = vector.shape_cast %and3A_349 : vector<16xi32> to vector<1x16xi32>
    tpu.vector_store %arg8[%swap3A_351, %swap3A_352], %swap3A_355 {strides = array<i32>} : memref<3x80xi32, #tpu.memory_space<vmem>>, vector<1x16xi32>,
    %shift_right_logical3A_356 = arith.constant 16 : i32
    %shift_right_logical3A_357 = vector.broadcast %shift_right_logical3A_356 : i32 to vector<16xi32>
    %shift_right_logical3A_358 = arith.shrui %get3A_346, %shift_right_logical3A_357 : vector<16xi32>
    %swap3A_359 = arith.constant 2 : i32
    %swap3A_360 = arith.index_cast %swap3A_359 : i32 to index
    %swap3A_361 = arith.constant 48 : index
    %swap3A_362 = tpu.vector_load %arg9[%swap3A_360, %swap3A_361] {strides = array<i32>} : memref<3x80xi32, #tpu.memory_space<vmem>>, vector<1x16xi32>,
    %swap3A_363 = vector.shape_cast %swap3A_362 : vector<1x16xi32> to vector<16xi32>
    %swap3A_364 = vector.shape_cast %shift_right_logical3A_358 : vector<16xi32> to vector<1x16xi32>
    tpu.vector_store %arg9[%swap3A_360, %swap3A_361], %swap3A_364 {strides = array<i32>} : memref<3x80xi32, #tpu.memory_space<vmem>>, vector<1x16xi32>,
    %get3A_365 = arith.constant 2 : i32
    %get3A_366 = arith.index_cast %get3A_365 : i32 to index
    %get3A_367 = arith.constant 64 : index
    %get3A_368 = tpu.vector_load %arg7[%get3A_366, %get3A_367] {strides = array<i32>} : memref<125x80xi32, #tpu.memory_space<vmem>>, vector<1x16xi32>,
    %get3A_369 = vector.shape_cast %get3A_368 : vector<1x16xi32> to vector<16xi32>
    %and3A_370 = arith.constant 65535 : i32
    %and3A_371 = vector.broadcast %and3A_370 : i32 to vector<16xi32>
    %and3A_372 = arith.andi %get3A_369, %and3A_371 : vector<16xi32>
    %swap3A_373 = arith.constant 2 : i32
    %swap3A_374 = arith.index_cast %swap3A_373 : i32 to index
    %swap3A_375 = arith.constant 64 : index
    %swap3A_376 = tpu.vector_load %arg8[%swap3A_374, %swap3A_375] {strides = array<i32>} : memref<3x80xi32, #tpu.memory_space<vmem>>, vector<1x16xi32>,
    %swap3A_377 = vector.shape_cast %swap3A_376 : vector<1x16xi32> to vector<16xi32>
    %swap3A_378 = vector.shape_cast %and3A_372 : vector<16xi32> to vector<1x16xi32>
    tpu.vector_store %arg8[%swap3A_374, %swap3A_375], %swap3A_378 {strides = array<i32>} : memref<3x80xi32, #tpu.memory_space<vmem>>, vector<1x16xi32>,
    %shift_right_logical3A_379 = arith.constant 16 : i32
    %shift_right_logical3A_380 = vector.broadcast %shift_right_logical3A_379 : i32 to vector<16xi32>
    %shift_right_logical3A_381 = arith.shrui %get3A_369, %shift_right_logical3A_380 : vector<16xi32>
    %swap3A_382 = arith.constant 2 : i32
    %swap3A_383 = arith.index_cast %swap3A_382 : i32 to index
    %swap3A_384 = arith.constant 64 : index
    %swap3A_385 = tpu.vector_load %arg9[%swap3A_383, %swap3A_384] {strides = array<i32>} : memref<3x80xi32, #tpu.memory_space<vmem>>, vector<1x16xi32>,
    %swap3A_386 = vector.shape_cast %swap3A_385 : vector<1x16xi32> to vector<16xi32>
    %swap3A_387 = vector.shape_cast %shift_right_logical3A_381 : vector<16xi32> to vector<1x16xi32>
    tpu.vector_store %arg9[%swap3A_383, %swap3A_384], %swap3A_387 {strides = array<i32>} : memref<3x80xi32, #tpu.memory_space<vmem>>, vector<1x16xi32>,
    %dma_start3A_388 = arith.constant 2 : i32
    %dma_start3A_389 = arith.constant 2 : i32
    %dma_start3A_390 = arith.constant 0 : i32
    %dma_start3A_391 = arith.constant 0 : i32
    %dma_start3A_392 = tpu.memref_slice %arg10[%dma_start3A_389, %dma_start3A_390, %dma_start3A_391] : memref<3x80x128xf32, #tpu.memory_space<vmem>> -> memref<1x80x128xf32, #tpu.memory_space<vmem>>
    %dma_start3A_393 = tpu.memref_squeeze %dma_start3A_392 : memref<1x80x128xf32, #tpu.memory_space<vmem>> -> memref<80x128xf32, #tpu.memory_space<vmem>>
    %dma_start3A_394 = arith.constant 0 : i32
    %dma_start3A_395 = tpu.memref_slice %arg8[%dma_start3A_388, %dma_start3A_394] : memref<3x80xi32, #tpu.memory_space<vmem>> -> memref<1x80xi32, #tpu.memory_space<vmem>>
    %dma_start3A_396 = tpu.memref_squeeze %dma_start3A_395 : memref<1x80xi32, #tpu.memory_space<vmem>> -> memref<80xi32, #tpu.memory_space<vmem>>
    %dma_start3A_397 = arith.constant 0 : i32
    %dma_start3A_398 = arith.constant 0 : i32
    %dma_start3A_399 = tpu.memref_slice %arg2[%dma_start3A_397, %dma_start3A_398] : memref<10000x128xf32, #tpu.memory_space<hbm>> -> memref<10000x128xf32, #tpu.memory_space<hbm>>
    tpu.enqueue_indirect_dma source(%dma_start3A_399 : memref<10000x128xf32, #tpu.memory_space<hbm>>) target(%dma_start3A_393 : memref<80x128xf32, #tpu.memory_space<vmem>>) offsets(%dma_start3A_396 : memref<80xi32, #tpu.memory_space<vmem>>) semaphore(%arg11 : memref<!tpu.dma_semaphore, #tpu.memory_space<semaphore_mem>>)
    %barrier3A = arith.constant 0 : index
    tpu.barrier barrier_id(%barrier3A)
    %scan3A = arith.constant 0 : i32
    %scan3A_400 = arith.constant 0 : i32
    %scan3A_401 = arith.constant 41 : i32
    %scan3A_402 = arith.addi %scan3A_400, %scan3A_401 : i32
    %scan3A_403 = arith.constant 1 : i32
    scf.for %scan3A_443 = %scan3A_400 to %scan3A_402 step %scan3A_403  : i32 {
      %mul3A_444 = arith.constant 3 : i32
      %mul3A_445 = arith.muli %scan3A_443, %mul3A_444 : i32
      %add3A_446 = arith.constant 0 : i32
      %add3A_447 = arith.addi %mul3A_445, %add3A_446 : i32
      %dma_wait3A_448 = arith.constant 0 : i32
      %dma_wait3A_449 = arith.constant 0 : i32
      %dma_wait3A_450 = arith.constant 0 : i32
      %dma_wait3A_451 = arith.constant 0 : i32
      %dma_wait3A_452 = tpu.memref_slice %arg10[%dma_wait3A_449, %dma_wait3A_450, %dma_wait3A_451] : memref<3x80x128xf32, #tpu.memory_space<vmem>> -> memref<1x80x128xf32, #tpu.memory_space<vmem>>
      %dma_wait3A_453 = tpu.memref_squeeze %dma_wait3A_452 : memref<1x80x128xf32, #tpu.memory_space<vmem>> -> memref<80x128xf32, #tpu.memory_space<vmem>>
      %dma_wait3A_454 = arith.constant 0 : i32
      %dma_wait3A_455 = tpu.memref_slice %arg8[%dma_wait3A_448, %dma_wait3A_454] : memref<3x80xi32, #tpu.memory_space<vmem>> -> memref<1x80xi32, #tpu.memory_space<vmem>>
      %dma_wait3A_456 = tpu.memref_squeeze %dma_wait3A_455 : memref<1x80xi32, #tpu.memory_space<vmem>> -> memref<80xi32, #tpu.memory_space<vmem>>
      %dma_wait3A_457 = arith.constant 0 : i32
      %dma_wait3A_458 = arith.constant 0 : i32
      %dma_wait3A_459 = tpu.memref_slice %arg2[%dma_wait3A_457, %dma_wait3A_458] : memref<10000x128xf32, #tpu.memory_space<hbm>> -> memref<10000x128xf32, #tpu.memory_space<hbm>>
      tpu.wait_indirect_dma semaphore(%arg11 : memref<!tpu.dma_semaphore, #tpu.memory_space<semaphore_mem>>) src(%dma_wait3A_459 : memref<10000x128xf32, #tpu.memory_space<hbm>>) dst(%dma_wait3A_453 : memref<80x128xf32, #tpu.memory_space<vmem>>)
      %run_scoped3A_460 = arith.constant 0 : i32
      %run_scoped3A_461 = arith.constant 0 : i32
      "tpu.region"() ({
        %run_scoped3A_519 = tpu.sem_alloc : memref<!tpu.dma_semaphore, #tpu.memory_space<semaphore_mem>>
        %dma_start3A_520 = arith.constant 0 : i32
        %dma_start3A_521 = arith.constant 0 : i32
        %dma_start3A_522 = tpu.memref_slice %arg10[%run_scoped3A_460, %dma_start3A_520, %dma_start3A_521] : memref<3x80x128xf32, #tpu.memory_space<vmem>> -> memref<1x80x128xf32, #tpu.memory_space<vmem>>
        %dma_start3A_523 = tpu.memref_squeeze %dma_start3A_522 : memref<1x80x128xf32, #tpu.memory_space<vmem>> -> memref<80x128xf32, #tpu.memory_space<vmem>>
        %dma_start3A_524 = arith.constant 0 : i32
        %dma_start3A_525 = tpu.memref_slice %arg9[%run_scoped3A_461, %dma_start3A_524] : memref<3x80xi32, #tpu.memory_space<vmem>> -> memref<1x80xi32, #tpu.memory_space<vmem>>
        %dma_start3A_526 = tpu.memref_squeeze %dma_start3A_525 : memref<1x80xi32, #tpu.memory_space<vmem>> -> memref<80xi32, #tpu.memory_space<vmem>>
        %dma_start3A_527 = arith.constant 0 : i32
        %dma_start3A_528 = arith.constant 0 : i32
        %dma_start3A_529 = tpu.memref_slice %arg6[%dma_start3A_527, %dma_start3A_528] : memref<10112x128xf32, #tpu.memory_space<vmem_shared>> -> memref<10112x128xf32, #tpu.memory_space<vmem_shared>>
        tpu.enqueue_indirect_dma source(%dma_start3A_523 : memref<80x128xf32, #tpu.memory_space<vmem>>) target(%dma_start3A_529 : memref<10112x128xf32, #tpu.memory_space<vmem_shared>>) offsets(%dma_start3A_526 : memref<80xi32, #tpu.memory_space<vmem>>) semaphore(%run_scoped3A_519 : memref<!tpu.dma_semaphore, #tpu.memory_space<semaphore_mem>>) {add = true}
        %dma_wait3A_530 = arith.constant 0 : i32
        %dma_wait3A_531 = arith.constant 0 : i32
        %dma_wait3A_532 = tpu.memref_slice %arg10[%run_scoped3A_460, %dma_wait3A_530, %dma_wait3A_531] : memref<3x80x128xf32, #tpu.memory_space<vmem>> -> memref<1x80x128xf32, #tpu.memory_space<vmem>>
        %dma_wait3A_533 = tpu.memref_squeeze %dma_wait3A_532 : memref<1x80x128xf32, #tpu.memory_space<vmem>> -> memref<80x128xf32, #tpu.memory_space<vmem>>
        %dma_wait3A_534 = arith.constant 0 : i32
        %dma_wait3A_535 = tpu.memref_slice %arg9[%run_scoped3A_461, %dma_wait3A_534] : memref<3x80xi32, #tpu.memory_space<vmem>> -> memref<1x80xi32, #tpu.memory_space<vmem>>
        %dma_wait3A_536 = tpu.memref_squeeze %dma_wait3A_535 : memref<1x80xi32, #tpu.memory_space<vmem>> -> memref<80xi32, #tpu.memory_space<vmem>>
        %dma_wait3A_537 = arith.constant 0 : i32
        %dma_wait3A_538 = arith.constant 0 : i32
        %dma_wait3A_539 = tpu.memref_slice %arg6[%dma_wait3A_537, %dma_wait3A_538] : memref<10112x128xf32, #tpu.memory_space<vmem_shared>> -> memref<10112x128xf32, #tpu.memory_space<vmem_shared>>
        tpu.wait_indirect_dma semaphore(%run_scoped3A_519 : memref<!tpu.dma_semaphore, #tpu.memory_space<semaphore_mem>>) src(%dma_wait3A_533 : memref<80x128xf32, #tpu.memory_space<vmem>>) dst(%dma_wait3A_539 : memref<10112x128xf32, #tpu.memory_space<vmem_shared>>)
        tpu.yield
      }) : () -> ()
      %add3A_462 = arith.constant 3 : i32
      %add3A_463 = arith.addi %add3A_447, %add3A_462 : i32
      %lt3A_464 = arith.constant 125 : i32
      %lt3A_465 = arith.cmpi slt, %add3A_463, %lt3A_464 : i32
      %convert_element_type3A_466 = arith.extui %lt3A_465 : i1 to i32
      %cond3A_467 = arith.constant 0 : i32
      %cond3A_468 = arith.cmpi ne, %convert_element_type3A_466, %cond3A_467 : i32
      scf.if %cond3A_468 {
        %add3A_519 = arith.constant 3 : i32
        %add3A_520 = arith.addi %add3A_447, %add3A_519 : i32
        %get3A_521 = arith.index_cast %add3A_520 : i32 to index
        %get3A_522 = arith.constant 0 : index
        %get3A_523 = tpu.vector_load %arg7[%get3A_521, %get3A_522] {strides = array<i32>} : memref<125x80xi32, #tpu.memory_space<vmem>>, vector<1x16xi32>,
        %get3A_524 = vector.shape_cast %get3A_523 : vector<1x16xi32> to vector<16xi32>
        %and3A_525 = arith.constant 65535 : i32
        %and3A_526 = vector.broadcast %and3A_525 : i32 to vector<16xi32>
        %and3A_527 = arith.andi %get3A_524, %and3A_526 : vector<16xi32>
        %swap3A_528 = arith.constant 0 : i32
        %swap3A_529 = arith.index_cast %swap3A_528 : i32 to index
        %swap3A_530 = arith.constant 0 : index
        %swap3A_531 = tpu.vector_load %arg8[%swap3A_529, %swap3A_530] {strides = array<i32>} : memref<3x80xi32, #tpu.memory_space<vmem>>, vector<1x16xi32>,
        %swap3A_532 = vector.shape_cast %swap3A_531 : vector<1x16xi32> to vector<16xi32>
        %swap3A_533 = vector.shape_cast %and3A_527 : vector<16xi32> to vector<1x16xi32>
        tpu.vector_store %arg8[%swap3A_529, %swap3A_530], %swap3A_533 {strides = array<i32>} : memref<3x80xi32, #tpu.memory_space<vmem>>, vector<1x16xi32>,
        %shift_right_logical3A_534 = arith.constant 16 : i32
        %shift_right_logical3A_535 = vector.broadcast %shift_right_logical3A_534 : i32 to vector<16xi32>
        %shift_right_logical3A_536 = arith.shrui %get3A_524, %shift_right_logical3A_535 : vector<16xi32>
        %swap3A_537 = arith.constant 0 : i32
        %swap3A_538 = arith.index_cast %swap3A_537 : i32 to index
        %swap3A_539 = arith.constant 0 : index
        %swap3A_540 = tpu.vector_load %arg9[%swap3A_538, %swap3A_539] {strides = array<i32>} : memref<3x80xi32, #tpu.memory_space<vmem>>, vector<1x16xi32>,
        %swap3A_541 = vector.shape_cast %swap3A_540 : vector<1x16xi32> to vector<16xi32>
        %swap3A_542 = vector.shape_cast %shift_right_logical3A_536 : vector<16xi32> to vector<1x16xi32>
        tpu.vector_store %arg9[%swap3A_538, %swap3A_539], %swap3A_542 {strides = array<i32>} : memref<3x80xi32, #tpu.memory_space<vmem>>, vector<1x16xi32>,
        %get3A_543 = arith.index_cast %add3A_520 : i32 to index
        %get3A_544 = arith.constant 16 : index
        %get3A_545 = tpu.vector_load %arg7[%get3A_543, %get3A_544] {strides = array<i32>} : memref<125x80xi32, #tpu.memory_space<vmem>>, vector<1x16xi32>,
        %get3A_546 = vector.shape_cast %get3A_545 : vector<1x16xi32> to vector<16xi32>
        %and3A_547 = arith.constant 65535 : i32
        %and3A_548 = vector.broadcast %and3A_547 : i32 to vector<16xi32>
        %and3A_549 = arith.andi %get3A_546, %and3A_548 : vector<16xi32>
        %swap3A_550 = arith.constant 0 : i32
        %swap3A_551 = arith.index_cast %swap3A_550 : i32 to index
        %swap3A_552 = arith.constant 16 : index
        %swap3A_553 = tpu.vector_load %arg8[%swap3A_551, %swap3A_552] {strides = array<i32>} : memref<3x80xi32, #tpu.memory_space<vmem>>, vector<1x16xi32>,
        %swap3A_554 = vector.shape_cast %swap3A_553 : vector<1x16xi32> to vector<16xi32>
        %swap3A_555 = vector.shape_cast %and3A_549 : vector<16xi32> to vector<1x16xi32>
        tpu.vector_store %arg8[%swap3A_551, %swap3A_552], %swap3A_555 {strides = array<i32>} : memref<3x80xi32, #tpu.memory_space<vmem>>, vector<1x16xi32>,
        %shift_right_logical3A_556 = arith.constant 16 : i32
        %shift_right_logical3A_557 = vector.broadcast %shift_right_logical3A_556 : i32 to vector<16xi32>
        %shift_right_logical3A_558 = arith.shrui %get3A_546, %shift_right_logical3A_557 : vector<16xi32>
        %swap3A_559 = arith.constant 0 : i32
        %swap3A_560 = arith.index_cast %swap3A_559 : i32 to index
        %swap3A_561 = arith.constant 16 : index
        %swap3A_562 = tpu.vector_load %arg9[%swap3A_560, %swap3A_561] {strides = array<i32>} : memref<3x80xi32, #tpu.memory_space<vmem>>, vector<1x16xi32>,
        %swap3A_563 = vector.shape_cast %swap3A_562 : vector<1x16xi32> to vector<16xi32>
        %swap3A_564 = vector.shape_cast %shift_right_logical3A_558 : vector<16xi32> to vector<1x16xi32>
        tpu.vector_store %arg9[%swap3A_560, %swap3A_561], %swap3A_564 {strides = array<i32>} : memref<3x80xi32, #tpu.memory_space<vmem>>, vector<1x16xi32>,
        %get3A_565 = arith.index_cast %add3A_520 : i32 to index
        %get3A_566 = arith.constant 32 : index
        %get3A_567 = tpu.vector_load %arg7[%get3A_565, %get3A_566] {strides = array<i32>} : memref<125x80xi32, #tpu.memory_space<vmem>>, vector<1x16xi32>,
        %get3A_568 = vector.shape_cast %get3A_567 : vector<1x16xi32> to vector<16xi32>
        %and3A_569 = arith.constant 65535 : i32
        %and3A_570 = vector.broadcast %and3A_569 : i32 to vector<16xi32>
        %and3A_571 = arith.andi %get3A_568, %and3A_570 : vector<16xi32>
        %swap3A_572 = arith.constant 0 : i32
        %swap3A_573 = arith.index_cast %swap3A_572 : i32 to index
        %swap3A_574 = arith.constant 32 : index
        %swap3A_575 = tpu.vector_load %arg8[%swap3A_573, %swap3A_574] {strides = array<i32>} : memref<3x80xi32, #tpu.memory_space<vmem>>, vector<1x16xi32>,
        %swap3A_576 = vector.shape_cast %swap3A_575 : vector<1x16xi32> to vector<16xi32>
        %swap3A_577 = vector.shape_cast %and3A_571 : vector<16xi32> to vector<1x16xi32>
        tpu.vector_store %arg8[%swap3A_573, %swap3A_574], %swap3A_577 {strides = array<i32>} : memref<3x80xi32, #tpu.memory_space<vmem>>, vector<1x16xi32>,
        %shift_right_logical3A_578 = arith.constant 16 : i32
        %shift_right_logical3A_579 = vector.broadcast %shift_right_logical3A_578 : i32 to vector<16xi32>
        %shift_right_logical3A_580 = arith.shrui %get3A_568, %shift_right_logical3A_579 : vector<16xi32>
        %swap3A_581 = arith.constant 0 : i32
        %swap3A_582 = arith.index_cast %swap3A_581 : i32 to index
        %swap3A_583 = arith.constant 32 : index
        %swap3A_584 = tpu.vector_load %arg9[%swap3A_582, %swap3A_583] {strides = array<i32>} : memref<3x80xi32, #tpu.memory_space<vmem>>, vector<1x16xi32>,
        %swap3A_585 = vector.shape_cast %swap3A_584 : vector<1x16xi32> to vector<16xi32>
        %swap3A_586 = vector.shape_cast %shift_right_logical3A_580 : vector<16xi32> to vector<1x16xi32>
        tpu.vector_store %arg9[%swap3A_582, %swap3A_583], %swap3A_586 {strides = array<i32>} : memref<3x80xi32, #tpu.memory_space<vmem>>, vector<1x16xi32>,
        %get3A_587 = arith.index_cast %add3A_520 : i32 to index
        %get3A_588 = arith.constant 48 : index
        %get3A_589 = tpu.vector_load %arg7[%get3A_587, %get3A_588] {strides = array<i32>} : memref<125x80xi32, #tpu.memory_space<vmem>>, vector<1x16xi32>,
        %get3A_590 = vector.shape_cast %get3A_589 : vector<1x16xi32> to vector<16xi32>
        %and3A_591 = arith.constant 65535 : i32
        %and3A_592 = vector.broadcast %and3A_591 : i32 to vector<16xi32>
        %and3A_593 = arith.andi %get3A_590, %and3A_592 : vector<16xi32>
        %swap3A_594 = arith.constant 0 : i32
        %swap3A_595 = arith.index_cast %swap3A_594 : i32 to index
        %swap3A_596 = arith.constant 48 : index
        %swap3A_597 = tpu.vector_load %arg8[%swap3A_595, %swap3A_596] {strides = array<i32>} : memref<3x80xi32, #tpu.memory_space<vmem>>, vector<1x16xi32>,
        %swap3A_598 = vector.shape_cast %swap3A_597 : vector<1x16xi32> to vector<16xi32>
        %swap3A_599 = vector.shape_cast %and3A_593 : vector<16xi32> to vector<1x16xi32>
        tpu.vector_store %arg8[%swap3A_595, %swap3A_596], %swap3A_599 {strides = array<i32>} : memref<3x80xi32, #tpu.memory_space<vmem>>, vector<1x16xi32>,
        %shift_right_logical3A_600 = arith.constant 16 : i32
        %shift_right_logical3A_601 = vector.broadcast %shift_right_logical3A_600 : i32 to vector<16xi32>
        %shift_right_logical3A_602 = arith.shrui %get3A_590, %shift_right_logical3A_601 : vector<16xi32>
        %swap3A_603 = arith.constant 0 : i32
        %swap3A_604 = arith.index_cast %swap3A_603 : i32 to index
        %swap3A_605 = arith.constant 48 : index
        %swap3A_606 = tpu.vector_load %arg9[%swap3A_604, %swap3A_605] {strides = array<i32>} : memref<3x80xi32, #tpu.memory_space<vmem>>, vector<1x16xi32>,
        %swap3A_607 = vector.shape_cast %swap3A_606 : vector<1x16xi32> to vector<16xi32>
        %swap3A_608 = vector.shape_cast %shift_right_logical3A_602 : vector<16xi32> to vector<1x16xi32>
        tpu.vector_store %arg9[%swap3A_604, %swap3A_605], %swap3A_608 {strides = array<i32>} : memref<3x80xi32, #tpu.memory_space<vmem>>, vector<1x16xi32>,
        %get3A_609 = arith.index_cast %add3A_520 : i32 to index
        %get3A_610 = arith.constant 64 : index
        %get3A_611 = tpu.vector_load %arg7[%get3A_609, %get3A_610] {strides = array<i32>} : memref<125x80xi32, #tpu.memory_space<vmem>>, vector<1x16xi32>,
        %get3A_612 = vector.shape_cast %get3A_611 : vector<1x16xi32> to vector<16xi32>
        %and3A_613 = arith.constant 65535 : i32
        %and3A_614 = vector.broadcast %and3A_613 : i32 to vector<16xi32>
        %and3A_615 = arith.andi %get3A_612, %and3A_614 : vector<16xi32>
        %swap3A_616 = arith.constant 0 : i32
        %swap3A_617 = arith.index_cast %swap3A_616 : i32 to index
        %swap3A_618 = arith.constant 64 : index
        %swap3A_619 = tpu.vector_load %arg8[%swap3A_617, %swap3A_618] {strides = array<i32>} : memref<3x80xi32, #tpu.memory_space<vmem>>, vector<1x16xi32>,
        %swap3A_620 = vector.shape_cast %swap3A_619 : vector<1x16xi32> to vector<16xi32>
        %swap3A_621 = vector.shape_cast %and3A_615 : vector<16xi32> to vector<1x16xi32>
        tpu.vector_store %arg8[%swap3A_617, %swap3A_618], %swap3A_621 {strides = array<i32>} : memref<3x80xi32, #tpu.memory_space<vmem>>, vector<1x16xi32>,
        %shift_right_logical3A_622 = arith.constant 16 : i32
        %shift_right_logical3A_623 = vector.broadcast %shift_right_logical3A_622 : i32 to vector<16xi32>
        %shift_right_logical3A_624 = arith.shrui %get3A_612, %shift_right_logical3A_623 : vector<16xi32>
        %swap3A_625 = arith.constant 0 : i32
        %swap3A_626 = arith.index_cast %swap3A_625 : i32 to index
        %swap3A_627 = arith.constant 64 : index
        %swap3A_628 = tpu.vector_load %arg9[%swap3A_626, %swap3A_627] {strides = array<i32>} : memref<3x80xi32, #tpu.memory_space<vmem>>, vector<1x16xi32>,
        %swap3A_629 = vector.shape_cast %swap3A_628 : vector<1x16xi32> to vector<16xi32>
        %swap3A_630 = vector.shape_cast %shift_right_logical3A_624 : vector<16xi32> to vector<1x16xi32>
        tpu.vector_store %arg9[%swap3A_626, %swap3A_627], %swap3A_630 {strides = array<i32>} : memref<3x80xi32, #tpu.memory_space<vmem>>, vector<1x16xi32>,
        %dma_start3A_631 = arith.constant 0 : i32
        %dma_start3A_632 = arith.constant 0 : i32
        %dma_start3A_633 = arith.constant 0 : i32
        %dma_start3A_634 = arith.constant 0 : i32
        %dma_start3A_635 = tpu.memref_slice %arg10[%dma_start3A_632, %dma_start3A_633, %dma_start3A_634] : memref<3x80x128xf32, #tpu.memory_space<vmem>> -> memref<1x80x128xf32, #tpu.memory_space<vmem>>
        %dma_start3A_636 = tpu.memref_squeeze %dma_start3A_635 : memref<1x80x128xf32, #tpu.memory_space<vmem>> -> memref<80x128xf32, #tpu.memory_space<vmem>>
        %dma_start3A_637 = arith.constant 0 : i32
        %dma_start3A_638 = tpu.memref_slice %arg8[%dma_start3A_631, %dma_start3A_637] : memref<3x80xi32, #tpu.memory_space<vmem>> -> memref<1x80xi32, #tpu.memory_space<vmem>>
        %dma_start3A_639 = tpu.memref_squeeze %dma_start3A_638 : memref<1x80xi32, #tpu.memory_space<vmem>> -> memref<80xi32, #tpu.memory_space<vmem>>
        %dma_start3A_640 = arith.constant 0 : i32
        %dma_start3A_641 = arith.constant 0 : i32
        %dma_start3A_642 = tpu.memref_slice %arg2[%dma_start3A_640, %dma_start3A_641] : memref<10000x128xf32, #tpu.memory_space<hbm>> -> memref<10000x128xf32, #tpu.memory_space<hbm>>
        tpu.enqueue_indirect_dma source(%dma_start3A_642 : memref<10000x128xf32, #tpu.memory_space<hbm>>) target(%dma_start3A_636 : memref<80x128xf32, #tpu.memory_space<vmem>>) offsets(%dma_start3A_639 : memref<80xi32, #tpu.memory_space<vmem>>) semaphore(%arg11 : memref<!tpu.dma_semaphore, #tpu.memory_space<semaphore_mem>>)
      } else {
      }
      %mul3A_469 = arith.constant 3 : i32
      %mul3A_470 = arith.muli %scan3A_443, %mul3A_469 : i32
      %add3A_471 = arith.constant 1 : i32
      %add3A_472 = arith.addi %mul3A_470, %add3A_471 : i32
      %dma_wait3A_473 = arith.constant 1 : i32
      %dma_wait3A_474 = arith.constant 1 : i32
      %dma_wait3A_475 = arith.constant 0 : i32
      %dma_wait3A_476 = arith.constant 0 : i32
      %dma_wait3A_477 = tpu.memref_slice %arg10[%dma_wait3A_474, %dma_wait3A_475, %dma_wait3A_476] : memref<3x80x128xf32, #tpu.memory_space<vmem>> -> memref<1x80x128xf32, #tpu.memory_space<vmem>>
      %dma_wait3A_478 = tpu.memref_squeeze %dma_wait3A_477 : memref<1x80x128xf32, #tpu.memory_space<vmem>> -> memref<80x128xf32, #tpu.memory_space<vmem>>
      %dma_wait3A_479 = arith.constant 0 : i32
      %dma_wait3A_480 = tpu.memref_slice %arg8[%dma_wait3A_473, %dma_wait3A_479] : memref<3x80xi32, #tpu.memory_space<vmem>> -> memref<1x80xi32, #tpu.memory_space<vmem>>
      %dma_wait3A_481 = tpu.memref_squeeze %dma_wait3A_480 : memref<1x80xi32, #tpu.memory_space<vmem>> -> memref<80xi32, #tpu.memory_space<vmem>>
      %dma_wait3A_482 = arith.constant 0 : i32
      %dma_wait3A_483 = arith.constant 0 : i32
      %dma_wait3A_484 = tpu.memref_slice %arg2[%dma_wait3A_482, %dma_wait3A_483] : memref<10000x128xf32, #tpu.memory_space<hbm>> -> memref<10000x128xf32, #tpu.memory_space<hbm>>
      tpu.wait_indirect_dma semaphore(%arg11 : memref<!tpu.dma_semaphore, #tpu.memory_space<semaphore_mem>>) src(%dma_wait3A_484 : memref<10000x128xf32, #tpu.memory_space<hbm>>) dst(%dma_wait3A_478 : memref<80x128xf32, #tpu.memory_space<vmem>>)
      %run_scoped3A_485 = arith.constant 1 : i32
      %run_scoped3A_486 = arith.constant 1 : i32
      "tpu.region"() ({
        %run_scoped3A_519 = tpu.sem_alloc : memref<!tpu.dma_semaphore, #tpu.memory_space<semaphore_mem>>
        %dma_start3A_520 = arith.constant 0 : i32
        %dma_start3A_521 = arith.constant 0 : i32
        %dma_start3A_522 = tpu.memref_slice %arg10[%run_scoped3A_485, %dma_start3A_520, %dma_start3A_521] : memref<3x80x128xf32, #tpu.memory_space<vmem>> -> memref<1x80x128xf32, #tpu.memory_space<vmem>>
        %dma_start3A_523 = tpu.memref_squeeze %dma_start3A_522 : memref<1x80x128xf32, #tpu.memory_space<vmem>> -> memref<80x128xf32, #tpu.memory_space<vmem>>
        %dma_start3A_524 = arith.constant 0 : i32
        %dma_start3A_525 = tpu.memref_slice %arg9[%run_scoped3A_486, %dma_start3A_524] : memref<3x80xi32, #tpu.memory_space<vmem>> -> memref<1x80xi32, #tpu.memory_space<vmem>>
        %dma_start3A_526 = tpu.memref_squeeze %dma_start3A_525 : memref<1x80xi32, #tpu.memory_space<vmem>> -> memref<80xi32, #tpu.memory_space<vmem>>
        %dma_start3A_527 = arith.constant 0 : i32
        %dma_start3A_528 = arith.constant 0 : i32
        %dma_start3A_529 = tpu.memref_slice %arg6[%dma_start3A_527, %dma_start3A_528] : memref<10112x128xf32, #tpu.memory_space<vmem_shared>> -> memref<10112x128xf32, #tpu.memory_space<vmem_shared>>
        tpu.enqueue_indirect_dma source(%dma_start3A_523 : memref<80x128xf32, #tpu.memory_space<vmem>>) target(%dma_start3A_529 : memref<10112x128xf32, #tpu.memory_space<vmem_shared>>) offsets(%dma_start3A_526 : memref<80xi32, #tpu.memory_space<vmem>>) semaphore(%run_scoped3A_519 : memref<!tpu.dma_semaphore, #tpu.memory_space<semaphore_mem>>) {add = true}
        %dma_wait3A_530 = arith.constant 0 : i32
        %dma_wait3A_531 = arith.constant 0 : i32
        %dma_wait3A_532 = tpu.memref_slice %arg10[%run_scoped3A_485, %dma_wait3A_530, %dma_wait3A_531] : memref<3x80x128xf32, #tpu.memory_space<vmem>> -> memref<1x80x128xf32, #tpu.memory_space<vmem>>
        %dma_wait3A_533 = tpu.memref_squeeze %dma_wait3A_532 : memref<1x80x128xf32, #tpu.memory_space<vmem>> -> memref<80x128xf32, #tpu.memory_space<vmem>>
        %dma_wait3A_534 = arith.constant 0 : i32
        %dma_wait3A_535 = tpu.memref_slice %arg9[%run_scoped3A_486, %dma_wait3A_534] : memref<3x80xi32, #tpu.memory_space<vmem>> -> memref<1x80xi32, #tpu.memory_space<vmem>>
        %dma_wait3A_536 = tpu.memref_squeeze %dma_wait3A_535 : memref<1x80xi32, #tpu.memory_space<vmem>> -> memref<80xi32, #tpu.memory_space<vmem>>
        %dma_wait3A_537 = arith.constant 0 : i32
        %dma_wait3A_538 = arith.constant 0 : i32
        %dma_wait3A_539 = tpu.memref_slice %arg6[%dma_wait3A_537, %dma_wait3A_538] : memref<10112x128xf32, #tpu.memory_space<vmem_shared>> -> memref<10112x128xf32, #tpu.memory_space<vmem_shared>>
        tpu.wait_indirect_dma semaphore(%run_scoped3A_519 : memref<!tpu.dma_semaphore, #tpu.memory_space<semaphore_mem>>) src(%dma_wait3A_533 : memref<80x128xf32, #tpu.memory_space<vmem>>) dst(%dma_wait3A_539 : memref<10112x128xf32, #tpu.memory_space<vmem_shared>>)
        tpu.yield
      }) : () -> ()
      %add3A_487 = arith.constant 3 : i32
      %add3A_488 = arith.addi %add3A_472, %add3A_487 : i32
      %lt3A_489 = arith.constant 125 : i32
      %lt3A_490 = arith.cmpi slt, %add3A_488, %lt3A_489 : i32
      %convert_element_type3A_491 = arith.extui %lt3A_490 : i1 to i32
      %cond3A_492 = arith.constant 0 : i32
      %cond3A_493 = arith.cmpi ne, %convert_element_type3A_491, %cond3A_492 : i32
      scf.if %cond3A_493 {
        %add3A_519 = arith.constant 3 : i32
        %add3A_520 = arith.addi %add3A_472, %add3A_519 : i32
        %get3A_521 = arith.index_cast %add3A_520 : i32 to index
        %get3A_522 = arith.constant 0 : index
        %get3A_523 = tpu.vector_load %arg7[%get3A_521, %get3A_522] {strides = array<i32>} : memref<125x80xi32, #tpu.memory_space<vmem>>, vector<1x16xi32>,
        %get3A_524 = vector.shape_cast %get3A_523 : vector<1x16xi32> to vector<16xi32>
        %and3A_525 = arith.constant 65535 : i32
        %and3A_526 = vector.broadcast %and3A_525 : i32 to vector<16xi32>
        %and3A_527 = arith.andi %get3A_524, %and3A_526 : vector<16xi32>
        %swap3A_528 = arith.constant 1 : i32
        %swap3A_529 = arith.index_cast %swap3A_528 : i32 to index
        %swap3A_530 = arith.constant 0 : index
        %swap3A_531 = tpu.vector_load %arg8[%swap3A_529, %swap3A_530] {strides = array<i32>} : memref<3x80xi32, #tpu.memory_space<vmem>>, vector<1x16xi32>,
        %swap3A_532 = vector.shape_cast %swap3A_531 : vector<1x16xi32> to vector<16xi32>
        %swap3A_533 = vector.shape_cast %and3A_527 : vector<16xi32> to vector<1x16xi32>
        tpu.vector_store %arg8[%swap3A_529, %swap3A_530], %swap3A_533 {strides = array<i32>} : memref<3x80xi32, #tpu.memory_space<vmem>>, vector<1x16xi32>,
        %shift_right_logical3A_534 = arith.constant 16 : i32
        %shift_right_logical3A_535 = vector.broadcast %shift_right_logical3A_534 : i32 to vector<16xi32>
        %shift_right_logical3A_536 = arith.shrui %get3A_524, %shift_right_logical3A_535 : vector<16xi32>
        %swap3A_537 = arith.constant 1 : i32
        %swap3A_538 = arith.index_cast %swap3A_537 : i32 to index
        %swap3A_539 = arith.constant 0 : index
        %swap3A_540 = tpu.vector_load %arg9[%swap3A_538, %swap3A_539] {strides = array<i32>} : memref<3x80xi32, #tpu.memory_space<vmem>>, vector<1x16xi32>,
        %swap3A_541 = vector.shape_cast %swap3A_540 : vector<1x16xi32> to vector<16xi32>
        %swap3A_542 = vector.shape_cast %shift_right_logical3A_536 : vector<16xi32> to vector<1x16xi32>
        tpu.vector_store %arg9[%swap3A_538, %swap3A_539], %swap3A_542 {strides = array<i32>} : memref<3x80xi32, #tpu.memory_space<vmem>>, vector<1x16xi32>,
        %get3A_543 = arith.index_cast %add3A_520 : i32 to index
        %get3A_544 = arith.constant 16 : index
        %get3A_545 = tpu.vector_load %arg7[%get3A_543, %get3A_544] {strides = array<i32>} : memref<125x80xi32, #tpu.memory_space<vmem>>, vector<1x16xi32>,
        %get3A_546 = vector.shape_cast %get3A_545 : vector<1x16xi32> to vector<16xi32>
        %and3A_547 = arith.constant 65535 : i32
        %and3A_548 = vector.broadcast %and3A_547 : i32 to vector<16xi32>
        %and3A_549 = arith.andi %get3A_546, %and3A_548 : vector<16xi32>
        %swap3A_550 = arith.constant 1 : i32
        %swap3A_551 = arith.index_cast %swap3A_550 : i32 to index
        %swap3A_552 = arith.constant 16 : index
        %swap3A_553 = tpu.vector_load %arg8[%swap3A_551, %swap3A_552] {strides = array<i32>} : memref<3x80xi32, #tpu.memory_space<vmem>>, vector<1x16xi32>,
        %swap3A_554 = vector.shape_cast %swap3A_553 : vector<1x16xi32> to vector<16xi32>
        %swap3A_555 = vector.shape_cast %and3A_549 : vector<16xi32> to vector<1x16xi32>
        tpu.vector_store %arg8[%swap3A_551, %swap3A_552], %swap3A_555 {strides = array<i32>} : memref<3x80xi32, #tpu.memory_space<vmem>>, vector<1x16xi32>,
        %shift_right_logical3A_556 = arith.constant 16 : i32
        %shift_right_logical3A_557 = vector.broadcast %shift_right_logical3A_556 : i32 to vector<16xi32>
        %shift_right_logical3A_558 = arith.shrui %get3A_546, %shift_right_logical3A_557 : vector<16xi32>
        %swap3A_559 = arith.constant 1 : i32
        %swap3A_560 = arith.index_cast %swap3A_559 : i32 to index
        %swap3A_561 = arith.constant 16 : index
        %swap3A_562 = tpu.vector_load %arg9[%swap3A_560, %swap3A_561] {strides = array<i32>} : memref<3x80xi32, #tpu.memory_space<vmem>>, vector<1x16xi32>,
        %swap3A_563 = vector.shape_cast %swap3A_562 : vector<1x16xi32> to vector<16xi32>
        %swap3A_564 = vector.shape_cast %shift_right_logical3A_558 : vector<16xi32> to vector<1x16xi32>
        tpu.vector_store %arg9[%swap3A_560, %swap3A_561], %swap3A_564 {strides = array<i32>} : memref<3x80xi32, #tpu.memory_space<vmem>>, vector<1x16xi32>,
        %get3A_565 = arith.index_cast %add3A_520 : i32 to index
        %get3A_566 = arith.constant 32 : index
        %get3A_567 = tpu.vector_load %arg7[%get3A_565, %get3A_566] {strides = array<i32>} : memref<125x80xi32, #tpu.memory_space<vmem>>, vector<1x16xi32>,
        %get3A_568 = vector.shape_cast %get3A_567 : vector<1x16xi32> to vector<16xi32>
        %and3A_569 = arith.constant 65535 : i32
        %and3A_570 = vector.broadcast %and3A_569 : i32 to vector<16xi32>
        %and3A_571 = arith.andi %get3A_568, %and3A_570 : vector<16xi32>
        %swap3A_572 = arith.constant 1 : i32
        %swap3A_573 = arith.index_cast %swap3A_572 : i32 to index
        %swap3A_574 = arith.constant 32 : index
        %swap3A_575 = tpu.vector_load %arg8[%swap3A_573, %swap3A_574] {strides = array<i32>} : memref<3x80xi32, #tpu.memory_space<vmem>>, vector<1x16xi32>,
        %swap3A_576 = vector.shape_cast %swap3A_575 : vector<1x16xi32> to vector<16xi32>
        %swap3A_577 = vector.shape_cast %and3A_571 : vector<16xi32> to vector<1x16xi32>
        tpu.vector_store %arg8[%swap3A_573, %swap3A_574], %swap3A_577 {strides = array<i32>} : memref<3x80xi32, #tpu.memory_space<vmem>>, vector<1x16xi32>,
        %shift_right_logical3A_578 = arith.constant 16 : i32
        %shift_right_logical3A_579 = vector.broadcast %shift_right_logical3A_578 : i32 to vector<16xi32>
        %shift_right_logical3A_580 = arith.shrui %get3A_568, %shift_right_logical3A_579 : vector<16xi32>
        %swap3A_581 = arith.constant 1 : i32
        %swap3A_582 = arith.index_cast %swap3A_581 : i32 to index
        %swap3A_583 = arith.constant 32 : index
        %swap3A_584 = tpu.vector_load %arg9[%swap3A_582, %swap3A_583] {strides = array<i32>} : memref<3x80xi32, #tpu.memory_space<vmem>>, vector<1x16xi32>,
        %swap3A_585 = vector.shape_cast %swap3A_584 : vector<1x16xi32> to vector<16xi32>
        %swap3A_586 = vector.shape_cast %shift_right_logical3A_580 : vector<16xi32> to vector<1x16xi32>
        tpu.vector_store %arg9[%swap3A_582, %swap3A_583], %swap3A_586 {strides = array<i32>} : memref<3x80xi32, #tpu.memory_space<vmem>>, vector<1x16xi32>,
        %get3A_587 = arith.index_cast %add3A_520 : i32 to index
        %get3A_588 = arith.constant 48 : index
        %get3A_589 = tpu.vector_load %arg7[%get3A_587, %get3A_588] {strides = array<i32>} : memref<125x80xi32, #tpu.memory_space<vmem>>, vector<1x16xi32>,
        %get3A_590 = vector.shape_cast %get3A_589 : vector<1x16xi32> to vector<16xi32>
        %and3A_591 = arith.constant 65535 : i32
        %and3A_592 = vector.broadcast %and3A_591 : i32 to vector<16xi32>
        %and3A_593 = arith.andi %get3A_590, %and3A_592 : vector<16xi32>
        %swap3A_594 = arith.constant 1 : i32
        %swap3A_595 = arith.index_cast %swap3A_594 : i32 to index
        %swap3A_596 = arith.constant 48 : index
        %swap3A_597 = tpu.vector_load %arg8[%swap3A_595, %swap3A_596] {strides = array<i32>} : memref<3x80xi32, #tpu.memory_space<vmem>>, vector<1x16xi32>,
        %swap3A_598 = vector.shape_cast %swap3A_597 : vector<1x16xi32> to vector<16xi32>
        %swap3A_599 = vector.shape_cast %and3A_593 : vector<16xi32> to vector<1x16xi32>
        tpu.vector_store %arg8[%swap3A_595, %swap3A_596], %swap3A_599 {strides = array<i32>} : memref<3x80xi32, #tpu.memory_space<vmem>>, vector<1x16xi32>,
        %shift_right_logical3A_600 = arith.constant 16 : i32
        %shift_right_logical3A_601 = vector.broadcast %shift_right_logical3A_600 : i32 to vector<16xi32>
        %shift_right_logical3A_602 = arith.shrui %get3A_590, %shift_right_logical3A_601 : vector<16xi32>
        %swap3A_603 = arith.constant 1 : i32
        %swap3A_604 = arith.index_cast %swap3A_603 : i32 to index
        %swap3A_605 = arith.constant 48 : index
        %swap3A_606 = tpu.vector_load %arg9[%swap3A_604, %swap3A_605] {strides = array<i32>} : memref<3x80xi32, #tpu.memory_space<vmem>>, vector<1x16xi32>,
        %swap3A_607 = vector.shape_cast %swap3A_606 : vector<1x16xi32> to vector<16xi32>
        %swap3A_608 = vector.shape_cast %shift_right_logical3A_602 : vector<16xi32> to vector<1x16xi32>
        tpu.vector_store %arg9[%swap3A_604, %swap3A_605], %swap3A_608 {strides = array<i32>} : memref<3x80xi32, #tpu.memory_space<vmem>>, vector<1x16xi32>,
        %get3A_609 = arith.index_cast %add3A_520 : i32 to index
        %get3A_610 = arith.constant 64 : index
        %get3A_611 = tpu.vector_load %arg7[%get3A_609, %get3A_610] {strides = array<i32>} : memref<125x80xi32, #tpu.memory_space<vmem>>, vector<1x16xi32>,
        %get3A_612 = vector.shape_cast %get3A_611 : vector<1x16xi32> to vector<16xi32>
        %and3A_613 = arith.constant 65535 : i32
        %and3A_614 = vector.broadcast %and3A_613 : i32 to vector<16xi32>
        %and3A_615 = arith.andi %get3A_612, %and3A_614 : vector<16xi32>
        %swap3A_616 = arith.constant 1 : i32
        %swap3A_617 = arith.index_cast %swap3A_616 : i32 to index
        %swap3A_618 = arith.constant 64 : index
        %swap3A_619 = tpu.vector_load %arg8[%swap3A_617, %swap3A_618] {strides = array<i32>} : memref<3x80xi32, #tpu.memory_space<vmem>>, vector<1x16xi32>,
        %swap3A_620 = vector.shape_cast %swap3A_619 : vector<1x16xi32> to vector<16xi32>
        %swap3A_621 = vector.shape_cast %and3A_615 : vector<16xi32> to vector<1x16xi32>
        tpu.vector_store %arg8[%swap3A_617, %swap3A_618], %swap3A_621 {strides = array<i32>} : memref<3x80xi32, #tpu.memory_space<vmem>>, vector<1x16xi32>,
        %shift_right_logical3A_622 = arith.constant 16 : i32
        %shift_right_logical3A_623 = vector.broadcast %shift_right_logical3A_622 : i32 to vector<16xi32>
        %shift_right_logical3A_624 = arith.shrui %get3A_612, %shift_right_logical3A_623 : vector<16xi32>
        %swap3A_625 = arith.constant 1 : i32
        %swap3A_626 = arith.index_cast %swap3A_625 : i32 to index
        %swap3A_627 = arith.constant 64 : index
        %swap3A_628 = tpu.vector_load %arg9[%swap3A_626, %swap3A_627] {strides = array<i32>} : memref<3x80xi32, #tpu.memory_space<vmem>>, vector<1x16xi32>,
        %swap3A_629 = vector.shape_cast %swap3A_628 : vector<1x16xi32> to vector<16xi32>
        %swap3A_630 = vector.shape_cast %shift_right_logical3A_624 : vector<16xi32> to vector<1x16xi32>
        tpu.vector_store %arg9[%swap3A_626, %swap3A_627], %swap3A_630 {strides = array<i32>} : memref<3x80xi32, #tpu.memory_space<vmem>>, vector<1x16xi32>,
        %dma_start3A_631 = arith.constant 1 : i32
        %dma_start3A_632 = arith.constant 1 : i32
        %dma_start3A_633 = arith.constant 0 : i32
        %dma_start3A_634 = arith.constant 0 : i32
        %dma_start3A_635 = tpu.memref_slice %arg10[%dma_start3A_632, %dma_start3A_633, %dma_start3A_634] : memref<3x80x128xf32, #tpu.memory_space<vmem>> -> memref<1x80x128xf32, #tpu.memory_space<vmem>>
        %dma_start3A_636 = tpu.memref_squeeze %dma_start3A_635 : memref<1x80x128xf32, #tpu.memory_space<vmem>> -> memref<80x128xf32, #tpu.memory_space<vmem>>
        %dma_start3A_637 = arith.constant 0 : i32
        %dma_start3A_638 = tpu.memref_slice %arg8[%dma_start3A_631, %dma_start3A_637] : memref<3x80xi32, #tpu.memory_space<vmem>> -> memref<1x80xi32, #tpu.memory_space<vmem>>
        %dma_start3A_639 = tpu.memref_squeeze %dma_start3A_638 : memref<1x80xi32, #tpu.memory_space<vmem>> -> memref<80xi32, #tpu.memory_space<vmem>>
        %dma_start3A_640 = arith.constant 0 : i32
        %dma_start3A_641 = arith.constant 0 : i32
        %dma_start3A_642 = tpu.memref_slice %arg2[%dma_start3A_640, %dma_start3A_641] : memref<10000x128xf32, #tpu.memory_space<hbm>> -> memref<10000x128xf32, #tpu.memory_space<hbm>>
        tpu.enqueue_indirect_dma source(%dma_start3A_642 : memref<10000x128xf32, #tpu.memory_space<hbm>>) target(%dma_start3A_636 : memref<80x128xf32, #tpu.memory_space<vmem>>) offsets(%dma_start3A_639 : memref<80xi32, #tpu.memory_space<vmem>>) semaphore(%arg11 : memref<!tpu.dma_semaphore, #tpu.memory_space<semaphore_mem>>)
      } else {
      }
      %mul3A_494 = arith.constant 3 : i32
      %mul3A_495 = arith.muli %scan3A_443, %mul3A_494 : i32
      %add3A_496 = arith.constant 2 : i32
      %add3A_497 = arith.addi %mul3A_495, %add3A_496 : i32
      %dma_wait3A_498 = arith.constant 2 : i32
      %dma_wait3A_499 = arith.constant 2 : i32
      %dma_wait3A_500 = arith.constant 0 : i32
      %dma_wait3A_501 = arith.constant 0 : i32
      %dma_wait3A_502 = tpu.memref_slice %arg10[%dma_wait3A_499, %dma_wait3A_500, %dma_wait3A_501] : memref<3x80x128xf32, #tpu.memory_space<vmem>> -> memref<1x80x128xf32, #tpu.memory_space<vmem>>
      %dma_wait3A_503 = tpu.memref_squeeze %dma_wait3A_502 : memref<1x80x128xf32, #tpu.memory_space<vmem>> -> memref<80x128xf32, #tpu.memory_space<vmem>>
      %dma_wait3A_504 = arith.constant 0 : i32
      %dma_wait3A_505 = tpu.memref_slice %arg8[%dma_wait3A_498, %dma_wait3A_504] : memref<3x80xi32, #tpu.memory_space<vmem>> -> memref<1x80xi32, #tpu.memory_space<vmem>>
      %dma_wait3A_506 = tpu.memref_squeeze %dma_wait3A_505 : memref<1x80xi32, #tpu.memory_space<vmem>> -> memref<80xi32, #tpu.memory_space<vmem>>
      %dma_wait3A_507 = arith.constant 0 : i32
      %dma_wait3A_508 = arith.constant 0 : i32
      %dma_wait3A_509 = tpu.memref_slice %arg2[%dma_wait3A_507, %dma_wait3A_508] : memref<10000x128xf32, #tpu.memory_space<hbm>> -> memref<10000x128xf32, #tpu.memory_space<hbm>>
      tpu.wait_indirect_dma semaphore(%arg11 : memref<!tpu.dma_semaphore, #tpu.memory_space<semaphore_mem>>) src(%dma_wait3A_509 : memref<10000x128xf32, #tpu.memory_space<hbm>>) dst(%dma_wait3A_503 : memref<80x128xf32, #tpu.memory_space<vmem>>)
      %run_scoped3A_510 = arith.constant 2 : i32
      %run_scoped3A_511 = arith.constant 2 : i32
      "tpu.region"() ({
        %run_scoped3A_519 = tpu.sem_alloc : memref<!tpu.dma_semaphore, #tpu.memory_space<semaphore_mem>>
        %dma_start3A_520 = arith.constant 0 : i32
        %dma_start3A_521 = arith.constant 0 : i32
        %dma_start3A_522 = tpu.memref_slice %arg10[%run_scoped3A_510, %dma_start3A_520, %dma_start3A_521] : memref<3x80x128xf32, #tpu.memory_space<vmem>> -> memref<1x80x128xf32, #tpu.memory_space<vmem>>
        %dma_start3A_523 = tpu.memref_squeeze %dma_start3A_522 : memref<1x80x128xf32, #tpu.memory_space<vmem>> -> memref<80x128xf32, #tpu.memory_space<vmem>>
        %dma_start3A_524 = arith.constant 0 : i32
        %dma_start3A_525 = tpu.memref_slice %arg9[%run_scoped3A_511, %dma_start3A_524] : memref<3x80xi32, #tpu.memory_space<vmem>> -> memref<1x80xi32, #tpu.memory_space<vmem>>
        %dma_start3A_526 = tpu.memref_squeeze %dma_start3A_525 : memref<1x80xi32, #tpu.memory_space<vmem>> -> memref<80xi32, #tpu.memory_space<vmem>>
        %dma_start3A_527 = arith.constant 0 : i32
        %dma_start3A_528 = arith.constant 0 : i32
        %dma_start3A_529 = tpu.memref_slice %arg6[%dma_start3A_527, %dma_start3A_528] : memref<10112x128xf32, #tpu.memory_space<vmem_shared>> -> memref<10112x128xf32, #tpu.memory_space<vmem_shared>>
        tpu.enqueue_indirect_dma source(%dma_start3A_523 : memref<80x128xf32, #tpu.memory_space<vmem>>) target(%dma_start3A_529 : memref<10112x128xf32, #tpu.memory_space<vmem_shared>>) offsets(%dma_start3A_526 : memref<80xi32, #tpu.memory_space<vmem>>) semaphore(%run_scoped3A_519 : memref<!tpu.dma_semaphore, #tpu.memory_space<semaphore_mem>>) {add = true}
        %dma_wait3A_530 = arith.constant 0 : i32
        %dma_wait3A_531 = arith.constant 0 : i32
        %dma_wait3A_532 = tpu.memref_slice %arg10[%run_scoped3A_510, %dma_wait3A_530, %dma_wait3A_531] : memref<3x80x128xf32, #tpu.memory_space<vmem>> -> memref<1x80x128xf32, #tpu.memory_space<vmem>>
        %dma_wait3A_533 = tpu.memref_squeeze %dma_wait3A_532 : memref<1x80x128xf32, #tpu.memory_space<vmem>> -> memref<80x128xf32, #tpu.memory_space<vmem>>
        %dma_wait3A_534 = arith.constant 0 : i32
        %dma_wait3A_535 = tpu.memref_slice %arg9[%run_scoped3A_511, %dma_wait3A_534] : memref<3x80xi32, #tpu.memory_space<vmem>> -> memref<1x80xi32, #tpu.memory_space<vmem>>
        %dma_wait3A_536 = tpu.memref_squeeze %dma_wait3A_535 : memref<1x80xi32, #tpu.memory_space<vmem>> -> memref<80xi32, #tpu.memory_space<vmem>>
        %dma_wait3A_537 = arith.constant 0 : i32
        %dma_wait3A_538 = arith.constant 0 : i32
        %dma_wait3A_539 = tpu.memref_slice %arg6[%dma_wait3A_537, %dma_wait3A_538] : memref<10112x128xf32, #tpu.memory_space<vmem_shared>> -> memref<10112x128xf32, #tpu.memory_space<vmem_shared>>
        tpu.wait_indirect_dma semaphore(%run_scoped3A_519 : memref<!tpu.dma_semaphore, #tpu.memory_space<semaphore_mem>>) src(%dma_wait3A_533 : memref<80x128xf32, #tpu.memory_space<vmem>>) dst(%dma_wait3A_539 : memref<10112x128xf32, #tpu.memory_space<vmem_shared>>)
        tpu.yield
      }) : () -> ()
      %add3A_512 = arith.constant 3 : i32
      %add3A_513 = arith.addi %add3A_497, %add3A_512 : i32
      %lt3A_514 = arith.constant 125 : i32
      %lt3A_515 = arith.cmpi slt, %add3A_513, %lt3A_514 : i32
      %convert_element_type3A_516 = arith.extui %lt3A_515 : i1 to i32
      %cond3A_517 = arith.constant 0 : i32
      %cond3A_518 = arith.cmpi ne, %convert_element_type3A_516, %cond3A_517 : i32
      scf.if %cond3A_518 {
        %add3A_519 = arith.constant 3 : i32
        %add3A_520 = arith.addi %add3A_497, %add3A_519 : i32
        %get3A_521 = arith.index_cast %add3A_520 : i32 to index
        %get3A_522 = arith.constant 0 : index
        %get3A_523 = tpu.vector_load %arg7[%get3A_521, %get3A_522] {strides = array<i32>} : memref<125x80xi32, #tpu.memory_space<vmem>>, vector<1x16xi32>,
        %get3A_524 = vector.shape_cast %get3A_523 : vector<1x16xi32> to vector<16xi32>
        %and3A_525 = arith.constant 65535 : i32
        %and3A_526 = vector.broadcast %and3A_525 : i32 to vector<16xi32>
        %and3A_527 = arith.andi %get3A_524, %and3A_526 : vector<16xi32>
        %swap3A_528 = arith.constant 2 : i32
        %swap3A_529 = arith.index_cast %swap3A_528 : i32 to index
        %swap3A_530 = arith.constant 0 : index
        %swap3A_531 = tpu.vector_load %arg8[%swap3A_529, %swap3A_530] {strides = array<i32>} : memref<3x80xi32, #tpu.memory_space<vmem>>, vector<1x16xi32>,
        %swap3A_532 = vector.shape_cast %swap3A_531 : vector<1x16xi32> to vector<16xi32>
        %swap3A_533 = vector.shape_cast %and3A_527 : vector<16xi32> to vector<1x16xi32>
        tpu.vector_store %arg8[%swap3A_529, %swap3A_530], %swap3A_533 {strides = array<i32>} : memref<3x80xi32, #tpu.memory_space<vmem>>, vector<1x16xi32>,
        %shift_right_logical3A_534 = arith.constant 16 : i32
        %shift_right_logical3A_535 = vector.broadcast %shift_right_logical3A_534 : i32 to vector<16xi32>
        %shift_right_logical3A_536 = arith.shrui %get3A_524, %shift_right_logical3A_535 : vector<16xi32>
        %swap3A_537 = arith.constant 2 : i32
        %swap3A_538 = arith.index_cast %swap3A_537 : i32 to index
        %swap3A_539 = arith.constant 0 : index
        %swap3A_540 = tpu.vector_load %arg9[%swap3A_538, %swap3A_539] {strides = array<i32>} : memref<3x80xi32, #tpu.memory_space<vmem>>, vector<1x16xi32>,
        %swap3A_541 = vector.shape_cast %swap3A_540 : vector<1x16xi32> to vector<16xi32>
        %swap3A_542 = vector.shape_cast %shift_right_logical3A_536 : vector<16xi32> to vector<1x16xi32>
        tpu.vector_store %arg9[%swap3A_538, %swap3A_539], %swap3A_542 {strides = array<i32>} : memref<3x80xi32, #tpu.memory_space<vmem>>, vector<1x16xi32>,
        %get3A_543 = arith.index_cast %add3A_520 : i32 to index
        %get3A_544 = arith.constant 16 : index
        %get3A_545 = tpu.vector_load %arg7[%get3A_543, %get3A_544] {strides = array<i32>} : memref<125x80xi32, #tpu.memory_space<vmem>>, vector<1x16xi32>,
        %get3A_546 = vector.shape_cast %get3A_545 : vector<1x16xi32> to vector<16xi32>
        %and3A_547 = arith.constant 65535 : i32
        %and3A_548 = vector.broadcast %and3A_547 : i32 to vector<16xi32>
        %and3A_549 = arith.andi %get3A_546, %and3A_548 : vector<16xi32>
        %swap3A_550 = arith.constant 2 : i32
        %swap3A_551 = arith.index_cast %swap3A_550 : i32 to index
        %swap3A_552 = arith.constant 16 : index
        %swap3A_553 = tpu.vector_load %arg8[%swap3A_551, %swap3A_552] {strides = array<i32>} : memref<3x80xi32, #tpu.memory_space<vmem>>, vector<1x16xi32>,
        %swap3A_554 = vector.shape_cast %swap3A_553 : vector<1x16xi32> to vector<16xi32>
        %swap3A_555 = vector.shape_cast %and3A_549 : vector<16xi32> to vector<1x16xi32>
        tpu.vector_store %arg8[%swap3A_551, %swap3A_552], %swap3A_555 {strides = array<i32>} : memref<3x80xi32, #tpu.memory_space<vmem>>, vector<1x16xi32>,
        %shift_right_logical3A_556 = arith.constant 16 : i32
        %shift_right_logical3A_557 = vector.broadcast %shift_right_logical3A_556 : i32 to vector<16xi32>
        %shift_right_logical3A_558 = arith.shrui %get3A_546, %shift_right_logical3A_557 : vector<16xi32>
        %swap3A_559 = arith.constant 2 : i32
        %swap3A_560 = arith.index_cast %swap3A_559 : i32 to index
        %swap3A_561 = arith.constant 16 : index
        %swap3A_562 = tpu.vector_load %arg9[%swap3A_560, %swap3A_561] {strides = array<i32>} : memref<3x80xi32, #tpu.memory_space<vmem>>, vector<1x16xi32>,
        %swap3A_563 = vector.shape_cast %swap3A_562 : vector<1x16xi32> to vector<16xi32>
        %swap3A_564 = vector.shape_cast %shift_right_logical3A_558 : vector<16xi32> to vector<1x16xi32>
        tpu.vector_store %arg9[%swap3A_560, %swap3A_561], %swap3A_564 {strides = array<i32>} : memref<3x80xi32, #tpu.memory_space<vmem>>, vector<1x16xi32>,
        %get3A_565 = arith.index_cast %add3A_520 : i32 to index
        %get3A_566 = arith.constant 32 : index
        %get3A_567 = tpu.vector_load %arg7[%get3A_565, %get3A_566] {strides = array<i32>} : memref<125x80xi32, #tpu.memory_space<vmem>>, vector<1x16xi32>,
        %get3A_568 = vector.shape_cast %get3A_567 : vector<1x16xi32> to vector<16xi32>
        %and3A_569 = arith.constant 65535 : i32
        %and3A_570 = vector.broadcast %and3A_569 : i32 to vector<16xi32>
        %and3A_571 = arith.andi %get3A_568, %and3A_570 : vector<16xi32>
        %swap3A_572 = arith.constant 2 : i32
        %swap3A_573 = arith.index_cast %swap3A_572 : i32 to index
        %swap3A_574 = arith.constant 32 : index
        %swap3A_575 = tpu.vector_load %arg8[%swap3A_573, %swap3A_574] {strides = array<i32>} : memref<3x80xi32, #tpu.memory_space<vmem>>, vector<1x16xi32>,
        %swap3A_576 = vector.shape_cast %swap3A_575 : vector<1x16xi32> to vector<16xi32>
        %swap3A_577 = vector.shape_cast %and3A_571 : vector<16xi32> to vector<1x16xi32>
        tpu.vector_store %arg8[%swap3A_573, %swap3A_574], %swap3A_577 {strides = array<i32>} : memref<3x80xi32, #tpu.memory_space<vmem>>, vector<1x16xi32>,
        %shift_right_logical3A_578 = arith.constant 16 : i32
        %shift_right_logical3A_579 = vector.broadcast %shift_right_logical3A_578 : i32 to vector<16xi32>
        %shift_right_logical3A_580 = arith.shrui %get3A_568, %shift_right_logical3A_579 : vector<16xi32>
        %swap3A_581 = arith.constant 2 : i32
        %swap3A_582 = arith.index_cast %swap3A_581 : i32 to index
        %swap3A_583 = arith.constant 32 : index
        %swap3A_584 = tpu.vector_load %arg9[%swap3A_582, %swap3A_583] {strides = array<i32>} : memref<3x80xi32, #tpu.memory_space<vmem>>, vector<1x16xi32>,
        %swap3A_585 = vector.shape_cast %swap3A_584 : vector<1x16xi32> to vector<16xi32>
        %swap3A_586 = vector.shape_cast %shift_right_logical3A_580 : vector<16xi32> to vector<1x16xi32>
        tpu.vector_store %arg9[%swap3A_582, %swap3A_583], %swap3A_586 {strides = array<i32>} : memref<3x80xi32, #tpu.memory_space<vmem>>, vector<1x16xi32>,
        %get3A_587 = arith.index_cast %add3A_520 : i32 to index
        %get3A_588 = arith.constant 48 : index
        %get3A_589 = tpu.vector_load %arg7[%get3A_587, %get3A_588] {strides = array<i32>} : memref<125x80xi32, #tpu.memory_space<vmem>>, vector<1x16xi32>,
        %get3A_590 = vector.shape_cast %get3A_589 : vector<1x16xi32> to vector<16xi32>
        %and3A_591 = arith.constant 65535 : i32
        %and3A_592 = vector.broadcast %and3A_591 : i32 to vector<16xi32>
        %and3A_593 = arith.andi %get3A_590, %and3A_592 : vector<16xi32>
        %swap3A_594 = arith.constant 2 : i32
        %swap3A_595 = arith.index_cast %swap3A_594 : i32 to index
        %swap3A_596 = arith.constant 48 : index
        %swap3A_597 = tpu.vector_load %arg8[%swap3A_595, %swap3A_596] {strides = array<i32>} : memref<3x80xi32, #tpu.memory_space<vmem>>, vector<1x16xi32>,
        %swap3A_598 = vector.shape_cast %swap3A_597 : vector<1x16xi32> to vector<16xi32>
        %swap3A_599 = vector.shape_cast %and3A_593 : vector<16xi32> to vector<1x16xi32>
        tpu.vector_store %arg8[%swap3A_595, %swap3A_596], %swap3A_599 {strides = array<i32>} : memref<3x80xi32, #tpu.memory_space<vmem>>, vector<1x16xi32>,
        %shift_right_logical3A_600 = arith.constant 16 : i32
        %shift_right_logical3A_601 = vector.broadcast %shift_right_logical3A_600 : i32 to vector<16xi32>
        %shift_right_logical3A_602 = arith.shrui %get3A_590, %shift_right_logical3A_601 : vector<16xi32>
        %swap3A_603 = arith.constant 2 : i32
        %swap3A_604 = arith.index_cast %swap3A_603 : i32 to index
        %swap3A_605 = arith.constant 48 : index
        %swap3A_606 = tpu.vector_load %arg9[%swap3A_604, %swap3A_605] {strides = array<i32>} : memref<3x80xi32, #tpu.memory_space<vmem>>, vector<1x16xi32>,
        %swap3A_607 = vector.shape_cast %swap3A_606 : vector<1x16xi32> to vector<16xi32>
        %swap3A_608 = vector.shape_cast %shift_right_logical3A_602 : vector<16xi32> to vector<1x16xi32>
        tpu.vector_store %arg9[%swap3A_604, %swap3A_605], %swap3A_608 {strides = array<i32>} : memref<3x80xi32, #tpu.memory_space<vmem>>, vector<1x16xi32>,
        %get3A_609 = arith.index_cast %add3A_520 : i32 to index
        %get3A_610 = arith.constant 64 : index
        %get3A_611 = tpu.vector_load %arg7[%get3A_609, %get3A_610] {strides = array<i32>} : memref<125x80xi32, #tpu.memory_space<vmem>>, vector<1x16xi32>,
        %get3A_612 = vector.shape_cast %get3A_611 : vector<1x16xi32> to vector<16xi32>
        %and3A_613 = arith.constant 65535 : i32
        %and3A_614 = vector.broadcast %and3A_613 : i32 to vector<16xi32>
        %and3A_615 = arith.andi %get3A_612, %and3A_614 : vector<16xi32>
        %swap3A_616 = arith.constant 2 : i32
        %swap3A_617 = arith.index_cast %swap3A_616 : i32 to index
        %swap3A_618 = arith.constant 64 : index
        %swap3A_619 = tpu.vector_load %arg8[%swap3A_617, %swap3A_618] {strides = array<i32>} : memref<3x80xi32, #tpu.memory_space<vmem>>, vector<1x16xi32>,
        %swap3A_620 = vector.shape_cast %swap3A_619 : vector<1x16xi32> to vector<16xi32>
        %swap3A_621 = vector.shape_cast %and3A_615 : vector<16xi32> to vector<1x16xi32>
        tpu.vector_store %arg8[%swap3A_617, %swap3A_618], %swap3A_621 {strides = array<i32>} : memref<3x80xi32, #tpu.memory_space<vmem>>, vector<1x16xi32>,
        %shift_right_logical3A_622 = arith.constant 16 : i32
        %shift_right_logical3A_623 = vector.broadcast %shift_right_logical3A_622 : i32 to vector<16xi32>
        %shift_right_logical3A_624 = arith.shrui %get3A_612, %shift_right_logical3A_623 : vector<16xi32>
        %swap3A_625 = arith.constant 2 : i32
        %swap3A_626 = arith.index_cast %swap3A_625 : i32 to index
        %swap3A_627 = arith.constant 64 : index
        %swap3A_628 = tpu.vector_load %arg9[%swap3A_626, %swap3A_627] {strides = array<i32>} : memref<3x80xi32, #tpu.memory_space<vmem>>, vector<1x16xi32>,
        %swap3A_629 = vector.shape_cast %swap3A_628 : vector<1x16xi32> to vector<16xi32>
        %swap3A_630 = vector.shape_cast %shift_right_logical3A_624 : vector<16xi32> to vector<1x16xi32>
        tpu.vector_store %arg9[%swap3A_626, %swap3A_627], %swap3A_630 {strides = array<i32>} : memref<3x80xi32, #tpu.memory_space<vmem>>, vector<1x16xi32>,
        %dma_start3A_631 = arith.constant 2 : i32
        %dma_start3A_632 = arith.constant 2 : i32
        %dma_start3A_633 = arith.constant 0 : i32
        %dma_start3A_634 = arith.constant 0 : i32
        %dma_start3A_635 = tpu.memref_slice %arg10[%dma_start3A_632, %dma_start3A_633, %dma_start3A_634] : memref<3x80x128xf32, #tpu.memory_space<vmem>> -> memref<1x80x128xf32, #tpu.memory_space<vmem>>
        %dma_start3A_636 = tpu.memref_squeeze %dma_start3A_635 : memref<1x80x128xf32, #tpu.memory_space<vmem>> -> memref<80x128xf32, #tpu.memory_space<vmem>>
        %dma_start3A_637 = arith.constant 0 : i32
        %dma_start3A_638 = tpu.memref_slice %arg8[%dma_start3A_631, %dma_start3A_637] : memref<3x80xi32, #tpu.memory_space<vmem>> -> memref<1x80xi32, #tpu.memory_space<vmem>>
        %dma_start3A_639 = tpu.memref_squeeze %dma_start3A_638 : memref<1x80xi32, #tpu.memory_space<vmem>> -> memref<80xi32, #tpu.memory_space<vmem>>
        %dma_start3A_640 = arith.constant 0 : i32
        %dma_start3A_641 = arith.constant 0 : i32
        %dma_start3A_642 = tpu.memref_slice %arg2[%dma_start3A_640, %dma_start3A_641] : memref<10000x128xf32, #tpu.memory_space<hbm>> -> memref<10000x128xf32, #tpu.memory_space<hbm>>
        tpu.enqueue_indirect_dma source(%dma_start3A_642 : memref<10000x128xf32, #tpu.memory_space<hbm>>) target(%dma_start3A_636 : memref<80x128xf32, #tpu.memory_space<vmem>>) offsets(%dma_start3A_639 : memref<80xi32, #tpu.memory_space<vmem>>) semaphore(%arg11 : memref<!tpu.dma_semaphore, #tpu.memory_space<semaphore_mem>>)
      } else {
      }
    }
    %scan3A_404 = arith.constant 41 : i32
    %dma_wait3A_405 = arith.constant 0 : i32
    %dma_wait3A_406 = arith.constant 0 : i32
    %dma_wait3A_407 = arith.constant 0 : i32
    %dma_wait3A_408 = arith.constant 0 : i32
    %dma_wait3A_409 = tpu.memref_slice %arg10[%dma_wait3A_406, %dma_wait3A_407, %dma_wait3A_408] : memref<3x80x128xf32, #tpu.memory_space<vmem>> -> memref<1x80x128xf32, #tpu.memory_space<vmem>>
    %dma_wait3A_410 = tpu.memref_squeeze %dma_wait3A_409 : memref<1x80x128xf32, #tpu.memory_space<vmem>> -> memref<80x128xf32, #tpu.memory_space<vmem>>
    %dma_wait3A_411 = arith.constant 0 : i32
    %dma_wait3A_412 = tpu.memref_slice %arg8[%dma_wait3A_405, %dma_wait3A_411] : memref<3x80xi32, #tpu.memory_space<vmem>> -> memref<1x80xi32, #tpu.memory_space<vmem>>
    %dma_wait3A_413 = tpu.memref_squeeze %dma_wait3A_412 : memref<1x80xi32, #tpu.memory_space<vmem>> -> memref<80xi32, #tpu.memory_space<vmem>>
    %dma_wait3A_414 = arith.constant 0 : i32
    %dma_wait3A_415 = arith.constant 0 : i32
    %dma_wait3A_416 = tpu.memref_slice %arg2[%dma_wait3A_414, %dma_wait3A_415] : memref<10000x128xf32, #tpu.memory_space<hbm>> -> memref<10000x128xf32, #tpu.memory_space<hbm>>
    tpu.wait_indirect_dma semaphore(%arg11 : memref<!tpu.dma_semaphore, #tpu.memory_space<semaphore_mem>>) src(%dma_wait3A_416 : memref<10000x128xf32, #tpu.memory_space<hbm>>) dst(%dma_wait3A_410 : memref<80x128xf32, #tpu.memory_space<vmem>>)
    %run_scoped3A = arith.constant 0 : i32
    %run_scoped3A_417 = arith.constant 0 : i32
    "tpu.region"() ({
      %run_scoped3A_443 = tpu.sem_alloc : memref<!tpu.dma_semaphore, #tpu.memory_space<semaphore_mem>>
      %dma_start3A_444 = arith.constant 0 : i32
      %dma_start3A_445 = arith.constant 0 : i32
      %dma_start3A_446 = tpu.memref_slice %arg10[%run_scoped3A, %dma_start3A_444, %dma_start3A_445] : memref<3x80x128xf32, #tpu.memory_space<vmem>> -> memref<1x80x128xf32, #tpu.memory_space<vmem>>
      %dma_start3A_447 = tpu.memref_squeeze %dma_start3A_446 : memref<1x80x128xf32, #tpu.memory_space<vmem>> -> memref<80x128xf32, #tpu.memory_space<vmem>>
      %dma_start3A_448 = arith.constant 0 : i32
      %dma_start3A_449 = tpu.memref_slice %arg9[%run_scoped3A_417, %dma_start3A_448] : memref<3x80xi32, #tpu.memory_space<vmem>> -> memref<1x80xi32, #tpu.memory_space<vmem>>
      %dma_start3A_450 = tpu.memref_squeeze %dma_start3A_449 : memref<1x80xi32, #tpu.memory_space<vmem>> -> memref<80xi32, #tpu.memory_space<vmem>>
      %dma_start3A_451 = arith.constant 0 : i32
      %dma_start3A_452 = arith.constant 0 : i32
      %dma_start3A_453 = tpu.memref_slice %arg6[%dma_start3A_451, %dma_start3A_452] : memref<10112x128xf32, #tpu.memory_space<vmem_shared>> -> memref<10112x128xf32, #tpu.memory_space<vmem_shared>>
      tpu.enqueue_indirect_dma source(%dma_start3A_447 : memref<80x128xf32, #tpu.memory_space<vmem>>) target(%dma_start3A_453 : memref<10112x128xf32, #tpu.memory_space<vmem_shared>>) offsets(%dma_start3A_450 : memref<80xi32, #tpu.memory_space<vmem>>) semaphore(%run_scoped3A_443 : memref<!tpu.dma_semaphore, #tpu.memory_space<semaphore_mem>>) {add = true}
      %dma_wait3A_454 = arith.constant 0 : i32
      %dma_wait3A_455 = arith.constant 0 : i32
      %dma_wait3A_456 = tpu.memref_slice %arg10[%run_scoped3A, %dma_wait3A_454, %dma_wait3A_455] : memref<3x80x128xf32, #tpu.memory_space<vmem>> -> memref<1x80x128xf32, #tpu.memory_space<vmem>>
      %dma_wait3A_457 = tpu.memref_squeeze %dma_wait3A_456 : memref<1x80x128xf32, #tpu.memory_space<vmem>> -> memref<80x128xf32, #tpu.memory_space<vmem>>
      %dma_wait3A_458 = arith.constant 0 : i32
      %dma_wait3A_459 = tpu.memref_slice %arg9[%run_scoped3A_417, %dma_wait3A_458] : memref<3x80xi32, #tpu.memory_space<vmem>> -> memref<1x80xi32, #tpu.memory_space<vmem>>
      %dma_wait3A_460 = tpu.memref_squeeze %dma_wait3A_459 : memref<1x80xi32, #tpu.memory_space<vmem>> -> memref<80xi32, #tpu.memory_space<vmem>>
      %dma_wait3A_461 = arith.constant 0 : i32
      %dma_wait3A_462 = arith.constant 0 : i32
      %dma_wait3A_463 = tpu.memref_slice %arg6[%dma_wait3A_461, %dma_wait3A_462] : memref<10112x128xf32, #tpu.memory_space<vmem_shared>> -> memref<10112x128xf32, #tpu.memory_space<vmem_shared>>
      tpu.wait_indirect_dma semaphore(%run_scoped3A_443 : memref<!tpu.dma_semaphore, #tpu.memory_space<semaphore_mem>>) src(%dma_wait3A_457 : memref<80x128xf32, #tpu.memory_space<vmem>>) dst(%dma_wait3A_463 : memref<10112x128xf32, #tpu.memory_space<vmem_shared>>)
      tpu.yield
    }) : () -> ()
    %dma_wait3A_418 = arith.constant 1 : i32
    %dma_wait3A_419 = arith.constant 1 : i32
    %dma_wait3A_420 = arith.constant 0 : i32
    %dma_wait3A_421 = arith.constant 0 : i32
    %dma_wait3A_422 = tpu.memref_slice %arg10[%dma_wait3A_419, %dma_wait3A_420, %dma_wait3A_421] : memref<3x80x128xf32, #tpu.memory_space<vmem>> -> memref<1x80x128xf32, #tpu.memory_space<vmem>>
    %dma_wait3A_423 = tpu.memref_squeeze %dma_wait3A_422 : memref<1x80x128xf32, #tpu.memory_space<vmem>> -> memref<80x128xf32, #tpu.memory_space<vmem>>
    %dma_wait3A_424 = arith.constant 0 : i32
    %dma_wait3A_425 = tpu.memref_slice %arg8[%dma_wait3A_418, %dma_wait3A_424] : memref<3x80xi32, #tpu.memory_space<vmem>> -> memref<1x80xi32, #tpu.memory_space<vmem>>
    %dma_wait3A_426 = tpu.memref_squeeze %dma_wait3A_425 : memref<1x80xi32, #tpu.memory_space<vmem>> -> memref<80xi32, #tpu.memory_space<vmem>>
    %dma_wait3A_427 = arith.constant 0 : i32
    %dma_wait3A_428 = arith.constant 0 : i32
    %dma_wait3A_429 = tpu.memref_slice %arg2[%dma_wait3A_427, %dma_wait3A_428] : memref<10000x128xf32, #tpu.memory_space<hbm>> -> memref<10000x128xf32, #tpu.memory_space<hbm>>
    tpu.wait_indirect_dma semaphore(%arg11 : memref<!tpu.dma_semaphore, #tpu.memory_space<semaphore_mem>>) src(%dma_wait3A_429 : memref<10000x128xf32, #tpu.memory_space<hbm>>) dst(%dma_wait3A_423 : memref<80x128xf32, #tpu.memory_space<vmem>>)
    %run_scoped3A_430 = arith.constant 1 : i32
    %run_scoped3A_431 = arith.constant 1 : i32
    "tpu.region"() ({
      %run_scoped3A_443 = tpu.sem_alloc : memref<!tpu.dma_semaphore, #tpu.memory_space<semaphore_mem>>
      %dma_start3A_444 = arith.constant 0 : i32
      %dma_start3A_445 = arith.constant 0 : i32
      %dma_start3A_446 = tpu.memref_slice %arg10[%run_scoped3A_430, %dma_start3A_444, %dma_start3A_445] : memref<3x80x128xf32, #tpu.memory_space<vmem>> -> memref<1x80x128xf32, #tpu.memory_space<vmem>>
      %dma_start3A_447 = tpu.memref_squeeze %dma_start3A_446 : memref<1x80x128xf32, #tpu.memory_space<vmem>> -> memref<80x128xf32, #tpu.memory_space<vmem>>
      %dma_start3A_448 = arith.constant 0 : i32
      %dma_start3A_449 = tpu.memref_slice %arg9[%run_scoped3A_431, %dma_start3A_448] : memref<3x80xi32, #tpu.memory_space<vmem>> -> memref<1x80xi32, #tpu.memory_space<vmem>>
      %dma_start3A_450 = tpu.memref_squeeze %dma_start3A_449 : memref<1x80xi32, #tpu.memory_space<vmem>> -> memref<80xi32, #tpu.memory_space<vmem>>
      %dma_start3A_451 = arith.constant 0 : i32
      %dma_start3A_452 = arith.constant 0 : i32
      %dma_start3A_453 = tpu.memref_slice %arg6[%dma_start3A_451, %dma_start3A_452] : memref<10112x128xf32, #tpu.memory_space<vmem_shared>> -> memref<10112x128xf32, #tpu.memory_space<vmem_shared>>
      tpu.enqueue_indirect_dma source(%dma_start3A_447 : memref<80x128xf32, #tpu.memory_space<vmem>>) target(%dma_start3A_453 : memref<10112x128xf32, #tpu.memory_space<vmem_shared>>) offsets(%dma_start3A_450 : memref<80xi32, #tpu.memory_space<vmem>>) semaphore(%run_scoped3A_443 : memref<!tpu.dma_semaphore, #tpu.memory_space<semaphore_mem>>) {add = true}
      %dma_wait3A_454 = arith.constant 0 : i32
      %dma_wait3A_455 = arith.constant 0 : i32
      %dma_wait3A_456 = tpu.memref_slice %arg10[%run_scoped3A_430, %dma_wait3A_454, %dma_wait3A_455] : memref<3x80x128xf32, #tpu.memory_space<vmem>> -> memref<1x80x128xf32, #tpu.memory_space<vmem>>
      %dma_wait3A_457 = tpu.memref_squeeze %dma_wait3A_456 : memref<1x80x128xf32, #tpu.memory_space<vmem>> -> memref<80x128xf32, #tpu.memory_space<vmem>>
      %dma_wait3A_458 = arith.constant 0 : i32
      %dma_wait3A_459 = tpu.memref_slice %arg9[%run_scoped3A_431, %dma_wait3A_458] : memref<3x80xi32, #tpu.memory_space<vmem>> -> memref<1x80xi32, #tpu.memory_space<vmem>>
      %dma_wait3A_460 = tpu.memref_squeeze %dma_wait3A_459 : memref<1x80xi32, #tpu.memory_space<vmem>> -> memref<80xi32, #tpu.memory_space<vmem>>
      %dma_wait3A_461 = arith.constant 0 : i32
      %dma_wait3A_462 = arith.constant 0 : i32
      %dma_wait3A_463 = tpu.memref_slice %arg6[%dma_wait3A_461, %dma_wait3A_462] : memref<10112x128xf32, #tpu.memory_space<vmem_shared>> -> memref<10112x128xf32, #tpu.memory_space<vmem_shared>>
      tpu.wait_indirect_dma semaphore(%run_scoped3A_443 : memref<!tpu.dma_semaphore, #tpu.memory_space<semaphore_mem>>) src(%dma_wait3A_457 : memref<80x128xf32, #tpu.memory_space<vmem>>) dst(%dma_wait3A_463 : memref<10112x128xf32, #tpu.memory_space<vmem_shared>>)
      tpu.yield
    }) : () -> ()
    %barrier3A_432 = arith.constant 0 : index
    tpu.barrier barrier_id(%barrier3A_432)
    %lt3A_433 = arith.constant 15 : i32
    %lt3A_434 = arith.cmpi slt, %arg1, %lt3A_433 : i32
    %convert_element_type3A_435 = arith.extui %lt3A_434 : i1 to i32
    %cond3A_436 = arith.constant 0 : i32
    %cond3A_437 = arith.cmpi ne, %convert_element_type3A_435, %cond3A_436 : i32
    scf.if %cond3A_437 {
      "tpu.region"() ({
        %run_scoped3A_443 = tpu.sem_alloc : memref<!tpu.dma_semaphore, #tpu.memory_space<semaphore_mem>>
        %dma_start3A_444 = arith.constant 0 : i32
        %dma_start3A_445 = tpu.memref_slice %arg5[%arg0, %mul3A_9, %dma_start3A_444] : memref<2x10112x128xf32, #tpu.memory_space<hbm>> -> memref<1x632x128xf32, #tpu.memory_space<hbm>>
        %dma_start3A_446 = tpu.memref_squeeze %dma_start3A_445 : memref<1x632x128xf32, #tpu.memory_space<hbm>> -> memref<632x128xf32, #tpu.memory_space<hbm>>
        %dma_start3A_447 = arith.constant 0 : i32
        %dma_start3A_448 = tpu.memref_slice %arg6[%mul3A_9, %dma_start3A_447] : memref<10112x128xf32, #tpu.memory_space<vmem_shared>> -> memref<632x128xf32, #tpu.memory_space<vmem_shared>>
        tpu.enqueue_dma source(%dma_start3A_448 : memref<632x128xf32, #tpu.memory_space<vmem_shared>>) target(%dma_start3A_446 : memref<632x128xf32, #tpu.memory_space<hbm>>) target_semaphore(%run_scoped3A_443 : memref<!tpu.dma_semaphore, #tpu.memory_space<semaphore_mem>>)
        %dma_wait3A_449 = arith.constant 0 : i32
        %dma_wait3A_450 = tpu.memref_slice %arg5[%arg0, %mul3A_9, %dma_wait3A_449] : memref<2x10112x128xf32, #tpu.memory_space<hbm>> -> memref<1x632x128xf32, #tpu.memory_space<hbm>>
        %dma_wait3A_451 = tpu.memref_squeeze %dma_wait3A_450 : memref<1x632x128xf32, #tpu.memory_space<hbm>> -> memref<632x128xf32, #tpu.memory_space<hbm>>
        %dma_wait3A_452 = arith.constant 0 : i32
        %dma_wait3A_453 = tpu.memref_slice %arg6[%mul3A_9, %dma_wait3A_452] : memref<10112x128xf32, #tpu.memory_space<vmem_shared>> -> memref<632x128xf32, #tpu.memory_space<vmem_shared>>
        tpu.wait_dma2 semaphore(%run_scoped3A_443 : memref<!tpu.dma_semaphore, #tpu.memory_space<semaphore_mem>>) src(%dma_wait3A_453 : memref<632x128xf32, #tpu.memory_space<vmem_shared>>) dst(%dma_wait3A_451 : memref<632x128xf32, #tpu.memory_space<hbm>>)
        tpu.yield
      }) : () -> ()
    } else {
    }
    %eq3A_438 = arith.constant 15 : i32
    %eq3A_439 = arith.cmpi eq, %arg1, %eq3A_438 : i32
    %convert_element_type3A_440 = arith.extui %eq3A_439 : i1 to i32
    %cond3A_441 = arith.constant 0 : i32
    %cond3A_442 = arith.cmpi ne, %convert_element_type3A_440, %cond3A_441 : i32
    scf.if %cond3A_442 {
      "tpu.region"() ({
        %run_scoped3A_443 = tpu.sem_alloc : memref<!tpu.dma_semaphore, #tpu.memory_space<semaphore_mem>>
        %dma_start3A_444 = arith.constant 0 : i32
        %dma_start3A_445 = tpu.memref_slice %arg5[%arg0, %mul3A_9, %dma_start3A_444] : memref<2x10112x128xf32, #tpu.memory_space<hbm>> -> memref<1x520x128xf32, #tpu.memory_space<hbm>>
        %dma_start3A_446 = tpu.memref_squeeze %dma_start3A_445 : memref<1x520x128xf32, #tpu.memory_space<hbm>> -> memref<520x128xf32, #tpu.memory_space<hbm>>
        %dma_start3A_447 = arith.constant 0 : i32
        %dma_start3A_448 = tpu.memref_slice %arg6[%mul3A_9, %dma_start3A_447] : memref<10112x128xf32, #tpu.memory_space<vmem_shared>> -> memref<520x128xf32, #tpu.memory_space<vmem_shared>>
        tpu.enqueue_dma source(%dma_start3A_448 : memref<520x128xf32, #tpu.memory_space<vmem_shared>>) target(%dma_start3A_446 : memref<520x128xf32, #tpu.memory_space<hbm>>) target_semaphore(%run_scoped3A_443 : memref<!tpu.dma_semaphore, #tpu.memory_space<semaphore_mem>>)
        %dma_wait3A_449 = arith.constant 0 : i32
        %dma_wait3A_450 = tpu.memref_slice %arg5[%arg0, %mul3A_9, %dma_wait3A_449] : memref<2x10112x128xf32, #tpu.memory_space<hbm>> -> memref<1x520x128xf32, #tpu.memory_space<hbm>>
        %dma_wait3A_451 = tpu.memref_squeeze %dma_wait3A_450 : memref<1x520x128xf32, #tpu.memory_space<hbm>> -> memref<520x128xf32, #tpu.memory_space<hbm>>
        %dma_wait3A_452 = arith.constant 0 : i32
        %dma_wait3A_453 = tpu.memref_slice %arg6[%mul3A_9, %dma_wait3A_452] : memref<10112x128xf32, #tpu.memory_space<vmem_shared>> -> memref<520x128xf32, #tpu.memory_space<vmem_shared>>
        tpu.wait_dma2 semaphore(%run_scoped3A_443 : memref<!tpu.dma_semaphore, #tpu.memory_space<semaphore_mem>>) src(%dma_wait3A_453 : memref<520x128xf32, #tpu.memory_space<vmem_shared>>) dst(%dma_wait3A_451 : memref<520x128xf32, #tpu.memory_space<hbm>>)
        tpu.yield
      }) : () -> ()
    } else {
    }
    return
  }
}

#map = affine_map<(d0, d1) -> (0, 0)>
#map1 = affine_map<(d0, d1) -> (0, 0, 0)>
module attributes {stable_mosaic.version = 14 : i64} {
  func.func @agg(%arg0: i32, %arg1: i32, %arg2: memref<10000x128xf32, #tpu.memory_space<hbm>>, %arg3: memref<32x125x80xi32, #tpu.memory_space<hbm>>, %arg4: memref<632x128xf32, #tpu.memory_space<hbm>>, %arg5: memref<2x10112x128xf32, #tpu.memory_space<hbm>>, %arg6: memref<10112x128xf32, #tpu.memory_space<vmem_shared>>, %arg7: memref<125x80xi32, #tpu.memory_space<vmem>>, %arg8: memref<3x80xi32, #tpu.memory_space<vmem>>, %arg9: memref<3x80xi32, #tpu.memory_space<vmem>>, %arg10: memref<3x80x128xf32, #tpu.memory_space<vmem>>, %arg11: memref<!tpu.dma_semaphore, #tpu.memory_space<semaphore_mem>>, %arg12: memref<!tpu.dma_semaphore, #tpu.memory_space<semaphore_mem>>) attributes {dimension_semantics = [#tpu.dimension_semantics<core_parallel>, #tpu.dimension_semantics<subcore_parallel>], iteration_bounds = array<i64: 2, 16>, scalar_prefetch = 0 : i64, scratch_operands = 7 : i64, tpu.core_type = #tpu.core_type<sc_vector_subcore>, window_params = [{transform_indices = #map}, {transform_indices = #map1}, {transform_indices = #map}, {transform_indices = #map1}]} {
    %mul3A = arith.constant 16 : i32
    %mul3A_0 = arith.muli %arg0, %mul3A : i32
    %add3A = arith.addi %mul3A_0, %arg1 : i32
    %dma_start3A = arith.constant 0 : i32
    %dma_start3A_1 = arith.constant 0 : i32
    %dma_start3A_2 = tpu.memref_slice %arg3[%add3A, %dma_start3A, %dma_start3A_1] : memref<32x125x80xi32, #tpu.memory_space<hbm>> -> memref<1x125x80xi32, #tpu.memory_space<hbm>>
    %dma_start3A_3 = tpu.memref_squeeze %dma_start3A_2 : memref<1x125x80xi32, #tpu.memory_space<hbm>> -> memref<125x80xi32, #tpu.memory_space<hbm>>
    %dma_start3A_4 = arith.constant 0 : i32
    %dma_start3A_5 = arith.constant 0 : i32
    %dma_start3A_6 = tpu.memref_slice %arg3[%add3A, %dma_start3A_4, %dma_start3A_5] : memref<32x125x80xi32, #tpu.memory_space<hbm>> -> memref<1x125x80xi32, #tpu.memory_space<hbm>>
    %dma_start3A_7 = tpu.memref_squeeze %dma_start3A_6 : memref<1x125x80xi32, #tpu.memory_space<hbm>> -> memref<125x80xi32, #tpu.memory_space<hbm>>
    tpu.enqueue_dma source(%dma_start3A_7 : memref<125x80xi32, #tpu.memory_space<hbm>>) target(%arg7 : memref<125x80xi32, #tpu.memory_space<vmem>>) target_semaphore(%arg12 : memref<!tpu.dma_semaphore, #tpu.memory_space<semaphore_mem>>)
    %mul3A_8 = arith.constant 632 : i32
    %mul3A_9 = arith.muli %arg1, %mul3A_8 : i32
    %lt3A = arith.constant 15 : i32
    %lt3A_10 = arith.cmpi slt, %arg1, %lt3A : i32
    %convert_element_type3A = arith.extui %lt3A_10 : i1 to i32
    %cond3A = arith.constant 0 : i32
    %cond3A_11 = arith.cmpi ne, %convert_element_type3A, %cond3A : i32
    scf.if %cond3A_11 {
      %eq3A_443 = arith.constant 0 : i32
      %eq3A_444 = arith.cmpi eq, %arg0, %eq3A_443 : i32
      %convert_element_type3A_445 = arith.extui %eq3A_444 : i1 to i32
      %cond3A_446 = arith.constant 0 : i32
      %cond3A_447 = arith.cmpi ne, %convert_element_type3A_445, %cond3A_446 : i32
      scf.if %cond3A_447 {
        "tpu.region"() ({
          %run_scoped3A_452 = tpu.sem_alloc : memref<!tpu.dma_semaphore, #tpu.memory_space<semaphore_mem>>
          %dma_start3A_453 = arith.constant 0 : i32
          %dma_start3A_454 = tpu.memref_slice %arg6[%mul3A_9, %dma_start3A_453] : memref<10112x128xf32, #tpu.memory_space<vmem_shared>> -> memref<632x128xf32, #tpu.memory_space<vmem_shared>>
          %dma_start3A_455 = arith.constant 0 : i32
          %dma_start3A_456 = tpu.memref_slice %arg2[%mul3A_9, %dma_start3A_455] : memref<10000x128xf32, #tpu.memory_space<hbm>> -> memref<632x128xf32, #tpu.memory_space<hbm>>
          tpu.enqueue_dma source(%dma_start3A_456 : memref<632x128xf32, #tpu.memory_space<hbm>>) target(%dma_start3A_454 : memref<632x128xf32, #tpu.memory_space<vmem_shared>>) target_semaphore(%run_scoped3A_452 : memref<!tpu.dma_semaphore, #tpu.memory_space<semaphore_mem>>)
          %dma_wait3A_457 = arith.constant 0 : i32
          %dma_wait3A_458 = tpu.memref_slice %arg6[%mul3A_9, %dma_wait3A_457] : memref<10112x128xf32, #tpu.memory_space<vmem_shared>> -> memref<632x128xf32, #tpu.memory_space<vmem_shared>>
          %dma_wait3A_459 = arith.constant 0 : i32
          %dma_wait3A_460 = tpu.memref_slice %arg2[%mul3A_9, %dma_wait3A_459] : memref<10000x128xf32, #tpu.memory_space<hbm>> -> memref<632x128xf32, #tpu.memory_space<hbm>>
          tpu.wait_dma2 semaphore(%run_scoped3A_452 : memref<!tpu.dma_semaphore, #tpu.memory_space<semaphore_mem>>) src(%dma_wait3A_460 : memref<632x128xf32, #tpu.memory_space<hbm>>) dst(%dma_wait3A_458 : memref<632x128xf32, #tpu.memory_space<vmem_shared>>)
          tpu.yield
        }) : () -> ()
      } else {
      }
      %ne3A = arith.constant 0 : i32
      %ne3A_448 = arith.cmpi ne, %arg0, %ne3A : i32
      %convert_element_type3A_449 = arith.extui %ne3A_448 : i1 to i32
      %cond3A_450 = arith.constant 0 : i32
      %cond3A_451 = arith.cmpi ne, %convert_element_type3A_449, %cond3A_450 : i32
      scf.if %cond3A_451 {
        "tpu.region"() ({
          %run_scoped3A_452 = tpu.sem_alloc : memref<!tpu.dma_semaphore, #tpu.memory_space<semaphore_mem>>
          %dma_start3A_453 = arith.constant 0 : i32
          %dma_start3A_454 = tpu.memref_slice %arg6[%mul3A_9, %dma_start3A_453] : memref<10112x128xf32, #tpu.memory_space<vmem_shared>> -> memref<632x128xf32, #tpu.memory_space<vmem_shared>>
          tpu.enqueue_dma source(%arg4 : memref<632x128xf32, #tpu.memory_space<hbm>>) target(%dma_start3A_454 : memref<632x128xf32, #tpu.memory_space<vmem_shared>>) target_semaphore(%run_scoped3A_452 : memref<!tpu.dma_semaphore, #tpu.memory_space<semaphore_mem>>)
          %dma_wait3A_455 = arith.constant 0 : i32
          %dma_wait3A_456 = tpu.memref_slice %arg6[%mul3A_9, %dma_wait3A_455] : memref<10112x128xf32, #tpu.memory_space<vmem_shared>> -> memref<632x128xf32, #tpu.memory_space<vmem_shared>>
          tpu.wait_dma2 semaphore(%run_scoped3A_452 : memref<!tpu.dma_semaphore, #tpu.memory_space<semaphore_mem>>) src(%arg4 : memref<632x128xf32, #tpu.memory_space<hbm>>) dst(%dma_wait3A_456 : memref<632x128xf32, #tpu.memory_space<vmem_shared>>)
          tpu.yield
        }) : () -> ()
      } else {
      }
    } else {
    }
    %eq3A = arith.constant 15 : i32
    %eq3A_12 = arith.cmpi eq, %arg1, %eq3A : i32
    %convert_element_type3A_13 = arith.extui %eq3A_12 : i1 to i32
    %cond3A_14 = arith.constant 0 : i32
    %cond3A_15 = arith.cmpi ne, %convert_element_type3A_13, %cond3A_14 : i32
    scf.if %cond3A_15 {
      %eq3A_443 = arith.constant 0 : i32
      %eq3A_444 = arith.cmpi eq, %arg0, %eq3A_443 : i32
      %convert_element_type3A_445 = arith.extui %eq3A_444 : i1 to i32
      %cond3A_446 = arith.constant 0 : i32
      %cond3A_447 = arith.cmpi ne, %convert_element_type3A_445, %cond3A_446 : i32
      scf.if %cond3A_447 {
        "tpu.region"() ({
          %run_scoped3A_452 = tpu.sem_alloc : memref<!tpu.dma_semaphore, #tpu.memory_space<semaphore_mem>>
          %dma_start3A_453 = arith.constant 0 : i32
          %dma_start3A_454 = tpu.memref_slice %arg6[%mul3A_9, %dma_start3A_453] : memref<10112x128xf32, #tpu.memory_space<vmem_shared>> -> memref<520x128xf32, #tpu.memory_space<vmem_shared>>
          %dma_start3A_455 = arith.constant 0 : i32
          %dma_start3A_456 = tpu.memref_slice %arg2[%mul3A_9, %dma_start3A_455] : memref<10000x128xf32, #tpu.memory_space<hbm>> -> memref<520x128xf32, #tpu.memory_space<hbm>>
          tpu.enqueue_dma source(%dma_start3A_456 : memref<520x128xf32, #tpu.memory_space<hbm>>) target(%dma_start3A_454 : memref<520x128xf32, #tpu.memory_space<vmem_shared>>) target_semaphore(%run_scoped3A_452 : memref<!tpu.dma_semaphore, #tpu.memory_space<semaphore_mem>>)
          %dma_wait3A_457 = arith.constant 0 : i32
          %dma_wait3A_458 = tpu.memref_slice %arg6[%mul3A_9, %dma_wait3A_457] : memref<10112x128xf32, #tpu.memory_space<vmem_shared>> -> memref<520x128xf32, #tpu.memory_space<vmem_shared>>
          %dma_wait3A_459 = arith.constant 0 : i32
          %dma_wait3A_460 = tpu.memref_slice %arg2[%mul3A_9, %dma_wait3A_459] : memref<10000x128xf32, #tpu.memory_space<hbm>> -> memref<520x128xf32, #tpu.memory_space<hbm>>
          tpu.wait_dma2 semaphore(%run_scoped3A_452 : memref<!tpu.dma_semaphore, #tpu.memory_space<semaphore_mem>>) src(%dma_wait3A_460 : memref<520x128xf32, #tpu.memory_space<hbm>>) dst(%dma_wait3A_458 : memref<520x128xf32, #tpu.memory_space<vmem_shared>>)
          tpu.yield
        }) : () -> ()
      } else {
      }
      %ne3A = arith.constant 0 : i32
      %ne3A_448 = arith.cmpi ne, %arg0, %ne3A : i32
      %convert_element_type3A_449 = arith.extui %ne3A_448 : i1 to i32
      %cond3A_450 = arith.constant 0 : i32
      %cond3A_451 = arith.cmpi ne, %convert_element_type3A_449, %cond3A_450 : i32
      scf.if %cond3A_451 {
        "tpu.region"() ({
          %run_scoped3A_452 = tpu.sem_alloc : memref<!tpu.dma_semaphore, #tpu.memory_space<semaphore_mem>>
          %dma_start3A_453 = arith.constant 0 : i32
          %dma_start3A_454 = tpu.memref_slice %arg6[%mul3A_9, %dma_start3A_453] : memref<10112x128xf32, #tpu.memory_space<vmem_shared>> -> memref<520x128xf32, #tpu.memory_space<vmem_shared>>
          %dma_start3A_455 = arith.constant 0 : i32
          %dma_start3A_456 = arith.constant 0 : i32
          %dma_start3A_457 = tpu.memref_slice %arg4[%dma_start3A_455, %dma_start3A_456] : memref<632x128xf32, #tpu.memory_space<hbm>> -> memref<520x128xf32, #tpu.memory_space<hbm>>
          tpu.enqueue_dma source(%dma_start3A_457 : memref<520x128xf32, #tpu.memory_space<hbm>>) target(%dma_start3A_454 : memref<520x128xf32, #tpu.memory_space<vmem_shared>>) target_semaphore(%run_scoped3A_452 : memref<!tpu.dma_semaphore, #tpu.memory_space<semaphore_mem>>)
          %dma_wait3A_458 = arith.constant 0 : i32
          %dma_wait3A_459 = tpu.memref_slice %arg6[%mul3A_9, %dma_wait3A_458] : memref<10112x128xf32, #tpu.memory_space<vmem_shared>> -> memref<520x128xf32, #tpu.memory_space<vmem_shared>>
          %dma_wait3A_460 = arith.constant 0 : i32
          %dma_wait3A_461 = arith.constant 0 : i32
          %dma_wait3A_462 = tpu.memref_slice %arg4[%dma_wait3A_460, %dma_wait3A_461] : memref<632x128xf32, #tpu.memory_space<hbm>> -> memref<520x128xf32, #tpu.memory_space<hbm>>
          tpu.wait_dma2 semaphore(%run_scoped3A_452 : memref<!tpu.dma_semaphore, #tpu.memory_space<semaphore_mem>>) src(%dma_wait3A_462 : memref<520x128xf32, #tpu.memory_space<hbm>>) dst(%dma_wait3A_459 : memref<520x128xf32, #tpu.memory_space<vmem_shared>>)
          tpu.yield
        }) : () -> ()
      } else {
      }
    } else {
    }
    %dma_wait3A = arith.constant 0 : i32
    %dma_wait3A_16 = arith.constant 0 : i32
    %dma_wait3A_17 = tpu.memref_slice %arg3[%add3A, %dma_wait3A, %dma_wait3A_16] : memref<32x125x80xi32, #tpu.memory_space<hbm>> -> memref<1x125x80xi32, #tpu.memory_space<hbm>>
    %dma_wait3A_18 = tpu.memref_squeeze %dma_wait3A_17 : memref<1x125x80xi32, #tpu.memory_space<hbm>> -> memref<125x80xi32, #tpu.memory_space<hbm>>
    %dma_wait3A_19 = arith.constant 0 : i32
    %dma_wait3A_20 = arith.constant 0 : i32
    %dma_wait3A_21 = tpu.memref_slice %arg3[%add3A, %dma_wait3A_19, %dma_wait3A_20] : memref<32x125x80xi32, #tpu.memory_space<hbm>> -> memref<1x125x80xi32, #tpu.memory_space<hbm>>
    %dma_wait3A_22 = tpu.memref_squeeze %dma_wait3A_21 : memref<1x125x80xi32, #tpu.memory_space<hbm>> -> memref<125x80xi32, #tpu.memory_space<hbm>>
    tpu.wait_dma2 semaphore(%arg12 : memref<!tpu.dma_semaphore, #tpu.memory_space<semaphore_mem>>) src(%dma_wait3A_22 : memref<125x80xi32, #tpu.memory_space<hbm>>) dst(%arg7 : memref<125x80xi32, #tpu.memory_space<vmem>>)
    %get3A = arith.constant 0 : i32
    %get3A_23 = arith.index_cast %get3A : i32 to index
    %get3A_24 = arith.constant 0 : index
    %get3A_25 = tpu.vector_load %arg7[%get3A_23, %get3A_24] {strides = array<i32>} : memref<125x80xi32, #tpu.memory_space<vmem>>, vector<1x16xi32>,
    %get3A_26 = vector.shape_cast %get3A_25 : vector<1x16xi32> to vector<16xi32>
    %and3A = arith.constant 65535 : i32
    %and3A_27 = vector.broadcast %and3A : i32 to vector<16xi32>
    %and3A_28 = arith.andi %get3A_26, %and3A_27 : vector<16xi32>
    %swap3A = arith.constant 0 : i32
    %swap3A_29 = arith.index_cast %swap3A : i32 to index
    %swap3A_30 = arith.constant 0 : index
    %swap3A_31 = tpu.vector_load %arg8[%swap3A_29, %swap3A_30] {strides = array<i32>} : memref<3x80xi32, #tpu.memory_space<vmem>>, vector<1x16xi32>,
    %swap3A_32 = vector.shape_cast %swap3A_31 : vector<1x16xi32> to vector<16xi32>
    %swap3A_33 = vector.shape_cast %and3A_28 : vector<16xi32> to vector<1x16xi32>
    tpu.vector_store %arg8[%swap3A_29, %swap3A_30], %swap3A_33 {strides = array<i32>} : memref<3x80xi32, #tpu.memory_space<vmem>>, vector<1x16xi32>,
    %shift_right_logical3A = arith.constant 16 : i32
    %shift_right_logical3A_34 = vector.broadcast %shift_right_logical3A : i32 to vector<16xi32>
    %shift_right_logical3A_35 = arith.shrui %get3A_26, %shift_right_logical3A_34 : vector<16xi32>
    %swap3A_36 = arith.constant 0 : i32
    %swap3A_37 = arith.index_cast %swap3A_36 : i32 to index
    %swap3A_38 = arith.constant 0 : index
    %swap3A_39 = tpu.vector_load %arg9[%swap3A_37, %swap3A_38] {strides = array<i32>} : memref<3x80xi32, #tpu.memory_space<vmem>>, vector<1x16xi32>,
    %swap3A_40 = vector.shape_cast %swap3A_39 : vector<1x16xi32> to vector<16xi32>
    %swap3A_41 = vector.shape_cast %shift_right_logical3A_35 : vector<16xi32> to vector<1x16xi32>
    tpu.vector_store %arg9[%swap3A_37, %swap3A_38], %swap3A_41 {strides = array<i32>} : memref<3x80xi32, #tpu.memory_space<vmem>>, vector<1x16xi32>,
    %get3A_42 = arith.constant 0 : i32
    %get3A_43 = arith.index_cast %get3A_42 : i32 to index
    %get3A_44 = arith.constant 16 : index
    %get3A_45 = tpu.vector_load %arg7[%get3A_43, %get3A_44] {strides = array<i32>} : memref<125x80xi32, #tpu.memory_space<vmem>>, vector<1x16xi32>,
    %get3A_46 = vector.shape_cast %get3A_45 : vector<1x16xi32> to vector<16xi32>
    %and3A_47 = arith.constant 65535 : i32
    %and3A_48 = vector.broadcast %and3A_47 : i32 to vector<16xi32>
    %and3A_49 = arith.andi %get3A_46, %and3A_48 : vector<16xi32>
    %swap3A_50 = arith.constant 0 : i32
    %swap3A_51 = arith.index_cast %swap3A_50 : i32 to index
    %swap3A_52 = arith.constant 16 : index
    %swap3A_53 = tpu.vector_load %arg8[%swap3A_51, %swap3A_52] {strides = array<i32>} : memref<3x80xi32, #tpu.memory_space<vmem>>, vector<1x16xi32>,
    %swap3A_54 = vector.shape_cast %swap3A_53 : vector<1x16xi32> to vector<16xi32>
    %swap3A_55 = vector.shape_cast %and3A_49 : vector<16xi32> to vector<1x16xi32>
    tpu.vector_store %arg8[%swap3A_51, %swap3A_52], %swap3A_55 {strides = array<i32>} : memref<3x80xi32, #tpu.memory_space<vmem>>, vector<1x16xi32>,
    %shift_right_logical3A_56 = arith.constant 16 : i32
    %shift_right_logical3A_57 = vector.broadcast %shift_right_logical3A_56 : i32 to vector<16xi32>
    %shift_right_logical3A_58 = arith.shrui %get3A_46, %shift_right_logical3A_57 : vector<16xi32>
    %swap3A_59 = arith.constant 0 : i32
    %swap3A_60 = arith.index_cast %swap3A_59 : i32 to index
    %swap3A_61 = arith.constant 16 : index
    %swap3A_62 = tpu.vector_load %arg9[%swap3A_60, %swap3A_61] {strides = array<i32>} : memref<3x80xi32, #tpu.memory_space<vmem>>, vector<1x16xi32>,
    %swap3A_63 = vector.shape_cast %swap3A_62 : vector<1x16xi32> to vector<16xi32>
    %swap3A_64 = vector.shape_cast %shift_right_logical3A_58 : vector<16xi32> to vector<1x16xi32>
    tpu.vector_store %arg9[%swap3A_60, %swap3A_61], %swap3A_64 {strides = array<i32>} : memref<3x80xi32, #tpu.memory_space<vmem>>, vector<1x16xi32>,
    %get3A_65 = arith.constant 0 : i32
    %get3A_66 = arith.index_cast %get3A_65 : i32 to index
    %get3A_67 = arith.constant 32 : index
    %get3A_68 = tpu.vector_load %arg7[%get3A_66, %get3A_67] {strides = array<i32>} : memref<125x80xi32, #tpu.memory_space<vmem>>, vector<1x16xi32>,
    %get3A_69 = vector.shape_cast %get3A_68 : vector<1x16xi32> to vector<16xi32>
    %and3A_70 = arith.constant 65535 : i32
    %and3A_71 = vector.broadcast %and3A_70 : i32 to vector<16xi32>
    %and3A_72 = arith.andi %get3A_69, %and3A_71 : vector<16xi32>
    %swap3A_73 = arith.constant 0 : i32
    %swap3A_74 = arith.index_cast %swap3A_73 : i32 to index
    %swap3A_75 = arith.constant 32 : index
    %swap3A_76 = tpu.vector_load %arg8[%swap3A_74, %swap3A_75] {strides = array<i32>} : memref<3x80xi32, #tpu.memory_space<vmem>>, vector<1x16xi32>,
    %swap3A_77 = vector.shape_cast %swap3A_76 : vector<1x16xi32> to vector<16xi32>
    %swap3A_78 = vector.shape_cast %and3A_72 : vector<16xi32> to vector<1x16xi32>
    tpu.vector_store %arg8[%swap3A_74, %swap3A_75], %swap3A_78 {strides = array<i32>} : memref<3x80xi32, #tpu.memory_space<vmem>>, vector<1x16xi32>,
    %shift_right_logical3A_79 = arith.constant 16 : i32
    %shift_right_logical3A_80 = vector.broadcast %shift_right_logical3A_79 : i32 to vector<16xi32>
    %shift_right_logical3A_81 = arith.shrui %get3A_69, %shift_right_logical3A_80 : vector<16xi32>
    %swap3A_82 = arith.constant 0 : i32
    %swap3A_83 = arith.index_cast %swap3A_82 : i32 to index
    %swap3A_84 = arith.constant 32 : index
    %swap3A_85 = tpu.vector_load %arg9[%swap3A_83, %swap3A_84] {strides = array<i32>} : memref<3x80xi32, #tpu.memory_space<vmem>>, vector<1x16xi32>,
    %swap3A_86 = vector.shape_cast %swap3A_85 : vector<1x16xi32> to vector<16xi32>
    %swap3A_87 = vector.shape_cast %shift_right_logical3A_81 : vector<16xi32> to vector<1x16xi32>
    tpu.vector_store %arg9[%swap3A_83, %swap3A_84], %swap3A_87 {strides = array<i32>} : memref<3x80xi32, #tpu.memory_space<vmem>>, vector<1x16xi32>,
    %get3A_88 = arith.constant 0 : i32
    %get3A_89 = arith.index_cast %get3A_88 : i32 to index
    %get3A_90 = arith.constant 48 : index
    %get3A_91 = tpu.vector_load %arg7[%get3A_89, %get3A_90] {strides = array<i32>} : memref<125x80xi32, #tpu.memory_space<vmem>>, vector<1x16xi32>,
    %get3A_92 = vector.shape_cast %get3A_91 : vector<1x16xi32> to vector<16xi32>
    %and3A_93 = arith.constant 65535 : i32
    %and3A_94 = vector.broadcast %and3A_93 : i32 to vector<16xi32>
    %and3A_95 = arith.andi %get3A_92, %and3A_94 : vector<16xi32>
    %swap3A_96 = arith.constant 0 : i32
    %swap3A_97 = arith.index_cast %swap3A_96 : i32 to index
    %swap3A_98 = arith.constant 48 : index
    %swap3A_99 = tpu.vector_load %arg8[%swap3A_97, %swap3A_98] {strides = array<i32>} : memref<3x80xi32, #tpu.memory_space<vmem>>, vector<1x16xi32>,
    %swap3A_100 = vector.shape_cast %swap3A_99 : vector<1x16xi32> to vector<16xi32>
    %swap3A_101 = vector.shape_cast %and3A_95 : vector<16xi32> to vector<1x16xi32>
    tpu.vector_store %arg8[%swap3A_97, %swap3A_98], %swap3A_101 {strides = array<i32>} : memref<3x80xi32, #tpu.memory_space<vmem>>, vector<1x16xi32>,
    %shift_right_logical3A_102 = arith.constant 16 : i32
    %shift_right_logical3A_103 = vector.broadcast %shift_right_logical3A_102 : i32 to vector<16xi32>
    %shift_right_logical3A_104 = arith.shrui %get3A_92, %shift_right_logical3A_103 : vector<16xi32>
    %swap3A_105 = arith.constant 0 : i32
    %swap3A_106 = arith.index_cast %swap3A_105 : i32 to index
    %swap3A_107 = arith.constant 48 : index
    %swap3A_108 = tpu.vector_load %arg9[%swap3A_106, %swap3A_107] {strides = array<i32>} : memref<3x80xi32, #tpu.memory_space<vmem>>, vector<1x16xi32>,
    %swap3A_109 = vector.shape_cast %swap3A_108 : vector<1x16xi32> to vector<16xi32>
    %swap3A_110 = vector.shape_cast %shift_right_logical3A_104 : vector<16xi32> to vector<1x16xi32>
    tpu.vector_store %arg9[%swap3A_106, %swap3A_107], %swap3A_110 {strides = array<i32>} : memref<3x80xi32, #tpu.memory_space<vmem>>, vector<1x16xi32>,
    %get3A_111 = arith.constant 0 : i32
    %get3A_112 = arith.index_cast %get3A_111 : i32 to index
    %get3A_113 = arith.constant 64 : index
    %get3A_114 = tpu.vector_load %arg7[%get3A_112, %get3A_113] {strides = array<i32>} : memref<125x80xi32, #tpu.memory_space<vmem>>, vector<1x16xi32>,
    %get3A_115 = vector.shape_cast %get3A_114 : vector<1x16xi32> to vector<16xi32>
    %and3A_116 = arith.constant 65535 : i32
    %and3A_117 = vector.broadcast %and3A_116 : i32 to vector<16xi32>
    %and3A_118 = arith.andi %get3A_115, %and3A_117 : vector<16xi32>
    %swap3A_119 = arith.constant 0 : i32
    %swap3A_120 = arith.index_cast %swap3A_119 : i32 to index
    %swap3A_121 = arith.constant 64 : index
    %swap3A_122 = tpu.vector_load %arg8[%swap3A_120, %swap3A_121] {strides = array<i32>} : memref<3x80xi32, #tpu.memory_space<vmem>>, vector<1x16xi32>,
    %swap3A_123 = vector.shape_cast %swap3A_122 : vector<1x16xi32> to vector<16xi32>
    %swap3A_124 = vector.shape_cast %and3A_118 : vector<16xi32> to vector<1x16xi32>
    tpu.vector_store %arg8[%swap3A_120, %swap3A_121], %swap3A_124 {strides = array<i32>} : memref<3x80xi32, #tpu.memory_space<vmem>>, vector<1x16xi32>,
    %shift_right_logical3A_125 = arith.constant 16 : i32
    %shift_right_logical3A_126 = vector.broadcast %shift_right_logical3A_125 : i32 to vector<16xi32>
    %shift_right_logical3A_127 = arith.shrui %get3A_115, %shift_right_logical3A_126 : vector<16xi32>
    %swap3A_128 = arith.constant 0 : i32
    %swap3A_129 = arith.index_cast %swap3A_128 : i32 to index
    %swap3A_130 = arith.constant 64 : index
    %swap3A_131 = tpu.vector_load %arg9[%swap3A_129, %swap3A_130] {strides = array<i32>} : memref<3x80xi32, #tpu.memory_space<vmem>>, vector<1x16xi32>,
    %swap3A_132 = vector.shape_cast %swap3A_131 : vector<1x16xi32> to vector<16xi32>
    %swap3A_133 = vector.shape_cast %shift_right_logical3A_127 : vector<16xi32> to vector<1x16xi32>
    tpu.vector_store %arg9[%swap3A_129, %swap3A_130], %swap3A_133 {strides = array<i32>} : memref<3x80xi32, #tpu.memory_space<vmem>>, vector<1x16xi32>,
    %dma_start3A_134 = arith.constant 0 : i32
    %dma_start3A_135 = arith.constant 0 : i32
    %dma_start3A_136 = arith.constant 0 : i32
    %dma_start3A_137 = arith.constant 0 : i32
    %dma_start3A_138 = tpu.memref_slice %arg10[%dma_start3A_135, %dma_start3A_136, %dma_start3A_137] : memref<3x80x128xf32, #tpu.memory_space<vmem>> -> memref<1x80x128xf32, #tpu.memory_space<vmem>>
    %dma_start3A_139 = tpu.memref_squeeze %dma_start3A_138 : memref<1x80x128xf32, #tpu.memory_space<vmem>> -> memref<80x128xf32, #tpu.memory_space<vmem>>
    %dma_start3A_140 = arith.constant 0 : i32
    %dma_start3A_141 = tpu.memref_slice %arg8[%dma_start3A_134, %dma_start3A_140] : memref<3x80xi32, #tpu.memory_space<vmem>> -> memref<1x80xi32, #tpu.memory_space<vmem>>
    %dma_start3A_142 = tpu.memref_squeeze %dma_start3A_141 : memref<1x80xi32, #tpu.memory_space<vmem>> -> memref<80xi32, #tpu.memory_space<vmem>>
    %dma_start3A_143 = arith.constant 0 : i32
    %dma_start3A_144 = arith.constant 0 : i32
    %dma_start3A_145 = tpu.memref_slice %arg2[%dma_start3A_143, %dma_start3A_144] : memref<10000x128xf32, #tpu.memory_space<hbm>> -> memref<10000x128xf32, #tpu.memory_space<hbm>>
    tpu.enqueue_indirect_dma source(%dma_start3A_145 : memref<10000x128xf32, #tpu.memory_space<hbm>>) target(%dma_start3A_139 : memref<80x128xf32, #tpu.memory_space<vmem>>) offsets(%dma_start3A_142 : memref<80xi32, #tpu.memory_space<vmem>>) semaphore(%arg11 : memref<!tpu.dma_semaphore, #tpu.memory_space<semaphore_mem>>)
    %get3A_146 = arith.constant 1 : i32
    %get3A_147 = arith.index_cast %get3A_146 : i32 to index
    %get3A_148 = arith.constant 0 : index
    %get3A_149 = tpu.vector_load %arg7[%get3A_147, %get3A_148] {strides = array<i32>} : memref<125x80xi32, #tpu.memory_space<vmem>>, vector<1x16xi32>,
    %get3A_150 = vector.shape_cast %get3A_149 : vector<1x16xi32> to vector<16xi32>
    %and3A_151 = arith.constant 65535 : i32
    %and3A_152 = vector.broadcast %and3A_151 : i32 to vector<16xi32>
    %and3A_153 = arith.andi %get3A_150, %and3A_152 : vector<16xi32>
    %swap3A_154 = arith.constant 1 : i32
    %swap3A_155 = arith.index_cast %swap3A_154 : i32 to index
    %swap3A_156 = arith.constant 0 : index
    %swap3A_157 = tpu.vector_load %arg8[%swap3A_155, %swap3A_156] {strides = array<i32>} : memref<3x80xi32, #tpu.memory_space<vmem>>, vector<1x16xi32>,
    %swap3A_158 = vector.shape_cast %swap3A_157 : vector<1x16xi32> to vector<16xi32>
    %swap3A_159 = vector.shape_cast %and3A_153 : vector<16xi32> to vector<1x16xi32>
    tpu.vector_store %arg8[%swap3A_155, %swap3A_156], %swap3A_159 {strides = array<i32>} : memref<3x80xi32, #tpu.memory_space<vmem>>, vector<1x16xi32>,
    %shift_right_logical3A_160 = arith.constant 16 : i32
    %shift_right_logical3A_161 = vector.broadcast %shift_right_logical3A_160 : i32 to vector<16xi32>
    %shift_right_logical3A_162 = arith.shrui %get3A_150, %shift_right_logical3A_161 : vector<16xi32>
    %swap3A_163 = arith.constant 1 : i32
    %swap3A_164 = arith.index_cast %swap3A_163 : i32 to index
    %swap3A_165 = arith.constant 0 : index
    %swap3A_166 = tpu.vector_load %arg9[%swap3A_164, %swap3A_165] {strides = array<i32>} : memref<3x80xi32, #tpu.memory_space<vmem>>, vector<1x16xi32>,
    %swap3A_167 = vector.shape_cast %swap3A_166 : vector<1x16xi32> to vector<16xi32>
    %swap3A_168 = vector.shape_cast %shift_right_logical3A_162 : vector<16xi32> to vector<1x16xi32>
    tpu.vector_store %arg9[%swap3A_164, %swap3A_165], %swap3A_168 {strides = array<i32>} : memref<3x80xi32, #tpu.memory_space<vmem>>, vector<1x16xi32>,
    %get3A_169 = arith.constant 1 : i32
    %get3A_170 = arith.index_cast %get3A_169 : i32 to index
    %get3A_171 = arith.constant 16 : index
    %get3A_172 = tpu.vector_load %arg7[%get3A_170, %get3A_171] {strides = array<i32>} : memref<125x80xi32, #tpu.memory_space<vmem>>, vector<1x16xi32>,
    %get3A_173 = vector.shape_cast %get3A_172 : vector<1x16xi32> to vector<16xi32>
    %and3A_174 = arith.constant 65535 : i32
    %and3A_175 = vector.broadcast %and3A_174 : i32 to vector<16xi32>
    %and3A_176 = arith.andi %get3A_173, %and3A_175 : vector<16xi32>
    %swap3A_177 = arith.constant 1 : i32
    %swap3A_178 = arith.index_cast %swap3A_177 : i32 to index
    %swap3A_179 = arith.constant 16 : index
    %swap3A_180 = tpu.vector_load %arg8[%swap3A_178, %swap3A_179] {strides = array<i32>} : memref<3x80xi32, #tpu.memory_space<vmem>>, vector<1x16xi32>,
    %swap3A_181 = vector.shape_cast %swap3A_180 : vector<1x16xi32> to vector<16xi32>
    %swap3A_182 = vector.shape_cast %and3A_176 : vector<16xi32> to vector<1x16xi32>
    tpu.vector_store %arg8[%swap3A_178, %swap3A_179], %swap3A_182 {strides = array<i32>} : memref<3x80xi32, #tpu.memory_space<vmem>>, vector<1x16xi32>,
    %shift_right_logical3A_183 = arith.constant 16 : i32
    %shift_right_logical3A_184 = vector.broadcast %shift_right_logical3A_183 : i32 to vector<16xi32>
    %shift_right_logical3A_185 = arith.shrui %get3A_173, %shift_right_logical3A_184 : vector<16xi32>
    %swap3A_186 = arith.constant 1 : i32
    %swap3A_187 = arith.index_cast %swap3A_186 : i32 to index
    %swap3A_188 = arith.constant 16 : index
    %swap3A_189 = tpu.vector_load %arg9[%swap3A_187, %swap3A_188] {strides = array<i32>} : memref<3x80xi32, #tpu.memory_space<vmem>>, vector<1x16xi32>,
    %swap3A_190 = vector.shape_cast %swap3A_189 : vector<1x16xi32> to vector<16xi32>
    %swap3A_191 = vector.shape_cast %shift_right_logical3A_185 : vector<16xi32> to vector<1x16xi32>
    tpu.vector_store %arg9[%swap3A_187, %swap3A_188], %swap3A_191 {strides = array<i32>} : memref<3x80xi32, #tpu.memory_space<vmem>>, vector<1x16xi32>,
    %get3A_192 = arith.constant 1 : i32
    %get3A_193 = arith.index_cast %get3A_192 : i32 to index
    %get3A_194 = arith.constant 32 : index
    %get3A_195 = tpu.vector_load %arg7[%get3A_193, %get3A_194] {strides = array<i32>} : memref<125x80xi32, #tpu.memory_space<vmem>>, vector<1x16xi32>,
    %get3A_196 = vector.shape_cast %get3A_195 : vector<1x16xi32> to vector<16xi32>
    %and3A_197 = arith.constant 65535 : i32
    %and3A_198 = vector.broadcast %and3A_197 : i32 to vector<16xi32>
    %and3A_199 = arith.andi %get3A_196, %and3A_198 : vector<16xi32>
    %swap3A_200 = arith.constant 1 : i32
    %swap3A_201 = arith.index_cast %swap3A_200 : i32 to index
    %swap3A_202 = arith.constant 32 : index
    %swap3A_203 = tpu.vector_load %arg8[%swap3A_201, %swap3A_202] {strides = array<i32>} : memref<3x80xi32, #tpu.memory_space<vmem>>, vector<1x16xi32>,
    %swap3A_204 = vector.shape_cast %swap3A_203 : vector<1x16xi32> to vector<16xi32>
    %swap3A_205 = vector.shape_cast %and3A_199 : vector<16xi32> to vector<1x16xi32>
    tpu.vector_store %arg8[%swap3A_201, %swap3A_202], %swap3A_205 {strides = array<i32>} : memref<3x80xi32, #tpu.memory_space<vmem>>, vector<1x16xi32>,
    %shift_right_logical3A_206 = arith.constant 16 : i32
    %shift_right_logical3A_207 = vector.broadcast %shift_right_logical3A_206 : i32 to vector<16xi32>
    %shift_right_logical3A_208 = arith.shrui %get3A_196, %shift_right_logical3A_207 : vector<16xi32>
    %swap3A_209 = arith.constant 1 : i32
    %swap3A_210 = arith.index_cast %swap3A_209 : i32 to index
    %swap3A_211 = arith.constant 32 : index
    %swap3A_212 = tpu.vector_load %arg9[%swap3A_210, %swap3A_211] {strides = array<i32>} : memref<3x80xi32, #tpu.memory_space<vmem>>, vector<1x16xi32>,
    %swap3A_213 = vector.shape_cast %swap3A_212 : vector<1x16xi32> to vector<16xi32>
    %swap3A_214 = vector.shape_cast %shift_right_logical3A_208 : vector<16xi32> to vector<1x16xi32>
    tpu.vector_store %arg9[%swap3A_210, %swap3A_211], %swap3A_214 {strides = array<i32>} : memref<3x80xi32, #tpu.memory_space<vmem>>, vector<1x16xi32>,
    %get3A_215 = arith.constant 1 : i32
    %get3A_216 = arith.index_cast %get3A_215 : i32 to index
    %get3A_217 = arith.constant 48 : index
    %get3A_218 = tpu.vector_load %arg7[%get3A_216, %get3A_217] {strides = array<i32>} : memref<125x80xi32, #tpu.memory_space<vmem>>, vector<1x16xi32>,
    %get3A_219 = vector.shape_cast %get3A_218 : vector<1x16xi32> to vector<16xi32>
    %and3A_220 = arith.constant 65535 : i32
    %and3A_221 = vector.broadcast %and3A_220 : i32 to vector<16xi32>
    %and3A_222 = arith.andi %get3A_219, %and3A_221 : vector<16xi32>
    %swap3A_223 = arith.constant 1 : i32
    %swap3A_224 = arith.index_cast %swap3A_223 : i32 to index
    %swap3A_225 = arith.constant 48 : index
    %swap3A_226 = tpu.vector_load %arg8[%swap3A_224, %swap3A_225] {strides = array<i32>} : memref<3x80xi32, #tpu.memory_space<vmem>>, vector<1x16xi32>,
    %swap3A_227 = vector.shape_cast %swap3A_226 : vector<1x16xi32> to vector<16xi32>
    %swap3A_228 = vector.shape_cast %and3A_222 : vector<16xi32> to vector<1x16xi32>
    tpu.vector_store %arg8[%swap3A_224, %swap3A_225], %swap3A_228 {strides = array<i32>} : memref<3x80xi32, #tpu.memory_space<vmem>>, vector<1x16xi32>,
    %shift_right_logical3A_229 = arith.constant 16 : i32
    %shift_right_logical3A_230 = vector.broadcast %shift_right_logical3A_229 : i32 to vector<16xi32>
    %shift_right_logical3A_231 = arith.shrui %get3A_219, %shift_right_logical3A_230 : vector<16xi32>
    %swap3A_232 = arith.constant 1 : i32
    %swap3A_233 = arith.index_cast %swap3A_232 : i32 to index
    %swap3A_234 = arith.constant 48 : index
    %swap3A_235 = tpu.vector_load %arg9[%swap3A_233, %swap3A_234] {strides = array<i32>} : memref<3x80xi32, #tpu.memory_space<vmem>>, vector<1x16xi32>,
    %swap3A_236 = vector.shape_cast %swap3A_235 : vector<1x16xi32> to vector<16xi32>
    %swap3A_237 = vector.shape_cast %shift_right_logical3A_231 : vector<16xi32> to vector<1x16xi32>
    tpu.vector_store %arg9[%swap3A_233, %swap3A_234], %swap3A_237 {strides = array<i32>} : memref<3x80xi32, #tpu.memory_space<vmem>>, vector<1x16xi32>,
    %get3A_238 = arith.constant 1 : i32
    %get3A_239 = arith.index_cast %get3A_238 : i32 to index
    %get3A_240 = arith.constant 64 : index
    %get3A_241 = tpu.vector_load %arg7[%get3A_239, %get3A_240] {strides = array<i32>} : memref<125x80xi32, #tpu.memory_space<vmem>>, vector<1x16xi32>,
    %get3A_242 = vector.shape_cast %get3A_241 : vector<1x16xi32> to vector<16xi32>
    %and3A_243 = arith.constant 65535 : i32
    %and3A_244 = vector.broadcast %and3A_243 : i32 to vector<16xi32>
    %and3A_245 = arith.andi %get3A_242, %and3A_244 : vector<16xi32>
    %swap3A_246 = arith.constant 1 : i32
    %swap3A_247 = arith.index_cast %swap3A_246 : i32 to index
    %swap3A_248 = arith.constant 64 : index
    %swap3A_249 = tpu.vector_load %arg8[%swap3A_247, %swap3A_248] {strides = array<i32>} : memref<3x80xi32, #tpu.memory_space<vmem>>, vector<1x16xi32>,
    %swap3A_250 = vector.shape_cast %swap3A_249 : vector<1x16xi32> to vector<16xi32>
    %swap3A_251 = vector.shape_cast %and3A_245 : vector<16xi32> to vector<1x16xi32>
    tpu.vector_store %arg8[%swap3A_247, %swap3A_248], %swap3A_251 {strides = array<i32>} : memref<3x80xi32, #tpu.memory_space<vmem>>, vector<1x16xi32>,
    %shift_right_logical3A_252 = arith.constant 16 : i32
    %shift_right_logical3A_253 = vector.broadcast %shift_right_logical3A_252 : i32 to vector<16xi32>
    %shift_right_logical3A_254 = arith.shrui %get3A_242, %shift_right_logical3A_253 : vector<16xi32>
    %swap3A_255 = arith.constant 1 : i32
    %swap3A_256 = arith.index_cast %swap3A_255 : i32 to index
    %swap3A_257 = arith.constant 64 : index
    %swap3A_258 = tpu.vector_load %arg9[%swap3A_256, %swap3A_257] {strides = array<i32>} : memref<3x80xi32, #tpu.memory_space<vmem>>, vector<1x16xi32>,
    %swap3A_259 = vector.shape_cast %swap3A_258 : vector<1x16xi32> to vector<16xi32>
    %swap3A_260 = vector.shape_cast %shift_right_logical3A_254 : vector<16xi32> to vector<1x16xi32>
    tpu.vector_store %arg9[%swap3A_256, %swap3A_257], %swap3A_260 {strides = array<i32>} : memref<3x80xi32, #tpu.memory_space<vmem>>, vector<1x16xi32>,
    %dma_start3A_261 = arith.constant 1 : i32
    %dma_start3A_262 = arith.constant 1 : i32
    %dma_start3A_263 = arith.constant 0 : i32
    %dma_start3A_264 = arith.constant 0 : i32
    %dma_start3A_265 = tpu.memref_slice %arg10[%dma_start3A_262, %dma_start3A_263, %dma_start3A_264] : memref<3x80x128xf32, #tpu.memory_space<vmem>> -> memref<1x80x128xf32, #tpu.memory_space<vmem>>
    %dma_start3A_266 = tpu.memref_squeeze %dma_start3A_265 : memref<1x80x128xf32, #tpu.memory_space<vmem>> -> memref<80x128xf32, #tpu.memory_space<vmem>>
    %dma_start3A_267 = arith.constant 0 : i32
    %dma_start3A_268 = tpu.memref_slice %arg8[%dma_start3A_261, %dma_start3A_267] : memref<3x80xi32, #tpu.memory_space<vmem>> -> memref<1x80xi32, #tpu.memory_space<vmem>>
    %dma_start3A_269 = tpu.memref_squeeze %dma_start3A_268 : memref<1x80xi32, #tpu.memory_space<vmem>> -> memref<80xi32, #tpu.memory_space<vmem>>
    %dma_start3A_270 = arith.constant 0 : i32
    %dma_start3A_271 = arith.constant 0 : i32
    %dma_start3A_272 = tpu.memref_slice %arg2[%dma_start3A_270, %dma_start3A_271] : memref<10000x128xf32, #tpu.memory_space<hbm>> -> memref<10000x128xf32, #tpu.memory_space<hbm>>
    tpu.enqueue_indirect_dma source(%dma_start3A_272 : memref<10000x128xf32, #tpu.memory_space<hbm>>) target(%dma_start3A_266 : memref<80x128xf32, #tpu.memory_space<vmem>>) offsets(%dma_start3A_269 : memref<80xi32, #tpu.memory_space<vmem>>) semaphore(%arg11 : memref<!tpu.dma_semaphore, #tpu.memory_space<semaphore_mem>>)
    %get3A_273 = arith.constant 2 : i32
    %get3A_274 = arith.index_cast %get3A_273 : i32 to index
    %get3A_275 = arith.constant 0 : index
    %get3A_276 = tpu.vector_load %arg7[%get3A_274, %get3A_275] {strides = array<i32>} : memref<125x80xi32, #tpu.memory_space<vmem>>, vector<1x16xi32>,
    %get3A_277 = vector.shape_cast %get3A_276 : vector<1x16xi32> to vector<16xi32>
    %and3A_278 = arith.constant 65535 : i32
    %and3A_279 = vector.broadcast %and3A_278 : i32 to vector<16xi32>
    %and3A_280 = arith.andi %get3A_277, %and3A_279 : vector<16xi32>
    %swap3A_281 = arith.constant 2 : i32
    %swap3A_282 = arith.index_cast %swap3A_281 : i32 to index
    %swap3A_283 = arith.constant 0 : index
    %swap3A_284 = tpu.vector_load %arg8[%swap3A_282, %swap3A_283] {strides = array<i32>} : memref<3x80xi32, #tpu.memory_space<vmem>>, vector<1x16xi32>,
    %swap3A_285 = vector.shape_cast %swap3A_284 : vector<1x16xi32> to vector<16xi32>
    %swap3A_286 = vector.shape_cast %and3A_280 : vector<16xi32> to vector<1x16xi32>
    tpu.vector_store %arg8[%swap3A_282, %swap3A_283], %swap3A_286 {strides = array<i32>} : memref<3x80xi32, #tpu.memory_space<vmem>>, vector<1x16xi32>,
    %shift_right_logical3A_287 = arith.constant 16 : i32
    %shift_right_logical3A_288 = vector.broadcast %shift_right_logical3A_287 : i32 to vector<16xi32>
    %shift_right_logical3A_289 = arith.shrui %get3A_277, %shift_right_logical3A_288 : vector<16xi32>
    %swap3A_290 = arith.constant 2 : i32
    %swap3A_291 = arith.index_cast %swap3A_290 : i32 to index
    %swap3A_292 = arith.constant 0 : index
    %swap3A_293 = tpu.vector_load %arg9[%swap3A_291, %swap3A_292] {strides = array<i32>} : memref<3x80xi32, #tpu.memory_space<vmem>>, vector<1x16xi32>,
    %swap3A_294 = vector.shape_cast %swap3A_293 : vector<1x16xi32> to vector<16xi32>
    %swap3A_295 = vector.shape_cast %shift_right_logical3A_289 : vector<16xi32> to vector<1x16xi32>
    tpu.vector_store %arg9[%swap3A_291, %swap3A_292], %swap3A_295 {strides = array<i32>} : memref<3x80xi32, #tpu.memory_space<vmem>>, vector<1x16xi32>,
    %get3A_296 = arith.constant 2 : i32
    %get3A_297 = arith.index_cast %get3A_296 : i32 to index
    %get3A_298 = arith.constant 16 : index
    %get3A_299 = tpu.vector_load %arg7[%get3A_297, %get3A_298] {strides = array<i32>} : memref<125x80xi32, #tpu.memory_space<vmem>>, vector<1x16xi32>,
    %get3A_300 = vector.shape_cast %get3A_299 : vector<1x16xi32> to vector<16xi32>
    %and3A_301 = arith.constant 65535 : i32
    %and3A_302 = vector.broadcast %and3A_301 : i32 to vector<16xi32>
    %and3A_303 = arith.andi %get3A_300, %and3A_302 : vector<16xi32>
    %swap3A_304 = arith.constant 2 : i32
    %swap3A_305 = arith.index_cast %swap3A_304 : i32 to index
    %swap3A_306 = arith.constant 16 : index
    %swap3A_307 = tpu.vector_load %arg8[%swap3A_305, %swap3A_306] {strides = array<i32>} : memref<3x80xi32, #tpu.memory_space<vmem>>, vector<1x16xi32>,
    %swap3A_308 = vector.shape_cast %swap3A_307 : vector<1x16xi32> to vector<16xi32>
    %swap3A_309 = vector.shape_cast %and3A_303 : vector<16xi32> to vector<1x16xi32>
    tpu.vector_store %arg8[%swap3A_305, %swap3A_306], %swap3A_309 {strides = array<i32>} : memref<3x80xi32, #tpu.memory_space<vmem>>, vector<1x16xi32>,
    %shift_right_logical3A_310 = arith.constant 16 : i32
    %shift_right_logical3A_311 = vector.broadcast %shift_right_logical3A_310 : i32 to vector<16xi32>
    %shift_right_logical3A_312 = arith.shrui %get3A_300, %shift_right_logical3A_311 : vector<16xi32>
    %swap3A_313 = arith.constant 2 : i32
    %swap3A_314 = arith.index_cast %swap3A_313 : i32 to index
    %swap3A_315 = arith.constant 16 : index
    %swap3A_316 = tpu.vector_load %arg9[%swap3A_314, %swap3A_315] {strides = array<i32>} : memref<3x80xi32, #tpu.memory_space<vmem>>, vector<1x16xi32>,
    %swap3A_317 = vector.shape_cast %swap3A_316 : vector<1x16xi32> to vector<16xi32>
    %swap3A_318 = vector.shape_cast %shift_right_logical3A_312 : vector<16xi32> to vector<1x16xi32>
    tpu.vector_store %arg9[%swap3A_314, %swap3A_315], %swap3A_318 {strides = array<i32>} : memref<3x80xi32, #tpu.memory_space<vmem>>, vector<1x16xi32>,
    %get3A_319 = arith.constant 2 : i32
    %get3A_320 = arith.index_cast %get3A_319 : i32 to index
    %get3A_321 = arith.constant 32 : index
    %get3A_322 = tpu.vector_load %arg7[%get3A_320, %get3A_321] {strides = array<i32>} : memref<125x80xi32, #tpu.memory_space<vmem>>, vector<1x16xi32>,
    %get3A_323 = vector.shape_cast %get3A_322 : vector<1x16xi32> to vector<16xi32>
    %and3A_324 = arith.constant 65535 : i32
    %and3A_325 = vector.broadcast %and3A_324 : i32 to vector<16xi32>
    %and3A_326 = arith.andi %get3A_323, %and3A_325 : vector<16xi32>
    %swap3A_327 = arith.constant 2 : i32
    %swap3A_328 = arith.index_cast %swap3A_327 : i32 to index
    %swap3A_329 = arith.constant 32 : index
    %swap3A_330 = tpu.vector_load %arg8[%swap3A_328, %swap3A_329] {strides = array<i32>} : memref<3x80xi32, #tpu.memory_space<vmem>>, vector<1x16xi32>,
    %swap3A_331 = vector.shape_cast %swap3A_330 : vector<1x16xi32> to vector<16xi32>
    %swap3A_332 = vector.shape_cast %and3A_326 : vector<16xi32> to vector<1x16xi32>
    tpu.vector_store %arg8[%swap3A_328, %swap3A_329], %swap3A_332 {strides = array<i32>} : memref<3x80xi32, #tpu.memory_space<vmem>>, vector<1x16xi32>,
    %shift_right_logical3A_333 = arith.constant 16 : i32
    %shift_right_logical3A_334 = vector.broadcast %shift_right_logical3A_333 : i32 to vector<16xi32>
    %shift_right_logical3A_335 = arith.shrui %get3A_323, %shift_right_logical3A_334 : vector<16xi32>
    %swap3A_336 = arith.constant 2 : i32
    %swap3A_337 = arith.index_cast %swap3A_336 : i32 to index
    %swap3A_338 = arith.constant 32 : index
    %swap3A_339 = tpu.vector_load %arg9[%swap3A_337, %swap3A_338] {strides = array<i32>} : memref<3x80xi32, #tpu.memory_space<vmem>>, vector<1x16xi32>,
    %swap3A_340 = vector.shape_cast %swap3A_339 : vector<1x16xi32> to vector<16xi32>
    %swap3A_341 = vector.shape_cast %shift_right_logical3A_335 : vector<16xi32> to vector<1x16xi32>
    tpu.vector_store %arg9[%swap3A_337, %swap3A_338], %swap3A_341 {strides = array<i32>} : memref<3x80xi32, #tpu.memory_space<vmem>>, vector<1x16xi32>,
    %get3A_342 = arith.constant 2 : i32
    %get3A_343 = arith.index_cast %get3A_342 : i32 to index
    %get3A_344 = arith.constant 48 : index
    %get3A_345 = tpu.vector_load %arg7[%get3A_343, %get3A_344] {strides = array<i32>} : memref<125x80xi32, #tpu.memory_space<vmem>>, vector<1x16xi32>,
    %get3A_346 = vector.shape_cast %get3A_345 : vector<1x16xi32> to vector<16xi32>
    %and3A_347 = arith.constant 65535 : i32
    %and3A_348 = vector.broadcast %and3A_347 : i32 to vector<16xi32>
    %and3A_349 = arith.andi %get3A_346, %and3A_348 : vector<16xi32>
    %swap3A_350 = arith.constant 2 : i32
    %swap3A_351 = arith.index_cast %swap3A_350 : i32 to index
    %swap3A_352 = arith.constant 48 : index
    %swap3A_353 = tpu.vector_load %arg8[%swap3A_351, %swap3A_352] {strides = array<i32>} : memref<3x80xi32, #tpu.memory_space<vmem>>, vector<1x16xi32>,
    %swap3A_354 = vector.shape_cast %swap3A_353 : vector<1x16xi32> to vector<16xi32>
    %swap3A_355 = vector.shape_cast %and3A_349 : vector<16xi32> to vector<1x16xi32>
    tpu.vector_store %arg8[%swap3A_351, %swap3A_352], %swap3A_355 {strides = array<i32>} : memref<3x80xi32, #tpu.memory_space<vmem>>, vector<1x16xi32>,
    %shift_right_logical3A_356 = arith.constant 16 : i32
    %shift_right_logical3A_357 = vector.broadcast %shift_right_logical3A_356 : i32 to vector<16xi32>
    %shift_right_logical3A_358 = arith.shrui %get3A_346, %shift_right_logical3A_357 : vector<16xi32>
    %swap3A_359 = arith.constant 2 : i32
    %swap3A_360 = arith.index_cast %swap3A_359 : i32 to index
    %swap3A_361 = arith.constant 48 : index
    %swap3A_362 = tpu.vector_load %arg9[%swap3A_360, %swap3A_361] {strides = array<i32>} : memref<3x80xi32, #tpu.memory_space<vmem>>, vector<1x16xi32>,
    %swap3A_363 = vector.shape_cast %swap3A_362 : vector<1x16xi32> to vector<16xi32>
    %swap3A_364 = vector.shape_cast %shift_right_logical3A_358 : vector<16xi32> to vector<1x16xi32>
    tpu.vector_store %arg9[%swap3A_360, %swap3A_361], %swap3A_364 {strides = array<i32>} : memref<3x80xi32, #tpu.memory_space<vmem>>, vector<1x16xi32>,
    %get3A_365 = arith.constant 2 : i32
    %get3A_366 = arith.index_cast %get3A_365 : i32 to index
    %get3A_367 = arith.constant 64 : index
    %get3A_368 = tpu.vector_load %arg7[%get3A_366, %get3A_367] {strides = array<i32>} : memref<125x80xi32, #tpu.memory_space<vmem>>, vector<1x16xi32>,
    %get3A_369 = vector.shape_cast %get3A_368 : vector<1x16xi32> to vector<16xi32>
    %and3A_370 = arith.constant 65535 : i32
    %and3A_371 = vector.broadcast %and3A_370 : i32 to vector<16xi32>
    %and3A_372 = arith.andi %get3A_369, %and3A_371 : vector<16xi32>
    %swap3A_373 = arith.constant 2 : i32
    %swap3A_374 = arith.index_cast %swap3A_373 : i32 to index
    %swap3A_375 = arith.constant 64 : index
    %swap3A_376 = tpu.vector_load %arg8[%swap3A_374, %swap3A_375] {strides = array<i32>} : memref<3x80xi32, #tpu.memory_space<vmem>>, vector<1x16xi32>,
    %swap3A_377 = vector.shape_cast %swap3A_376 : vector<1x16xi32> to vector<16xi32>
    %swap3A_378 = vector.shape_cast %and3A_372 : vector<16xi32> to vector<1x16xi32>
    tpu.vector_store %arg8[%swap3A_374, %swap3A_375], %swap3A_378 {strides = array<i32>} : memref<3x80xi32, #tpu.memory_space<vmem>>, vector<1x16xi32>,
    %shift_right_logical3A_379 = arith.constant 16 : i32
    %shift_right_logical3A_380 = vector.broadcast %shift_right_logical3A_379 : i32 to vector<16xi32>
    %shift_right_logical3A_381 = arith.shrui %get3A_369, %shift_right_logical3A_380 : vector<16xi32>
    %swap3A_382 = arith.constant 2 : i32
    %swap3A_383 = arith.index_cast %swap3A_382 : i32 to index
    %swap3A_384 = arith.constant 64 : index
    %swap3A_385 = tpu.vector_load %arg9[%swap3A_383, %swap3A_384] {strides = array<i32>} : memref<3x80xi32, #tpu.memory_space<vmem>>, vector<1x16xi32>,
    %swap3A_386 = vector.shape_cast %swap3A_385 : vector<1x16xi32> to vector<16xi32>
    %swap3A_387 = vector.shape_cast %shift_right_logical3A_381 : vector<16xi32> to vector<1x16xi32>
    tpu.vector_store %arg9[%swap3A_383, %swap3A_384], %swap3A_387 {strides = array<i32>} : memref<3x80xi32, #tpu.memory_space<vmem>>, vector<1x16xi32>,
    %dma_start3A_388 = arith.constant 2 : i32
    %dma_start3A_389 = arith.constant 2 : i32
    %dma_start3A_390 = arith.constant 0 : i32
    %dma_start3A_391 = arith.constant 0 : i32
    %dma_start3A_392 = tpu.memref_slice %arg10[%dma_start3A_389, %dma_start3A_390, %dma_start3A_391] : memref<3x80x128xf32, #tpu.memory_space<vmem>> -> memref<1x80x128xf32, #tpu.memory_space<vmem>>
    %dma_start3A_393 = tpu.memref_squeeze %dma_start3A_392 : memref<1x80x128xf32, #tpu.memory_space<vmem>> -> memref<80x128xf32, #tpu.memory_space<vmem>>
    %dma_start3A_394 = arith.constant 0 : i32
    %dma_start3A_395 = tpu.memref_slice %arg8[%dma_start3A_388, %dma_start3A_394] : memref<3x80xi32, #tpu.memory_space<vmem>> -> memref<1x80xi32, #tpu.memory_space<vmem>>
    %dma_start3A_396 = tpu.memref_squeeze %dma_start3A_395 : memref<1x80xi32, #tpu.memory_space<vmem>> -> memref<80xi32, #tpu.memory_space<vmem>>
    %dma_start3A_397 = arith.constant 0 : i32
    %dma_start3A_398 = arith.constant 0 : i32
    %dma_start3A_399 = tpu.memref_slice %arg2[%dma_start3A_397, %dma_start3A_398] : memref<10000x128xf32, #tpu.memory_space<hbm>> -> memref<10000x128xf32, #tpu.memory_space<hbm>>
    tpu.enqueue_indirect_dma source(%dma_start3A_399 : memref<10000x128xf32, #tpu.memory_space<hbm>>) target(%dma_start3A_393 : memref<80x128xf32, #tpu.memory_space<vmem>>) offsets(%dma_start3A_396 : memref<80xi32, #tpu.memory_space<vmem>>) semaphore(%arg11 : memref<!tpu.dma_semaphore, #tpu.memory_space<semaphore_mem>>)
    %barrier3A = arith.constant 0 : index
    tpu.barrier barrier_id(%barrier3A)
    %scan3A = arith.constant 0 : i32
    %scan3A_400 = arith.constant 0 : i32
    %scan3A_401 = arith.constant 41 : i32
    %scan3A_402 = arith.addi %scan3A_400, %scan3A_401 : i32
    %scan3A_403 = arith.constant 1 : i32
    scf.for %scan3A_443 = %scan3A_400 to %scan3A_402 step %scan3A_403  : i32 {
      %mul3A_444 = arith.constant 3 : i32
      %mul3A_445 = arith.muli %scan3A_443, %mul3A_444 : i32
      %add3A_446 = arith.constant 0 : i32
      %add3A_447 = arith.addi %mul3A_445, %add3A_446 : i32
      %dma_wait3A_448 = arith.constant 0 : i32
      %dma_wait3A_449 = arith.constant 0 : i32
      %dma_wait3A_450 = arith.constant 0 : i32
      %dma_wait3A_451 = arith.constant 0 : i32
      %dma_wait3A_452 = tpu.memref_slice %arg10[%dma_wait3A_449, %dma_wait3A_450, %dma_wait3A_451] : memref<3x80x128xf32, #tpu.memory_space<vmem>> -> memref<1x80x128xf32, #tpu.memory_space<vmem>>
      %dma_wait3A_453 = tpu.memref_squeeze %dma_wait3A_452 : memref<1x80x128xf32, #tpu.memory_space<vmem>> -> memref<80x128xf32, #tpu.memory_space<vmem>>
      %dma_wait3A_454 = arith.constant 0 : i32
      %dma_wait3A_455 = tpu.memref_slice %arg8[%dma_wait3A_448, %dma_wait3A_454] : memref<3x80xi32, #tpu.memory_space<vmem>> -> memref<1x80xi32, #tpu.memory_space<vmem>>
      %dma_wait3A_456 = tpu.memref_squeeze %dma_wait3A_455 : memref<1x80xi32, #tpu.memory_space<vmem>> -> memref<80xi32, #tpu.memory_space<vmem>>
      %dma_wait3A_457 = arith.constant 0 : i32
      %dma_wait3A_458 = arith.constant 0 : i32
      %dma_wait3A_459 = tpu.memref_slice %arg2[%dma_wait3A_457, %dma_wait3A_458] : memref<10000x128xf32, #tpu.memory_space<hbm>> -> memref<10000x128xf32, #tpu.memory_space<hbm>>
      tpu.wait_indirect_dma semaphore(%arg11 : memref<!tpu.dma_semaphore, #tpu.memory_space<semaphore_mem>>) src(%dma_wait3A_459 : memref<10000x128xf32, #tpu.memory_space<hbm>>) dst(%dma_wait3A_453 : memref<80x128xf32, #tpu.memory_space<vmem>>)
      %run_scoped3A_460 = arith.constant 0 : i32
      %run_scoped3A_461 = arith.constant 0 : i32
      "tpu.region"() ({
        %run_scoped3A_519 = tpu.sem_alloc : memref<!tpu.dma_semaphore, #tpu.memory_space<semaphore_mem>>
        %dma_start3A_520 = arith.constant 0 : i32
        %dma_start3A_521 = arith.constant 0 : i32
        %dma_start3A_522 = tpu.memref_slice %arg10[%run_scoped3A_460, %dma_start3A_520, %dma_start3A_521] : memref<3x80x128xf32, #tpu.memory_space<vmem>> -> memref<1x80x128xf32, #tpu.memory_space<vmem>>
        %dma_start3A_523 = tpu.memref_squeeze %dma_start3A_522 : memref<1x80x128xf32, #tpu.memory_space<vmem>> -> memref<80x128xf32, #tpu.memory_space<vmem>>
        %dma_start3A_524 = arith.constant 0 : i32
        %dma_start3A_525 = tpu.memref_slice %arg9[%run_scoped3A_461, %dma_start3A_524] : memref<3x80xi32, #tpu.memory_space<vmem>> -> memref<1x80xi32, #tpu.memory_space<vmem>>
        %dma_start3A_526 = tpu.memref_squeeze %dma_start3A_525 : memref<1x80xi32, #tpu.memory_space<vmem>> -> memref<80xi32, #tpu.memory_space<vmem>>
        %dma_start3A_527 = arith.constant 0 : i32
        %dma_start3A_528 = arith.constant 0 : i32
        %dma_start3A_529 = tpu.memref_slice %arg6[%dma_start3A_527, %dma_start3A_528] : memref<10112x128xf32, #tpu.memory_space<vmem_shared>> -> memref<10112x128xf32, #tpu.memory_space<vmem_shared>>
        tpu.enqueue_indirect_dma source(%dma_start3A_523 : memref<80x128xf32, #tpu.memory_space<vmem>>) target(%dma_start3A_529 : memref<10112x128xf32, #tpu.memory_space<vmem_shared>>) offsets(%dma_start3A_526 : memref<80xi32, #tpu.memory_space<vmem>>) semaphore(%run_scoped3A_519 : memref<!tpu.dma_semaphore, #tpu.memory_space<semaphore_mem>>) {add = true}
        %dma_wait3A_530 = arith.constant 0 : i32
        %dma_wait3A_531 = arith.constant 0 : i32
        %dma_wait3A_532 = tpu.memref_slice %arg10[%run_scoped3A_460, %dma_wait3A_530, %dma_wait3A_531] : memref<3x80x128xf32, #tpu.memory_space<vmem>> -> memref<1x80x128xf32, #tpu.memory_space<vmem>>
        %dma_wait3A_533 = tpu.memref_squeeze %dma_wait3A_532 : memref<1x80x128xf32, #tpu.memory_space<vmem>> -> memref<80x128xf32, #tpu.memory_space<vmem>>
        %dma_wait3A_534 = arith.constant 0 : i32
        %dma_wait3A_535 = tpu.memref_slice %arg9[%run_scoped3A_461, %dma_wait3A_534] : memref<3x80xi32, #tpu.memory_space<vmem>> -> memref<1x80xi32, #tpu.memory_space<vmem>>
        %dma_wait3A_536 = tpu.memref_squeeze %dma_wait3A_535 : memref<1x80xi32, #tpu.memory_space<vmem>> -> memref<80xi32, #tpu.memory_space<vmem>>
        %dma_wait3A_537 = arith.constant 0 : i32
        %dma_wait3A_538 = arith.constant 0 : i32
        %dma_wait3A_539 = tpu.memref_slice %arg6[%dma_wait3A_537, %dma_wait3A_538] : memref<10112x128xf32, #tpu.memory_space<vmem_shared>> -> memref<10112x128xf32, #tpu.memory_space<vmem_shared>>
        tpu.wait_indirect_dma semaphore(%run_scoped3A_519 : memref<!tpu.dma_semaphore, #tpu.memory_space<semaphore_mem>>) src(%dma_wait3A_533 : memref<80x128xf32, #tpu.memory_space<vmem>>) dst(%dma_wait3A_539 : memref<10112x128xf32, #tpu.memory_space<vmem_shared>>)
        tpu.yield
      }) : () -> ()
      %add3A_462 = arith.constant 3 : i32
      %add3A_463 = arith.addi %add3A_447, %add3A_462 : i32
      %lt3A_464 = arith.constant 125 : i32
      %lt3A_465 = arith.cmpi slt, %add3A_463, %lt3A_464 : i32
      %convert_element_type3A_466 = arith.extui %lt3A_465 : i1 to i32
      %cond3A_467 = arith.constant 0 : i32
      %cond3A_468 = arith.cmpi ne, %convert_element_type3A_466, %cond3A_467 : i32
      scf.if %cond3A_468 {
        %add3A_519 = arith.constant 3 : i32
        %add3A_520 = arith.addi %add3A_447, %add3A_519 : i32
        %get3A_521 = arith.index_cast %add3A_520 : i32 to index
        %get3A_522 = arith.constant 0 : index
        %get3A_523 = tpu.vector_load %arg7[%get3A_521, %get3A_522] {strides = array<i32>} : memref<125x80xi32, #tpu.memory_space<vmem>>, vector<1x16xi32>,
        %get3A_524 = vector.shape_cast %get3A_523 : vector<1x16xi32> to vector<16xi32>
        %and3A_525 = arith.constant 65535 : i32
        %and3A_526 = vector.broadcast %and3A_525 : i32 to vector<16xi32>
        %and3A_527 = arith.andi %get3A_524, %and3A_526 : vector<16xi32>
        %swap3A_528 = arith.constant 0 : i32
        %swap3A_529 = arith.index_cast %swap3A_528 : i32 to index
        %swap3A_530 = arith.constant 0 : index
        %swap3A_531 = tpu.vector_load %arg8[%swap3A_529, %swap3A_530] {strides = array<i32>} : memref<3x80xi32, #tpu.memory_space<vmem>>, vector<1x16xi32>,
        %swap3A_532 = vector.shape_cast %swap3A_531 : vector<1x16xi32> to vector<16xi32>
        %swap3A_533 = vector.shape_cast %and3A_527 : vector<16xi32> to vector<1x16xi32>
        tpu.vector_store %arg8[%swap3A_529, %swap3A_530], %swap3A_533 {strides = array<i32>} : memref<3x80xi32, #tpu.memory_space<vmem>>, vector<1x16xi32>,
        %shift_right_logical3A_534 = arith.constant 16 : i32
        %shift_right_logical3A_535 = vector.broadcast %shift_right_logical3A_534 : i32 to vector<16xi32>
        %shift_right_logical3A_536 = arith.shrui %get3A_524, %shift_right_logical3A_535 : vector<16xi32>
        %swap3A_537 = arith.constant 0 : i32
        %swap3A_538 = arith.index_cast %swap3A_537 : i32 to index
        %swap3A_539 = arith.constant 0 : index
        %swap3A_540 = tpu.vector_load %arg9[%swap3A_538, %swap3A_539] {strides = array<i32>} : memref<3x80xi32, #tpu.memory_space<vmem>>, vector<1x16xi32>,
        %swap3A_541 = vector.shape_cast %swap3A_540 : vector<1x16xi32> to vector<16xi32>
        %swap3A_542 = vector.shape_cast %shift_right_logical3A_536 : vector<16xi32> to vector<1x16xi32>
        tpu.vector_store %arg9[%swap3A_538, %swap3A_539], %swap3A_542 {strides = array<i32>} : memref<3x80xi32, #tpu.memory_space<vmem>>, vector<1x16xi32>,
        %get3A_543 = arith.index_cast %add3A_520 : i32 to index
        %get3A_544 = arith.constant 16 : index
        %get3A_545 = tpu.vector_load %arg7[%get3A_543, %get3A_544] {strides = array<i32>} : memref<125x80xi32, #tpu.memory_space<vmem>>, vector<1x16xi32>,
        %get3A_546 = vector.shape_cast %get3A_545 : vector<1x16xi32> to vector<16xi32>
        %and3A_547 = arith.constant 65535 : i32
        %and3A_548 = vector.broadcast %and3A_547 : i32 to vector<16xi32>
        %and3A_549 = arith.andi %get3A_546, %and3A_548 : vector<16xi32>
        %swap3A_550 = arith.constant 0 : i32
        %swap3A_551 = arith.index_cast %swap3A_550 : i32 to index
        %swap3A_552 = arith.constant 16 : index
        %swap3A_553 = tpu.vector_load %arg8[%swap3A_551, %swap3A_552] {strides = array<i32>} : memref<3x80xi32, #tpu.memory_space<vmem>>, vector<1x16xi32>,
        %swap3A_554 = vector.shape_cast %swap3A_553 : vector<1x16xi32> to vector<16xi32>
        %swap3A_555 = vector.shape_cast %and3A_549 : vector<16xi32> to vector<1x16xi32>
        tpu.vector_store %arg8[%swap3A_551, %swap3A_552], %swap3A_555 {strides = array<i32>} : memref<3x80xi32, #tpu.memory_space<vmem>>, vector<1x16xi32>,
        %shift_right_logical3A_556 = arith.constant 16 : i32
        %shift_right_logical3A_557 = vector.broadcast %shift_right_logical3A_556 : i32 to vector<16xi32>
        %shift_right_logical3A_558 = arith.shrui %get3A_546, %shift_right_logical3A_557 : vector<16xi32>
        %swap3A_559 = arith.constant 0 : i32
        %swap3A_560 = arith.index_cast %swap3A_559 : i32 to index
        %swap3A_561 = arith.constant 16 : index
        %swap3A_562 = tpu.vector_load %arg9[%swap3A_560, %swap3A_561] {strides = array<i32>} : memref<3x80xi32, #tpu.memory_space<vmem>>, vector<1x16xi32>,
        %swap3A_563 = vector.shape_cast %swap3A_562 : vector<1x16xi32> to vector<16xi32>
        %swap3A_564 = vector.shape_cast %shift_right_logical3A_558 : vector<16xi32> to vector<1x16xi32>
        tpu.vector_store %arg9[%swap3A_560, %swap3A_561], %swap3A_564 {strides = array<i32>} : memref<3x80xi32, #tpu.memory_space<vmem>>, vector<1x16xi32>,
        %get3A_565 = arith.index_cast %add3A_520 : i32 to index
        %get3A_566 = arith.constant 32 : index
        %get3A_567 = tpu.vector_load %arg7[%get3A_565, %get3A_566] {strides = array<i32>} : memref<125x80xi32, #tpu.memory_space<vmem>>, vector<1x16xi32>,
        %get3A_568 = vector.shape_cast %get3A_567 : vector<1x16xi32> to vector<16xi32>
        %and3A_569 = arith.constant 65535 : i32
        %and3A_570 = vector.broadcast %and3A_569 : i32 to vector<16xi32>
        %and3A_571 = arith.andi %get3A_568, %and3A_570 : vector<16xi32>
        %swap3A_572 = arith.constant 0 : i32
        %swap3A_573 = arith.index_cast %swap3A_572 : i32 to index
        %swap3A_574 = arith.constant 32 : index
        %swap3A_575 = tpu.vector_load %arg8[%swap3A_573, %swap3A_574] {strides = array<i32>} : memref<3x80xi32, #tpu.memory_space<vmem>>, vector<1x16xi32>,
        %swap3A_576 = vector.shape_cast %swap3A_575 : vector<1x16xi32> to vector<16xi32>
        %swap3A_577 = vector.shape_cast %and3A_571 : vector<16xi32> to vector<1x16xi32>
        tpu.vector_store %arg8[%swap3A_573, %swap3A_574], %swap3A_577 {strides = array<i32>} : memref<3x80xi32, #tpu.memory_space<vmem>>, vector<1x16xi32>,
        %shift_right_logical3A_578 = arith.constant 16 : i32
        %shift_right_logical3A_579 = vector.broadcast %shift_right_logical3A_578 : i32 to vector<16xi32>
        %shift_right_logical3A_580 = arith.shrui %get3A_568, %shift_right_logical3A_579 : vector<16xi32>
        %swap3A_581 = arith.constant 0 : i32
        %swap3A_582 = arith.index_cast %swap3A_581 : i32 to index
        %swap3A_583 = arith.constant 32 : index
        %swap3A_584 = tpu.vector_load %arg9[%swap3A_582, %swap3A_583] {strides = array<i32>} : memref<3x80xi32, #tpu.memory_space<vmem>>, vector<1x16xi32>,
        %swap3A_585 = vector.shape_cast %swap3A_584 : vector<1x16xi32> to vector<16xi32>
        %swap3A_586 = vector.shape_cast %shift_right_logical3A_580 : vector<16xi32> to vector<1x16xi32>
        tpu.vector_store %arg9[%swap3A_582, %swap3A_583], %swap3A_586 {strides = array<i32>} : memref<3x80xi32, #tpu.memory_space<vmem>>, vector<1x16xi32>,
        %get3A_587 = arith.index_cast %add3A_520 : i32 to index
        %get3A_588 = arith.constant 48 : index
        %get3A_589 = tpu.vector_load %arg7[%get3A_587, %get3A_588] {strides = array<i32>} : memref<125x80xi32, #tpu.memory_space<vmem>>, vector<1x16xi32>,
        %get3A_590 = vector.shape_cast %get3A_589 : vector<1x16xi32> to vector<16xi32>
        %and3A_591 = arith.constant 65535 : i32
        %and3A_592 = vector.broadcast %and3A_591 : i32 to vector<16xi32>
        %and3A_593 = arith.andi %get3A_590, %and3A_592 : vector<16xi32>
        %swap3A_594 = arith.constant 0 : i32
        %swap3A_595 = arith.index_cast %swap3A_594 : i32 to index
        %swap3A_596 = arith.constant 48 : index
        %swap3A_597 = tpu.vector_load %arg8[%swap3A_595, %swap3A_596] {strides = array<i32>} : memref<3x80xi32, #tpu.memory_space<vmem>>, vector<1x16xi32>,
        %swap3A_598 = vector.shape_cast %swap3A_597 : vector<1x16xi32> to vector<16xi32>
        %swap3A_599 = vector.shape_cast %and3A_593 : vector<16xi32> to vector<1x16xi32>
        tpu.vector_store %arg8[%swap3A_595, %swap3A_596], %swap3A_599 {strides = array<i32>} : memref<3x80xi32, #tpu.memory_space<vmem>>, vector<1x16xi32>,
        %shift_right_logical3A_600 = arith.constant 16 : i32
        %shift_right_logical3A_601 = vector.broadcast %shift_right_logical3A_600 : i32 to vector<16xi32>
        %shift_right_logical3A_602 = arith.shrui %get3A_590, %shift_right_logical3A_601 : vector<16xi32>
        %swap3A_603 = arith.constant 0 : i32
        %swap3A_604 = arith.index_cast %swap3A_603 : i32 to index
        %swap3A_605 = arith.constant 48 : index
        %swap3A_606 = tpu.vector_load %arg9[%swap3A_604, %swap3A_605] {strides = array<i32>} : memref<3x80xi32, #tpu.memory_space<vmem>>, vector<1x16xi32>,
        %swap3A_607 = vector.shape_cast %swap3A_606 : vector<1x16xi32> to vector<16xi32>
        %swap3A_608 = vector.shape_cast %shift_right_logical3A_602 : vector<16xi32> to vector<1x16xi32>
        tpu.vector_store %arg9[%swap3A_604, %swap3A_605], %swap3A_608 {strides = array<i32>} : memref<3x80xi32, #tpu.memory_space<vmem>>, vector<1x16xi32>,
        %get3A_609 = arith.index_cast %add3A_520 : i32 to index
        %get3A_610 = arith.constant 64 : index
        %get3A_611 = tpu.vector_load %arg7[%get3A_609, %get3A_610] {strides = array<i32>} : memref<125x80xi32, #tpu.memory_space<vmem>>, vector<1x16xi32>,
        %get3A_612 = vector.shape_cast %get3A_611 : vector<1x16xi32> to vector<16xi32>
        %and3A_613 = arith.constant 65535 : i32
        %and3A_614 = vector.broadcast %and3A_613 : i32 to vector<16xi32>
        %and3A_615 = arith.andi %get3A_612, %and3A_614 : vector<16xi32>
        %swap3A_616 = arith.constant 0 : i32
        %swap3A_617 = arith.index_cast %swap3A_616 : i32 to index
        %swap3A_618 = arith.constant 64 : index
        %swap3A_619 = tpu.vector_load %arg8[%swap3A_617, %swap3A_618] {strides = array<i32>} : memref<3x80xi32, #tpu.memory_space<vmem>>, vector<1x16xi32>,
        %swap3A_620 = vector.shape_cast %swap3A_619 : vector<1x16xi32> to vector<16xi32>
        %swap3A_621 = vector.shape_cast %and3A_615 : vector<16xi32> to vector<1x16xi32>
        tpu.vector_store %arg8[%swap3A_617, %swap3A_618], %swap3A_621 {strides = array<i32>} : memref<3x80xi32, #tpu.memory_space<vmem>>, vector<1x16xi32>,
        %shift_right_logical3A_622 = arith.constant 16 : i32
        %shift_right_logical3A_623 = vector.broadcast %shift_right_logical3A_622 : i32 to vector<16xi32>
        %shift_right_logical3A_624 = arith.shrui %get3A_612, %shift_right_logical3A_623 : vector<16xi32>
        %swap3A_625 = arith.constant 0 : i32
        %swap3A_626 = arith.index_cast %swap3A_625 : i32 to index
        %swap3A_627 = arith.constant 64 : index
        %swap3A_628 = tpu.vector_load %arg9[%swap3A_626, %swap3A_627] {strides = array<i32>} : memref<3x80xi32, #tpu.memory_space<vmem>>, vector<1x16xi32>,
        %swap3A_629 = vector.shape_cast %swap3A_628 : vector<1x16xi32> to vector<16xi32>
        %swap3A_630 = vector.shape_cast %shift_right_logical3A_624 : vector<16xi32> to vector<1x16xi32>
        tpu.vector_store %arg9[%swap3A_626, %swap3A_627], %swap3A_630 {strides = array<i32>} : memref<3x80xi32, #tpu.memory_space<vmem>>, vector<1x16xi32>,
        %dma_start3A_631 = arith.constant 0 : i32
        %dma_start3A_632 = arith.constant 0 : i32
        %dma_start3A_633 = arith.constant 0 : i32
        %dma_start3A_634 = arith.constant 0 : i32
        %dma_start3A_635 = tpu.memref_slice %arg10[%dma_start3A_632, %dma_start3A_633, %dma_start3A_634] : memref<3x80x128xf32, #tpu.memory_space<vmem>> -> memref<1x80x128xf32, #tpu.memory_space<vmem>>
        %dma_start3A_636 = tpu.memref_squeeze %dma_start3A_635 : memref<1x80x128xf32, #tpu.memory_space<vmem>> -> memref<80x128xf32, #tpu.memory_space<vmem>>
        %dma_start3A_637 = arith.constant 0 : i32
        %dma_start3A_638 = tpu.memref_slice %arg8[%dma_start3A_631, %dma_start3A_637] : memref<3x80xi32, #tpu.memory_space<vmem>> -> memref<1x80xi32, #tpu.memory_space<vmem>>
        %dma_start3A_639 = tpu.memref_squeeze %dma_start3A_638 : memref<1x80xi32, #tpu.memory_space<vmem>> -> memref<80xi32, #tpu.memory_space<vmem>>
        %dma_start3A_640 = arith.constant 0 : i32
        %dma_start3A_641 = arith.constant 0 : i32
        %dma_start3A_642 = tpu.memref_slice %arg2[%dma_start3A_640, %dma_start3A_641] : memref<10000x128xf32, #tpu.memory_space<hbm>> -> memref<10000x128xf32, #tpu.memory_space<hbm>>
        tpu.enqueue_indirect_dma source(%dma_start3A_642 : memref<10000x128xf32, #tpu.memory_space<hbm>>) target(%dma_start3A_636 : memref<80x128xf32, #tpu.memory_space<vmem>>) offsets(%dma_start3A_639 : memref<80xi32, #tpu.memory_space<vmem>>) semaphore(%arg11 : memref<!tpu.dma_semaphore, #tpu.memory_space<semaphore_mem>>)
      } else {
      }
      %mul3A_469 = arith.constant 3 : i32
      %mul3A_470 = arith.muli %scan3A_443, %mul3A_469 : i32
      %add3A_471 = arith.constant 1 : i32
      %add3A_472 = arith.addi %mul3A_470, %add3A_471 : i32
      %dma_wait3A_473 = arith.constant 1 : i32
      %dma_wait3A_474 = arith.constant 1 : i32
      %dma_wait3A_475 = arith.constant 0 : i32
      %dma_wait3A_476 = arith.constant 0 : i32
      %dma_wait3A_477 = tpu.memref_slice %arg10[%dma_wait3A_474, %dma_wait3A_475, %dma_wait3A_476] : memref<3x80x128xf32, #tpu.memory_space<vmem>> -> memref<1x80x128xf32, #tpu.memory_space<vmem>>
      %dma_wait3A_478 = tpu.memref_squeeze %dma_wait3A_477 : memref<1x80x128xf32, #tpu.memory_space<vmem>> -> memref<80x128xf32, #tpu.memory_space<vmem>>
      %dma_wait3A_479 = arith.constant 0 : i32
      %dma_wait3A_480 = tpu.memref_slice %arg8[%dma_wait3A_473, %dma_wait3A_479] : memref<3x80xi32, #tpu.memory_space<vmem>> -> memref<1x80xi32, #tpu.memory_space<vmem>>
      %dma_wait3A_481 = tpu.memref_squeeze %dma_wait3A_480 : memref<1x80xi32, #tpu.memory_space<vmem>> -> memref<80xi32, #tpu.memory_space<vmem>>
      %dma_wait3A_482 = arith.constant 0 : i32
      %dma_wait3A_483 = arith.constant 0 : i32
      %dma_wait3A_484 = tpu.memref_slice %arg2[%dma_wait3A_482, %dma_wait3A_483] : memref<10000x128xf32, #tpu.memory_space<hbm>> -> memref<10000x128xf32, #tpu.memory_space<hbm>>
      tpu.wait_indirect_dma semaphore(%arg11 : memref<!tpu.dma_semaphore, #tpu.memory_space<semaphore_mem>>) src(%dma_wait3A_484 : memref<10000x128xf32, #tpu.memory_space<hbm>>) dst(%dma_wait3A_478 : memref<80x128xf32, #tpu.memory_space<vmem>>)
      %run_scoped3A_485 = arith.constant 1 : i32
      %run_scoped3A_486 = arith.constant 1 : i32
      "tpu.region"() ({
        %run_scoped3A_519 = tpu.sem_alloc : memref<!tpu.dma_semaphore, #tpu.memory_space<semaphore_mem>>
        %dma_start3A_520 = arith.constant 0 : i32
        %dma_start3A_521 = arith.constant 0 : i32
        %dma_start3A_522 = tpu.memref_slice %arg10[%run_scoped3A_485, %dma_start3A_520, %dma_start3A_521] : memref<3x80x128xf32, #tpu.memory_space<vmem>> -> memref<1x80x128xf32, #tpu.memory_space<vmem>>
        %dma_start3A_523 = tpu.memref_squeeze %dma_start3A_522 : memref<1x80x128xf32, #tpu.memory_space<vmem>> -> memref<80x128xf32, #tpu.memory_space<vmem>>
        %dma_start3A_524 = arith.constant 0 : i32
        %dma_start3A_525 = tpu.memref_slice %arg9[%run_scoped3A_486, %dma_start3A_524] : memref<3x80xi32, #tpu.memory_space<vmem>> -> memref<1x80xi32, #tpu.memory_space<vmem>>
        %dma_start3A_526 = tpu.memref_squeeze %dma_start3A_525 : memref<1x80xi32, #tpu.memory_space<vmem>> -> memref<80xi32, #tpu.memory_space<vmem>>
        %dma_start3A_527 = arith.constant 0 : i32
        %dma_start3A_528 = arith.constant 0 : i32
        %dma_start3A_529 = tpu.memref_slice %arg6[%dma_start3A_527, %dma_start3A_528] : memref<10112x128xf32, #tpu.memory_space<vmem_shared>> -> memref<10112x128xf32, #tpu.memory_space<vmem_shared>>
        tpu.enqueue_indirect_dma source(%dma_start3A_523 : memref<80x128xf32, #tpu.memory_space<vmem>>) target(%dma_start3A_529 : memref<10112x128xf32, #tpu.memory_space<vmem_shared>>) offsets(%dma_start3A_526 : memref<80xi32, #tpu.memory_space<vmem>>) semaphore(%run_scoped3A_519 : memref<!tpu.dma_semaphore, #tpu.memory_space<semaphore_mem>>) {add = true}
        %dma_wait3A_530 = arith.constant 0 : i32
        %dma_wait3A_531 = arith.constant 0 : i32
        %dma_wait3A_532 = tpu.memref_slice %arg10[%run_scoped3A_485, %dma_wait3A_530, %dma_wait3A_531] : memref<3x80x128xf32, #tpu.memory_space<vmem>> -> memref<1x80x128xf32, #tpu.memory_space<vmem>>
        %dma_wait3A_533 = tpu.memref_squeeze %dma_wait3A_532 : memref<1x80x128xf32, #tpu.memory_space<vmem>> -> memref<80x128xf32, #tpu.memory_space<vmem>>
        %dma_wait3A_534 = arith.constant 0 : i32
        %dma_wait3A_535 = tpu.memref_slice %arg9[%run_scoped3A_486, %dma_wait3A_534] : memref<3x80xi32, #tpu.memory_space<vmem>> -> memref<1x80xi32, #tpu.memory_space<vmem>>
        %dma_wait3A_536 = tpu.memref_squeeze %dma_wait3A_535 : memref<1x80xi32, #tpu.memory_space<vmem>> -> memref<80xi32, #tpu.memory_space<vmem>>
        %dma_wait3A_537 = arith.constant 0 : i32
        %dma_wait3A_538 = arith.constant 0 : i32
        %dma_wait3A_539 = tpu.memref_slice %arg6[%dma_wait3A_537, %dma_wait3A_538] : memref<10112x128xf32, #tpu.memory_space<vmem_shared>> -> memref<10112x128xf32, #tpu.memory_space<vmem_shared>>
        tpu.wait_indirect_dma semaphore(%run_scoped3A_519 : memref<!tpu.dma_semaphore, #tpu.memory_space<semaphore_mem>>) src(%dma_wait3A_533 : memref<80x128xf32, #tpu.memory_space<vmem>>) dst(%dma_wait3A_539 : memref<10112x128xf32, #tpu.memory_space<vmem_shared>>)
        tpu.yield
      }) : () -> ()
      %add3A_487 = arith.constant 3 : i32
      %add3A_488 = arith.addi %add3A_472, %add3A_487 : i32
      %lt3A_489 = arith.constant 125 : i32
      %lt3A_490 = arith.cmpi slt, %add3A_488, %lt3A_489 : i32
      %convert_element_type3A_491 = arith.extui %lt3A_490 : i1 to i32
      %cond3A_492 = arith.constant 0 : i32
      %cond3A_493 = arith.cmpi ne, %convert_element_type3A_491, %cond3A_492 : i32
      scf.if %cond3A_493 {
        %add3A_519 = arith.constant 3 : i32
        %add3A_520 = arith.addi %add3A_472, %add3A_519 : i32
        %get3A_521 = arith.index_cast %add3A_520 : i32 to index
        %get3A_522 = arith.constant 0 : index
        %get3A_523 = tpu.vector_load %arg7[%get3A_521, %get3A_522] {strides = array<i32>} : memref<125x80xi32, #tpu.memory_space<vmem>>, vector<1x16xi32>,
        %get3A_524 = vector.shape_cast %get3A_523 : vector<1x16xi32> to vector<16xi32>
        %and3A_525 = arith.constant 65535 : i32
        %and3A_526 = vector.broadcast %and3A_525 : i32 to vector<16xi32>
        %and3A_527 = arith.andi %get3A_524, %and3A_526 : vector<16xi32>
        %swap3A_528 = arith.constant 1 : i32
        %swap3A_529 = arith.index_cast %swap3A_528 : i32 to index
        %swap3A_530 = arith.constant 0 : index
        %swap3A_531 = tpu.vector_load %arg8[%swap3A_529, %swap3A_530] {strides = array<i32>} : memref<3x80xi32, #tpu.memory_space<vmem>>, vector<1x16xi32>,
        %swap3A_532 = vector.shape_cast %swap3A_531 : vector<1x16xi32> to vector<16xi32>
        %swap3A_533 = vector.shape_cast %and3A_527 : vector<16xi32> to vector<1x16xi32>
        tpu.vector_store %arg8[%swap3A_529, %swap3A_530], %swap3A_533 {strides = array<i32>} : memref<3x80xi32, #tpu.memory_space<vmem>>, vector<1x16xi32>,
        %shift_right_logical3A_534 = arith.constant 16 : i32
        %shift_right_logical3A_535 = vector.broadcast %shift_right_logical3A_534 : i32 to vector<16xi32>
        %shift_right_logical3A_536 = arith.shrui %get3A_524, %shift_right_logical3A_535 : vector<16xi32>
        %swap3A_537 = arith.constant 1 : i32
        %swap3A_538 = arith.index_cast %swap3A_537 : i32 to index
        %swap3A_539 = arith.constant 0 : index
        %swap3A_540 = tpu.vector_load %arg9[%swap3A_538, %swap3A_539] {strides = array<i32>} : memref<3x80xi32, #tpu.memory_space<vmem>>, vector<1x16xi32>,
        %swap3A_541 = vector.shape_cast %swap3A_540 : vector<1x16xi32> to vector<16xi32>
        %swap3A_542 = vector.shape_cast %shift_right_logical3A_536 : vector<16xi32> to vector<1x16xi32>
        tpu.vector_store %arg9[%swap3A_538, %swap3A_539], %swap3A_542 {strides = array<i32>} : memref<3x80xi32, #tpu.memory_space<vmem>>, vector<1x16xi32>,
        %get3A_543 = arith.index_cast %add3A_520 : i32 to index
        %get3A_544 = arith.constant 16 : index
        %get3A_545 = tpu.vector_load %arg7[%get3A_543, %get3A_544] {strides = array<i32>} : memref<125x80xi32, #tpu.memory_space<vmem>>, vector<1x16xi32>,
        %get3A_546 = vector.shape_cast %get3A_545 : vector<1x16xi32> to vector<16xi32>
        %and3A_547 = arith.constant 65535 : i32
        %and3A_548 = vector.broadcast %and3A_547 : i32 to vector<16xi32>
        %and3A_549 = arith.andi %get3A_546, %and3A_548 : vector<16xi32>
        %swap3A_550 = arith.constant 1 : i32
        %swap3A_551 = arith.index_cast %swap3A_550 : i32 to index
        %swap3A_552 = arith.constant 16 : index
        %swap3A_553 = tpu.vector_load %arg8[%swap3A_551, %swap3A_552] {strides = array<i32>} : memref<3x80xi32, #tpu.memory_space<vmem>>, vector<1x16xi32>,
        %swap3A_554 = vector.shape_cast %swap3A_553 : vector<1x16xi32> to vector<16xi32>
        %swap3A_555 = vector.shape_cast %and3A_549 : vector<16xi32> to vector<1x16xi32>
        tpu.vector_store %arg8[%swap3A_551, %swap3A_552], %swap3A_555 {strides = array<i32>} : memref<3x80xi32, #tpu.memory_space<vmem>>, vector<1x16xi32>,
        %shift_right_logical3A_556 = arith.constant 16 : i32
        %shift_right_logical3A_557 = vector.broadcast %shift_right_logical3A_556 : i32 to vector<16xi32>
        %shift_right_logical3A_558 = arith.shrui %get3A_546, %shift_right_logical3A_557 : vector<16xi32>
        %swap3A_559 = arith.constant 1 : i32
        %swap3A_560 = arith.index_cast %swap3A_559 : i32 to index
        %swap3A_561 = arith.constant 16 : index
        %swap3A_562 = tpu.vector_load %arg9[%swap3A_560, %swap3A_561] {strides = array<i32>} : memref<3x80xi32, #tpu.memory_space<vmem>>, vector<1x16xi32>,
        %swap3A_563 = vector.shape_cast %swap3A_562 : vector<1x16xi32> to vector<16xi32>
        %swap3A_564 = vector.shape_cast %shift_right_logical3A_558 : vector<16xi32> to vector<1x16xi32>
        tpu.vector_store %arg9[%swap3A_560, %swap3A_561], %swap3A_564 {strides = array<i32>} : memref<3x80xi32, #tpu.memory_space<vmem>>, vector<1x16xi32>,
        %get3A_565 = arith.index_cast %add3A_520 : i32 to index
        %get3A_566 = arith.constant 32 : index
        %get3A_567 = tpu.vector_load %arg7[%get3A_565, %get3A_566] {strides = array<i32>} : memref<125x80xi32, #tpu.memory_space<vmem>>, vector<1x16xi32>,
        %get3A_568 = vector.shape_cast %get3A_567 : vector<1x16xi32> to vector<16xi32>
        %and3A_569 = arith.constant 65535 : i32
        %and3A_570 = vector.broadcast %and3A_569 : i32 to vector<16xi32>
        %and3A_571 = arith.andi %get3A_568, %and3A_570 : vector<16xi32>
        %swap3A_572 = arith.constant 1 : i32
        %swap3A_573 = arith.index_cast %swap3A_572 : i32 to index
        %swap3A_574 = arith.constant 32 : index
        %swap3A_575 = tpu.vector_load %arg8[%swap3A_573, %swap3A_574] {strides = array<i32>} : memref<3x80xi32, #tpu.memory_space<vmem>>, vector<1x16xi32>,
        %swap3A_576 = vector.shape_cast %swap3A_575 : vector<1x16xi32> to vector<16xi32>
        %swap3A_577 = vector.shape_cast %and3A_571 : vector<16xi32> to vector<1x16xi32>
        tpu.vector_store %arg8[%swap3A_573, %swap3A_574], %swap3A_577 {strides = array<i32>} : memref<3x80xi32, #tpu.memory_space<vmem>>, vector<1x16xi32>,
        %shift_right_logical3A_578 = arith.constant 16 : i32
        %shift_right_logical3A_579 = vector.broadcast %shift_right_logical3A_578 : i32 to vector<16xi32>
        %shift_right_logical3A_580 = arith.shrui %get3A_568, %shift_right_logical3A_579 : vector<16xi32>
        %swap3A_581 = arith.constant 1 : i32
        %swap3A_582 = arith.index_cast %swap3A_581 : i32 to index
        %swap3A_583 = arith.constant 32 : index
        %swap3A_584 = tpu.vector_load %arg9[%swap3A_582, %swap3A_583] {strides = array<i32>} : memref<3x80xi32, #tpu.memory_space<vmem>>, vector<1x16xi32>,
        %swap3A_585 = vector.shape_cast %swap3A_584 : vector<1x16xi32> to vector<16xi32>
        %swap3A_586 = vector.shape_cast %shift_right_logical3A_580 : vector<16xi32> to vector<1x16xi32>
        tpu.vector_store %arg9[%swap3A_582, %swap3A_583], %swap3A_586 {strides = array<i32>} : memref<3x80xi32, #tpu.memory_space<vmem>>, vector<1x16xi32>,
        %get3A_587 = arith.index_cast %add3A_520 : i32 to index
        %get3A_588 = arith.constant 48 : index
        %get3A_589 = tpu.vector_load %arg7[%get3A_587, %get3A_588] {strides = array<i32>} : memref<125x80xi32, #tpu.memory_space<vmem>>, vector<1x16xi32>,
        %get3A_590 = vector.shape_cast %get3A_589 : vector<1x16xi32> to vector<16xi32>
        %and3A_591 = arith.constant 65535 : i32
        %and3A_592 = vector.broadcast %and3A_591 : i32 to vector<16xi32>
        %and3A_593 = arith.andi %get3A_590, %and3A_592 : vector<16xi32>
        %swap3A_594 = arith.constant 1 : i32
        %swap3A_595 = arith.index_cast %swap3A_594 : i32 to index
        %swap3A_596 = arith.constant 48 : index
        %swap3A_597 = tpu.vector_load %arg8[%swap3A_595, %swap3A_596] {strides = array<i32>} : memref<3x80xi32, #tpu.memory_space<vmem>>, vector<1x16xi32>,
        %swap3A_598 = vector.shape_cast %swap3A_597 : vector<1x16xi32> to vector<16xi32>
        %swap3A_599 = vector.shape_cast %and3A_593 : vector<16xi32> to vector<1x16xi32>
        tpu.vector_store %arg8[%swap3A_595, %swap3A_596], %swap3A_599 {strides = array<i32>} : memref<3x80xi32, #tpu.memory_space<vmem>>, vector<1x16xi32>,
        %shift_right_logical3A_600 = arith.constant 16 : i32
        %shift_right_logical3A_601 = vector.broadcast %shift_right_logical3A_600 : i32 to vector<16xi32>
        %shift_right_logical3A_602 = arith.shrui %get3A_590, %shift_right_logical3A_601 : vector<16xi32>
        %swap3A_603 = arith.constant 1 : i32
        %swap3A_604 = arith.index_cast %swap3A_603 : i32 to index
        %swap3A_605 = arith.constant 48 : index
        %swap3A_606 = tpu.vector_load %arg9[%swap3A_604, %swap3A_605] {strides = array<i32>} : memref<3x80xi32, #tpu.memory_space<vmem>>, vector<1x16xi32>,
        %swap3A_607 = vector.shape_cast %swap3A_606 : vector<1x16xi32> to vector<16xi32>
        %swap3A_608 = vector.shape_cast %shift_right_logical3A_602 : vector<16xi32> to vector<1x16xi32>
        tpu.vector_store %arg9[%swap3A_604, %swap3A_605], %swap3A_608 {strides = array<i32>} : memref<3x80xi32, #tpu.memory_space<vmem>>, vector<1x16xi32>,
        %get3A_609 = arith.index_cast %add3A_520 : i32 to index
        %get3A_610 = arith.constant 64 : index
        %get3A_611 = tpu.vector_load %arg7[%get3A_609, %get3A_610] {strides = array<i32>} : memref<125x80xi32, #tpu.memory_space<vmem>>, vector<1x16xi32>,
        %get3A_612 = vector.shape_cast %get3A_611 : vector<1x16xi32> to vector<16xi32>
        %and3A_613 = arith.constant 65535 : i32
        %and3A_614 = vector.broadcast %and3A_613 : i32 to vector<16xi32>
        %and3A_615 = arith.andi %get3A_612, %and3A_614 : vector<16xi32>
        %swap3A_616 = arith.constant 1 : i32
        %swap3A_617 = arith.index_cast %swap3A_616 : i32 to index
        %swap3A_618 = arith.constant 64 : index
        %swap3A_619 = tpu.vector_load %arg8[%swap3A_617, %swap3A_618] {strides = array<i32>} : memref<3x80xi32, #tpu.memory_space<vmem>>, vector<1x16xi32>,
        %swap3A_620 = vector.shape_cast %swap3A_619 : vector<1x16xi32> to vector<16xi32>
        %swap3A_621 = vector.shape_cast %and3A_615 : vector<16xi32> to vector<1x16xi32>
        tpu.vector_store %arg8[%swap3A_617, %swap3A_618], %swap3A_621 {strides = array<i32>} : memref<3x80xi32, #tpu.memory_space<vmem>>, vector<1x16xi32>,
        %shift_right_logical3A_622 = arith.constant 16 : i32
        %shift_right_logical3A_623 = vector.broadcast %shift_right_logical3A_622 : i32 to vector<16xi32>
        %shift_right_logical3A_624 = arith.shrui %get3A_612, %shift_right_logical3A_623 : vector<16xi32>
        %swap3A_625 = arith.constant 1 : i32
        %swap3A_626 = arith.index_cast %swap3A_625 : i32 to index
        %swap3A_627 = arith.constant 64 : index
        %swap3A_628 = tpu.vector_load %arg9[%swap3A_626, %swap3A_627] {strides = array<i32>} : memref<3x80xi32, #tpu.memory_space<vmem>>, vector<1x16xi32>,
        %swap3A_629 = vector.shape_cast %swap3A_628 : vector<1x16xi32> to vector<16xi32>
        %swap3A_630 = vector.shape_cast %shift_right_logical3A_624 : vector<16xi32> to vector<1x16xi32>
        tpu.vector_store %arg9[%swap3A_626, %swap3A_627], %swap3A_630 {strides = array<i32>} : memref<3x80xi32, #tpu.memory_space<vmem>>, vector<1x16xi32>,
        %dma_start3A_631 = arith.constant 1 : i32
        %dma_start3A_632 = arith.constant 1 : i32
        %dma_start3A_633 = arith.constant 0 : i32
        %dma_start3A_634 = arith.constant 0 : i32
        %dma_start3A_635 = tpu.memref_slice %arg10[%dma_start3A_632, %dma_start3A_633, %dma_start3A_634] : memref<3x80x128xf32, #tpu.memory_space<vmem>> -> memref<1x80x128xf32, #tpu.memory_space<vmem>>
        %dma_start3A_636 = tpu.memref_squeeze %dma_start3A_635 : memref<1x80x128xf32, #tpu.memory_space<vmem>> -> memref<80x128xf32, #tpu.memory_space<vmem>>
        %dma_start3A_637 = arith.constant 0 : i32
        %dma_start3A_638 = tpu.memref_slice %arg8[%dma_start3A_631, %dma_start3A_637] : memref<3x80xi32, #tpu.memory_space<vmem>> -> memref<1x80xi32, #tpu.memory_space<vmem>>
        %dma_start3A_639 = tpu.memref_squeeze %dma_start3A_638 : memref<1x80xi32, #tpu.memory_space<vmem>> -> memref<80xi32, #tpu.memory_space<vmem>>
        %dma_start3A_640 = arith.constant 0 : i32
        %dma_start3A_641 = arith.constant 0 : i32
        %dma_start3A_642 = tpu.memref_slice %arg2[%dma_start3A_640, %dma_start3A_641] : memref<10000x128xf32, #tpu.memory_space<hbm>> -> memref<10000x128xf32, #tpu.memory_space<hbm>>
        tpu.enqueue_indirect_dma source(%dma_start3A_642 : memref<10000x128xf32, #tpu.memory_space<hbm>>) target(%dma_start3A_636 : memref<80x128xf32, #tpu.memory_space<vmem>>) offsets(%dma_start3A_639 : memref<80xi32, #tpu.memory_space<vmem>>) semaphore(%arg11 : memref<!tpu.dma_semaphore, #tpu.memory_space<semaphore_mem>>)
      } else {
      }
      %mul3A_494 = arith.constant 3 : i32
      %mul3A_495 = arith.muli %scan3A_443, %mul3A_494 : i32
      %add3A_496 = arith.constant 2 : i32
      %add3A_497 = arith.addi %mul3A_495, %add3A_496 : i32
      %dma_wait3A_498 = arith.constant 2 : i32
      %dma_wait3A_499 = arith.constant 2 : i32
      %dma_wait3A_500 = arith.constant 0 : i32
      %dma_wait3A_501 = arith.constant 0 : i32
      %dma_wait3A_502 = tpu.memref_slice %arg10[%dma_wait3A_499, %dma_wait3A_500, %dma_wait3A_501] : memref<3x80x128xf32, #tpu.memory_space<vmem>> -> memref<1x80x128xf32, #tpu.memory_space<vmem>>
      %dma_wait3A_503 = tpu.memref_squeeze %dma_wait3A_502 : memref<1x80x128xf32, #tpu.memory_space<vmem>> -> memref<80x128xf32, #tpu.memory_space<vmem>>
      %dma_wait3A_504 = arith.constant 0 : i32
      %dma_wait3A_505 = tpu.memref_slice %arg8[%dma_wait3A_498, %dma_wait3A_504] : memref<3x80xi32, #tpu.memory_space<vmem>> -> memref<1x80xi32, #tpu.memory_space<vmem>>
      %dma_wait3A_506 = tpu.memref_squeeze %dma_wait3A_505 : memref<1x80xi32, #tpu.memory_space<vmem>> -> memref<80xi32, #tpu.memory_space<vmem>>
      %dma_wait3A_507 = arith.constant 0 : i32
      %dma_wait3A_508 = arith.constant 0 : i32
      %dma_wait3A_509 = tpu.memref_slice %arg2[%dma_wait3A_507, %dma_wait3A_508] : memref<10000x128xf32, #tpu.memory_space<hbm>> -> memref<10000x128xf32, #tpu.memory_space<hbm>>
      tpu.wait_indirect_dma semaphore(%arg11 : memref<!tpu.dma_semaphore, #tpu.memory_space<semaphore_mem>>) src(%dma_wait3A_509 : memref<10000x128xf32, #tpu.memory_space<hbm>>) dst(%dma_wait3A_503 : memref<80x128xf32, #tpu.memory_space<vmem>>)
      %run_scoped3A_510 = arith.constant 2 : i32
      %run_scoped3A_511 = arith.constant 2 : i32
      "tpu.region"() ({
        %run_scoped3A_519 = tpu.sem_alloc : memref<!tpu.dma_semaphore, #tpu.memory_space<semaphore_mem>>
        %dma_start3A_520 = arith.constant 0 : i32
        %dma_start3A_521 = arith.constant 0 : i32
        %dma_start3A_522 = tpu.memref_slice %arg10[%run_scoped3A_510, %dma_start3A_520, %dma_start3A_521] : memref<3x80x128xf32, #tpu.memory_space<vmem>> -> memref<1x80x128xf32, #tpu.memory_space<vmem>>
        %dma_start3A_523 = tpu.memref_squeeze %dma_start3A_522 : memref<1x80x128xf32, #tpu.memory_space<vmem>> -> memref<80x128xf32, #tpu.memory_space<vmem>>
        %dma_start3A_524 = arith.constant 0 : i32
        %dma_start3A_525 = tpu.memref_slice %arg9[%run_scoped3A_511, %dma_start3A_524] : memref<3x80xi32, #tpu.memory_space<vmem>> -> memref<1x80xi32, #tpu.memory_space<vmem>>
        %dma_start3A_526 = tpu.memref_squeeze %dma_start3A_525 : memref<1x80xi32, #tpu.memory_space<vmem>> -> memref<80xi32, #tpu.memory_space<vmem>>
        %dma_start3A_527 = arith.constant 0 : i32
        %dma_start3A_528 = arith.constant 0 : i32
        %dma_start3A_529 = tpu.memref_slice %arg6[%dma_start3A_527, %dma_start3A_528] : memref<10112x128xf32, #tpu.memory_space<vmem_shared>> -> memref<10112x128xf32, #tpu.memory_space<vmem_shared>>
        tpu.enqueue_indirect_dma source(%dma_start3A_523 : memref<80x128xf32, #tpu.memory_space<vmem>>) target(%dma_start3A_529 : memref<10112x128xf32, #tpu.memory_space<vmem_shared>>) offsets(%dma_start3A_526 : memref<80xi32, #tpu.memory_space<vmem>>) semaphore(%run_scoped3A_519 : memref<!tpu.dma_semaphore, #tpu.memory_space<semaphore_mem>>) {add = true}
        %dma_wait3A_530 = arith.constant 0 : i32
        %dma_wait3A_531 = arith.constant 0 : i32
        %dma_wait3A_532 = tpu.memref_slice %arg10[%run_scoped3A_510, %dma_wait3A_530, %dma_wait3A_531] : memref<3x80x128xf32, #tpu.memory_space<vmem>> -> memref<1x80x128xf32, #tpu.memory_space<vmem>>
        %dma_wait3A_533 = tpu.memref_squeeze %dma_wait3A_532 : memref<1x80x128xf32, #tpu.memory_space<vmem>> -> memref<80x128xf32, #tpu.memory_space<vmem>>
        %dma_wait3A_534 = arith.constant 0 : i32
        %dma_wait3A_535 = tpu.memref_slice %arg9[%run_scoped3A_511, %dma_wait3A_534] : memref<3x80xi32, #tpu.memory_space<vmem>> -> memref<1x80xi32, #tpu.memory_space<vmem>>
        %dma_wait3A_536 = tpu.memref_squeeze %dma_wait3A_535 : memref<1x80xi32, #tpu.memory_space<vmem>> -> memref<80xi32, #tpu.memory_space<vmem>>
        %dma_wait3A_537 = arith.constant 0 : i32
        %dma_wait3A_538 = arith.constant 0 : i32
        %dma_wait3A_539 = tpu.memref_slice %arg6[%dma_wait3A_537, %dma_wait3A_538] : memref<10112x128xf32, #tpu.memory_space<vmem_shared>> -> memref<10112x128xf32, #tpu.memory_space<vmem_shared>>
        tpu.wait_indirect_dma semaphore(%run_scoped3A_519 : memref<!tpu.dma_semaphore, #tpu.memory_space<semaphore_mem>>) src(%dma_wait3A_533 : memref<80x128xf32, #tpu.memory_space<vmem>>) dst(%dma_wait3A_539 : memref<10112x128xf32, #tpu.memory_space<vmem_shared>>)
        tpu.yield
      }) : () -> ()
      %add3A_512 = arith.constant 3 : i32
      %add3A_513 = arith.addi %add3A_497, %add3A_512 : i32
      %lt3A_514 = arith.constant 125 : i32
      %lt3A_515 = arith.cmpi slt, %add3A_513, %lt3A_514 : i32
      %convert_element_type3A_516 = arith.extui %lt3A_515 : i1 to i32
      %cond3A_517 = arith.constant 0 : i32
      %cond3A_518 = arith.cmpi ne, %convert_element_type3A_516, %cond3A_517 : i32
      scf.if %cond3A_518 {
        %add3A_519 = arith.constant 3 : i32
        %add3A_520 = arith.addi %add3A_497, %add3A_519 : i32
        %get3A_521 = arith.index_cast %add3A_520 : i32 to index
        %get3A_522 = arith.constant 0 : index
        %get3A_523 = tpu.vector_load %arg7[%get3A_521, %get3A_522] {strides = array<i32>} : memref<125x80xi32, #tpu.memory_space<vmem>>, vector<1x16xi32>,
        %get3A_524 = vector.shape_cast %get3A_523 : vector<1x16xi32> to vector<16xi32>
        %and3A_525 = arith.constant 65535 : i32
        %and3A_526 = vector.broadcast %and3A_525 : i32 to vector<16xi32>
        %and3A_527 = arith.andi %get3A_524, %and3A_526 : vector<16xi32>
        %swap3A_528 = arith.constant 2 : i32
        %swap3A_529 = arith.index_cast %swap3A_528 : i32 to index
        %swap3A_530 = arith.constant 0 : index
        %swap3A_531 = tpu.vector_load %arg8[%swap3A_529, %swap3A_530] {strides = array<i32>} : memref<3x80xi32, #tpu.memory_space<vmem>>, vector<1x16xi32>,
        %swap3A_532 = vector.shape_cast %swap3A_531 : vector<1x16xi32> to vector<16xi32>
        %swap3A_533 = vector.shape_cast %and3A_527 : vector<16xi32> to vector<1x16xi32>
        tpu.vector_store %arg8[%swap3A_529, %swap3A_530], %swap3A_533 {strides = array<i32>} : memref<3x80xi32, #tpu.memory_space<vmem>>, vector<1x16xi32>,
        %shift_right_logical3A_534 = arith.constant 16 : i32
        %shift_right_logical3A_535 = vector.broadcast %shift_right_logical3A_534 : i32 to vector<16xi32>
        %shift_right_logical3A_536 = arith.shrui %get3A_524, %shift_right_logical3A_535 : vector<16xi32>
        %swap3A_537 = arith.constant 2 : i32
        %swap3A_538 = arith.index_cast %swap3A_537 : i32 to index
        %swap3A_539 = arith.constant 0 : index
        %swap3A_540 = tpu.vector_load %arg9[%swap3A_538, %swap3A_539] {strides = array<i32>} : memref<3x80xi32, #tpu.memory_space<vmem>>, vector<1x16xi32>,
        %swap3A_541 = vector.shape_cast %swap3A_540 : vector<1x16xi32> to vector<16xi32>
        %swap3A_542 = vector.shape_cast %shift_right_logical3A_536 : vector<16xi32> to vector<1x16xi32>
        tpu.vector_store %arg9[%swap3A_538, %swap3A_539], %swap3A_542 {strides = array<i32>} : memref<3x80xi32, #tpu.memory_space<vmem>>, vector<1x16xi32>,
        %get3A_543 = arith.index_cast %add3A_520 : i32 to index
        %get3A_544 = arith.constant 16 : index
        %get3A_545 = tpu.vector_load %arg7[%get3A_543, %get3A_544] {strides = array<i32>} : memref<125x80xi32, #tpu.memory_space<vmem>>, vector<1x16xi32>,
        %get3A_546 = vector.shape_cast %get3A_545 : vector<1x16xi32> to vector<16xi32>
        %and3A_547 = arith.constant 65535 : i32
        %and3A_548 = vector.broadcast %and3A_547 : i32 to vector<16xi32>
        %and3A_549 = arith.andi %get3A_546, %and3A_548 : vector<16xi32>
        %swap3A_550 = arith.constant 2 : i32
        %swap3A_551 = arith.index_cast %swap3A_550 : i32 to index
        %swap3A_552 = arith.constant 16 : index
        %swap3A_553 = tpu.vector_load %arg8[%swap3A_551, %swap3A_552] {strides = array<i32>} : memref<3x80xi32, #tpu.memory_space<vmem>>, vector<1x16xi32>,
        %swap3A_554 = vector.shape_cast %swap3A_553 : vector<1x16xi32> to vector<16xi32>
        %swap3A_555 = vector.shape_cast %and3A_549 : vector<16xi32> to vector<1x16xi32>
        tpu.vector_store %arg8[%swap3A_551, %swap3A_552], %swap3A_555 {strides = array<i32>} : memref<3x80xi32, #tpu.memory_space<vmem>>, vector<1x16xi32>,
        %shift_right_logical3A_556 = arith.constant 16 : i32
        %shift_right_logical3A_557 = vector.broadcast %shift_right_logical3A_556 : i32 to vector<16xi32>
        %shift_right_logical3A_558 = arith.shrui %get3A_546, %shift_right_logical3A_557 : vector<16xi32>
        %swap3A_559 = arith.constant 2 : i32
        %swap3A_560 = arith.index_cast %swap3A_559 : i32 to index
        %swap3A_561 = arith.constant 16 : index
        %swap3A_562 = tpu.vector_load %arg9[%swap3A_560, %swap3A_561] {strides = array<i32>} : memref<3x80xi32, #tpu.memory_space<vmem>>, vector<1x16xi32>,
        %swap3A_563 = vector.shape_cast %swap3A_562 : vector<1x16xi32> to vector<16xi32>
        %swap3A_564 = vector.shape_cast %shift_right_logical3A_558 : vector<16xi32> to vector<1x16xi32>
        tpu.vector_store %arg9[%swap3A_560, %swap3A_561], %swap3A_564 {strides = array<i32>} : memref<3x80xi32, #tpu.memory_space<vmem>>, vector<1x16xi32>,
        %get3A_565 = arith.index_cast %add3A_520 : i32 to index
        %get3A_566 = arith.constant 32 : index
        %get3A_567 = tpu.vector_load %arg7[%get3A_565, %get3A_566] {strides = array<i32>} : memref<125x80xi32, #tpu.memory_space<vmem>>, vector<1x16xi32>,
        %get3A_568 = vector.shape_cast %get3A_567 : vector<1x16xi32> to vector<16xi32>
        %and3A_569 = arith.constant 65535 : i32
        %and3A_570 = vector.broadcast %and3A_569 : i32 to vector<16xi32>
        %and3A_571 = arith.andi %get3A_568, %and3A_570 : vector<16xi32>
        %swap3A_572 = arith.constant 2 : i32
        %swap3A_573 = arith.index_cast %swap3A_572 : i32 to index
        %swap3A_574 = arith.constant 32 : index
        %swap3A_575 = tpu.vector_load %arg8[%swap3A_573, %swap3A_574] {strides = array<i32>} : memref<3x80xi32, #tpu.memory_space<vmem>>, vector<1x16xi32>,
        %swap3A_576 = vector.shape_cast %swap3A_575 : vector<1x16xi32> to vector<16xi32>
        %swap3A_577 = vector.shape_cast %and3A_571 : vector<16xi32> to vector<1x16xi32>
        tpu.vector_store %arg8[%swap3A_573, %swap3A_574], %swap3A_577 {strides = array<i32>} : memref<3x80xi32, #tpu.memory_space<vmem>>, vector<1x16xi32>,
        %shift_right_logical3A_578 = arith.constant 16 : i32
        %shift_right_logical3A_579 = vector.broadcast %shift_right_logical3A_578 : i32 to vector<16xi32>
        %shift_right_logical3A_580 = arith.shrui %get3A_568, %shift_right_logical3A_579 : vector<16xi32>
        %swap3A_581 = arith.constant 2 : i32
        %swap3A_582 = arith.index_cast %swap3A_581 : i32 to index
        %swap3A_583 = arith.constant 32 : index
        %swap3A_584 = tpu.vector_load %arg9[%swap3A_582, %swap3A_583] {strides = array<i32>} : memref<3x80xi32, #tpu.memory_space<vmem>>, vector<1x16xi32>,
        %swap3A_585 = vector.shape_cast %swap3A_584 : vector<1x16xi32> to vector<16xi32>
        %swap3A_586 = vector.shape_cast %shift_right_logical3A_580 : vector<16xi32> to vector<1x16xi32>
        tpu.vector_store %arg9[%swap3A_582, %swap3A_583], %swap3A_586 {strides = array<i32>} : memref<3x80xi32, #tpu.memory_space<vmem>>, vector<1x16xi32>,
        %get3A_587 = arith.index_cast %add3A_520 : i32 to index
        %get3A_588 = arith.constant 48 : index
        %get3A_589 = tpu.vector_load %arg7[%get3A_587, %get3A_588] {strides = array<i32>} : memref<125x80xi32, #tpu.memory_space<vmem>>, vector<1x16xi32>,
        %get3A_590 = vector.shape_cast %get3A_589 : vector<1x16xi32> to vector<16xi32>
        %and3A_591 = arith.constant 65535 : i32
        %and3A_592 = vector.broadcast %and3A_591 : i32 to vector<16xi32>
        %and3A_593 = arith.andi %get3A_590, %and3A_592 : vector<16xi32>
        %swap3A_594 = arith.constant 2 : i32
        %swap3A_595 = arith.index_cast %swap3A_594 : i32 to index
        %swap3A_596 = arith.constant 48 : index
        %swap3A_597 = tpu.vector_load %arg8[%swap3A_595, %swap3A_596] {strides = array<i32>} : memref<3x80xi32, #tpu.memory_space<vmem>>, vector<1x16xi32>,
        %swap3A_598 = vector.shape_cast %swap3A_597 : vector<1x16xi32> to vector<16xi32>
        %swap3A_599 = vector.shape_cast %and3A_593 : vector<16xi32> to vector<1x16xi32>
        tpu.vector_store %arg8[%swap3A_595, %swap3A_596], %swap3A_599 {strides = array<i32>} : memref<3x80xi32, #tpu.memory_space<vmem>>, vector<1x16xi32>,
        %shift_right_logical3A_600 = arith.constant 16 : i32
        %shift_right_logical3A_601 = vector.broadcast %shift_right_logical3A_600 : i32 to vector<16xi32>
        %shift_right_logical3A_602 = arith.shrui %get3A_590, %shift_right_logical3A_601 : vector<16xi32>
        %swap3A_603 = arith.constant 2 : i32
        %swap3A_604 = arith.index_cast %swap3A_603 : i32 to index
        %swap3A_605 = arith.constant 48 : index
        %swap3A_606 = tpu.vector_load %arg9[%swap3A_604, %swap3A_605] {strides = array<i32>} : memref<3x80xi32, #tpu.memory_space<vmem>>, vector<1x16xi32>,
        %swap3A_607 = vector.shape_cast %swap3A_606 : vector<1x16xi32> to vector<16xi32>
        %swap3A_608 = vector.shape_cast %shift_right_logical3A_602 : vector<16xi32> to vector<1x16xi32>
        tpu.vector_store %arg9[%swap3A_604, %swap3A_605], %swap3A_608 {strides = array<i32>} : memref<3x80xi32, #tpu.memory_space<vmem>>, vector<1x16xi32>,
        %get3A_609 = arith.index_cast %add3A_520 : i32 to index
        %get3A_610 = arith.constant 64 : index
        %get3A_611 = tpu.vector_load %arg7[%get3A_609, %get3A_610] {strides = array<i32>} : memref<125x80xi32, #tpu.memory_space<vmem>>, vector<1x16xi32>,
        %get3A_612 = vector.shape_cast %get3A_611 : vector<1x16xi32> to vector<16xi32>
        %and3A_613 = arith.constant 65535 : i32
        %and3A_614 = vector.broadcast %and3A_613 : i32 to vector<16xi32>
        %and3A_615 = arith.andi %get3A_612, %and3A_614 : vector<16xi32>
        %swap3A_616 = arith.constant 2 : i32
        %swap3A_617 = arith.index_cast %swap3A_616 : i32 to index
        %swap3A_618 = arith.constant 64 : index
        %swap3A_619 = tpu.vector_load %arg8[%swap3A_617, %swap3A_618] {strides = array<i32>} : memref<3x80xi32, #tpu.memory_space<vmem>>, vector<1x16xi32>,
        %swap3A_620 = vector.shape_cast %swap3A_619 : vector<1x16xi32> to vector<16xi32>
        %swap3A_621 = vector.shape_cast %and3A_615 : vector<16xi32> to vector<1x16xi32>
        tpu.vector_store %arg8[%swap3A_617, %swap3A_618], %swap3A_621 {strides = array<i32>} : memref<3x80xi32, #tpu.memory_space<vmem>>, vector<1x16xi32>,
        %shift_right_logical3A_622 = arith.constant 16 : i32
        %shift_right_logical3A_623 = vector.broadcast %shift_right_logical3A_622 : i32 to vector<16xi32>
        %shift_right_logical3A_624 = arith.shrui %get3A_612, %shift_right_logical3A_623 : vector<16xi32>
        %swap3A_625 = arith.constant 2 : i32
        %swap3A_626 = arith.index_cast %swap3A_625 : i32 to index
        %swap3A_627 = arith.constant 64 : index
        %swap3A_628 = tpu.vector_load %arg9[%swap3A_626, %swap3A_627] {strides = array<i32>} : memref<3x80xi32, #tpu.memory_space<vmem>>, vector<1x16xi32>,
        %swap3A_629 = vector.shape_cast %swap3A_628 : vector<1x16xi32> to vector<16xi32>
        %swap3A_630 = vector.shape_cast %shift_right_logical3A_624 : vector<16xi32> to vector<1x16xi32>
        tpu.vector_store %arg9[%swap3A_626, %swap3A_627], %swap3A_630 {strides = array<i32>} : memref<3x80xi32, #tpu.memory_space<vmem>>, vector<1x16xi32>,
        %dma_start3A_631 = arith.constant 2 : i32
        %dma_start3A_632 = arith.constant 2 : i32
        %dma_start3A_633 = arith.constant 0 : i32
        %dma_start3A_634 = arith.constant 0 : i32
        %dma_start3A_635 = tpu.memref_slice %arg10[%dma_start3A_632, %dma_start3A_633, %dma_start3A_634] : memref<3x80x128xf32, #tpu.memory_space<vmem>> -> memref<1x80x128xf32, #tpu.memory_space<vmem>>
        %dma_start3A_636 = tpu.memref_squeeze %dma_start3A_635 : memref<1x80x128xf32, #tpu.memory_space<vmem>> -> memref<80x128xf32, #tpu.memory_space<vmem>>
        %dma_start3A_637 = arith.constant 0 : i32
        %dma_start3A_638 = tpu.memref_slice %arg8[%dma_start3A_631, %dma_start3A_637] : memref<3x80xi32, #tpu.memory_space<vmem>> -> memref<1x80xi32, #tpu.memory_space<vmem>>
        %dma_start3A_639 = tpu.memref_squeeze %dma_start3A_638 : memref<1x80xi32, #tpu.memory_space<vmem>> -> memref<80xi32, #tpu.memory_space<vmem>>
        %dma_start3A_640 = arith.constant 0 : i32
        %dma_start3A_641 = arith.constant 0 : i32
        %dma_start3A_642 = tpu.memref_slice %arg2[%dma_start3A_640, %dma_start3A_641] : memref<10000x128xf32, #tpu.memory_space<hbm>> -> memref<10000x128xf32, #tpu.memory_space<hbm>>
        tpu.enqueue_indirect_dma source(%dma_start3A_642 : memref<10000x128xf32, #tpu.memory_space<hbm>>) target(%dma_start3A_636 : memref<80x128xf32, #tpu.memory_space<vmem>>) offsets(%dma_start3A_639 : memref<80xi32, #tpu.memory_space<vmem>>) semaphore(%arg11 : memref<!tpu.dma_semaphore, #tpu.memory_space<semaphore_mem>>)
      } else {
      }
    }
    %scan3A_404 = arith.constant 41 : i32
    %dma_wait3A_405 = arith.constant 0 : i32
    %dma_wait3A_406 = arith.constant 0 : i32
    %dma_wait3A_407 = arith.constant 0 : i32
    %dma_wait3A_408 = arith.constant 0 : i32
    %dma_wait3A_409 = tpu.memref_slice %arg10[%dma_wait3A_406, %dma_wait3A_407, %dma_wait3A_408] : memref<3x80x128xf32, #tpu.memory_space<vmem>> -> memref<1x80x128xf32, #tpu.memory_space<vmem>>
    %dma_wait3A_410 = tpu.memref_squeeze %dma_wait3A_409 : memref<1x80x128xf32, #tpu.memory_space<vmem>> -> memref<80x128xf32, #tpu.memory_space<vmem>>
    %dma_wait3A_411 = arith.constant 0 : i32
    %dma_wait3A_412 = tpu.memref_slice %arg8[%dma_wait3A_405, %dma_wait3A_411] : memref<3x80xi32, #tpu.memory_space<vmem>> -> memref<1x80xi32, #tpu.memory_space<vmem>>
    %dma_wait3A_413 = tpu.memref_squeeze %dma_wait3A_412 : memref<1x80xi32, #tpu.memory_space<vmem>> -> memref<80xi32, #tpu.memory_space<vmem>>
    %dma_wait3A_414 = arith.constant 0 : i32
    %dma_wait3A_415 = arith.constant 0 : i32
    %dma_wait3A_416 = tpu.memref_slice %arg2[%dma_wait3A_414, %dma_wait3A_415] : memref<10000x128xf32, #tpu.memory_space<hbm>> -> memref<10000x128xf32, #tpu.memory_space<hbm>>
    tpu.wait_indirect_dma semaphore(%arg11 : memref<!tpu.dma_semaphore, #tpu.memory_space<semaphore_mem>>) src(%dma_wait3A_416 : memref<10000x128xf32, #tpu.memory_space<hbm>>) dst(%dma_wait3A_410 : memref<80x128xf32, #tpu.memory_space<vmem>>)
    %run_scoped3A = arith.constant 0 : i32
    %run_scoped3A_417 = arith.constant 0 : i32
    "tpu.region"() ({
      %run_scoped3A_443 = tpu.sem_alloc : memref<!tpu.dma_semaphore, #tpu.memory_space<semaphore_mem>>
      %dma_start3A_444 = arith.constant 0 : i32
      %dma_start3A_445 = arith.constant 0 : i32
      %dma_start3A_446 = tpu.memref_slice %arg10[%run_scoped3A, %dma_start3A_444, %dma_start3A_445] : memref<3x80x128xf32, #tpu.memory_space<vmem>> -> memref<1x80x128xf32, #tpu.memory_space<vmem>>
      %dma_start3A_447 = tpu.memref_squeeze %dma_start3A_446 : memref<1x80x128xf32, #tpu.memory_space<vmem>> -> memref<80x128xf32, #tpu.memory_space<vmem>>
      %dma_start3A_448 = arith.constant 0 : i32
      %dma_start3A_449 = tpu.memref_slice %arg9[%run_scoped3A_417, %dma_start3A_448] : memref<3x80xi32, #tpu.memory_space<vmem>> -> memref<1x80xi32, #tpu.memory_space<vmem>>
      %dma_start3A_450 = tpu.memref_squeeze %dma_start3A_449 : memref<1x80xi32, #tpu.memory_space<vmem>> -> memref<80xi32, #tpu.memory_space<vmem>>
      %dma_start3A_451 = arith.constant 0 : i32
      %dma_start3A_452 = arith.constant 0 : i32
      %dma_start3A_453 = tpu.memref_slice %arg6[%dma_start3A_451, %dma_start3A_452] : memref<10112x128xf32, #tpu.memory_space<vmem_shared>> -> memref<10112x128xf32, #tpu.memory_space<vmem_shared>>
      tpu.enqueue_indirect_dma source(%dma_start3A_447 : memref<80x128xf32, #tpu.memory_space<vmem>>) target(%dma_start3A_453 : memref<10112x128xf32, #tpu.memory_space<vmem_shared>>) offsets(%dma_start3A_450 : memref<80xi32, #tpu.memory_space<vmem>>) semaphore(%run_scoped3A_443 : memref<!tpu.dma_semaphore, #tpu.memory_space<semaphore_mem>>) {add = true}
      %dma_wait3A_454 = arith.constant 0 : i32
      %dma_wait3A_455 = arith.constant 0 : i32
      %dma_wait3A_456 = tpu.memref_slice %arg10[%run_scoped3A, %dma_wait3A_454, %dma_wait3A_455] : memref<3x80x128xf32, #tpu.memory_space<vmem>> -> memref<1x80x128xf32, #tpu.memory_space<vmem>>
      %dma_wait3A_457 = tpu.memref_squeeze %dma_wait3A_456 : memref<1x80x128xf32, #tpu.memory_space<vmem>> -> memref<80x128xf32, #tpu.memory_space<vmem>>
      %dma_wait3A_458 = arith.constant 0 : i32
      %dma_wait3A_459 = tpu.memref_slice %arg9[%run_scoped3A_417, %dma_wait3A_458] : memref<3x80xi32, #tpu.memory_space<vmem>> -> memref<1x80xi32, #tpu.memory_space<vmem>>
      %dma_wait3A_460 = tpu.memref_squeeze %dma_wait3A_459 : memref<1x80xi32, #tpu.memory_space<vmem>> -> memref<80xi32, #tpu.memory_space<vmem>>
      %dma_wait3A_461 = arith.constant 0 : i32
      %dma_wait3A_462 = arith.constant 0 : i32
      %dma_wait3A_463 = tpu.memref_slice %arg6[%dma_wait3A_461, %dma_wait3A_462] : memref<10112x128xf32, #tpu.memory_space<vmem_shared>> -> memref<10112x128xf32, #tpu.memory_space<vmem_shared>>
      tpu.wait_indirect_dma semaphore(%run_scoped3A_443 : memref<!tpu.dma_semaphore, #tpu.memory_space<semaphore_mem>>) src(%dma_wait3A_457 : memref<80x128xf32, #tpu.memory_space<vmem>>) dst(%dma_wait3A_463 : memref<10112x128xf32, #tpu.memory_space<vmem_shared>>)
      tpu.yield
    }) : () -> ()
    %dma_wait3A_418 = arith.constant 1 : i32
    %dma_wait3A_419 = arith.constant 1 : i32
    %dma_wait3A_420 = arith.constant 0 : i32
    %dma_wait3A_421 = arith.constant 0 : i32
    %dma_wait3A_422 = tpu.memref_slice %arg10[%dma_wait3A_419, %dma_wait3A_420, %dma_wait3A_421] : memref<3x80x128xf32, #tpu.memory_space<vmem>> -> memref<1x80x128xf32, #tpu.memory_space<vmem>>
    %dma_wait3A_423 = tpu.memref_squeeze %dma_wait3A_422 : memref<1x80x128xf32, #tpu.memory_space<vmem>> -> memref<80x128xf32, #tpu.memory_space<vmem>>
    %dma_wait3A_424 = arith.constant 0 : i32
    %dma_wait3A_425 = tpu.memref_slice %arg8[%dma_wait3A_418, %dma_wait3A_424] : memref<3x80xi32, #tpu.memory_space<vmem>> -> memref<1x80xi32, #tpu.memory_space<vmem>>
    %dma_wait3A_426 = tpu.memref_squeeze %dma_wait3A_425 : memref<1x80xi32, #tpu.memory_space<vmem>> -> memref<80xi32, #tpu.memory_space<vmem>>
    %dma_wait3A_427 = arith.constant 0 : i32
    %dma_wait3A_428 = arith.constant 0 : i32
    %dma_wait3A_429 = tpu.memref_slice %arg2[%dma_wait3A_427, %dma_wait3A_428] : memref<10000x128xf32, #tpu.memory_space<hbm>> -> memref<10000x128xf32, #tpu.memory_space<hbm>>
    tpu.wait_indirect_dma semaphore(%arg11 : memref<!tpu.dma_semaphore, #tpu.memory_space<semaphore_mem>>) src(%dma_wait3A_429 : memref<10000x128xf32, #tpu.memory_space<hbm>>) dst(%dma_wait3A_423 : memref<80x128xf32, #tpu.memory_space<vmem>>)
    %run_scoped3A_430 = arith.constant 1 : i32
    %run_scoped3A_431 = arith.constant 1 : i32
    "tpu.region"() ({
      %run_scoped3A_443 = tpu.sem_alloc : memref<!tpu.dma_semaphore, #tpu.memory_space<semaphore_mem>>
      %dma_start3A_444 = arith.constant 0 : i32
      %dma_start3A_445 = arith.constant 0 : i32
      %dma_start3A_446 = tpu.memref_slice %arg10[%run_scoped3A_430, %dma_start3A_444, %dma_start3A_445] : memref<3x80x128xf32, #tpu.memory_space<vmem>> -> memref<1x80x128xf32, #tpu.memory_space<vmem>>
      %dma_start3A_447 = tpu.memref_squeeze %dma_start3A_446 : memref<1x80x128xf32, #tpu.memory_space<vmem>> -> memref<80x128xf32, #tpu.memory_space<vmem>>
      %dma_start3A_448 = arith.constant 0 : i32
      %dma_start3A_449 = tpu.memref_slice %arg9[%run_scoped3A_431, %dma_start3A_448] : memref<3x80xi32, #tpu.memory_space<vmem>> -> memref<1x80xi32, #tpu.memory_space<vmem>>
      %dma_start3A_450 = tpu.memref_squeeze %dma_start3A_449 : memref<1x80xi32, #tpu.memory_space<vmem>> -> memref<80xi32, #tpu.memory_space<vmem>>
      %dma_start3A_451 = arith.constant 0 : i32
      %dma_start3A_452 = arith.constant 0 : i32
      %dma_start3A_453 = tpu.memref_slice %arg6[%dma_start3A_451, %dma_start3A_452] : memref<10112x128xf32, #tpu.memory_space<vmem_shared>> -> memref<10112x128xf32, #tpu.memory_space<vmem_shared>>
      tpu.enqueue_indirect_dma source(%dma_start3A_447 : memref<80x128xf32, #tpu.memory_space<vmem>>) target(%dma_start3A_453 : memref<10112x128xf32, #tpu.memory_space<vmem_shared>>) offsets(%dma_start3A_450 : memref<80xi32, #tpu.memory_space<vmem>>) semaphore(%run_scoped3A_443 : memref<!tpu.dma_semaphore, #tpu.memory_space<semaphore_mem>>) {add = true}
      %dma_wait3A_454 = arith.constant 0 : i32
      %dma_wait3A_455 = arith.constant 0 : i32
      %dma_wait3A_456 = tpu.memref_slice %arg10[%run_scoped3A_430, %dma_wait3A_454, %dma_wait3A_455] : memref<3x80x128xf32, #tpu.memory_space<vmem>> -> memref<1x80x128xf32, #tpu.memory_space<vmem>>
      %dma_wait3A_457 = tpu.memref_squeeze %dma_wait3A_456 : memref<1x80x128xf32, #tpu.memory_space<vmem>> -> memref<80x128xf32, #tpu.memory_space<vmem>>
      %dma_wait3A_458 = arith.constant 0 : i32
      %dma_wait3A_459 = tpu.memref_slice %arg9[%run_scoped3A_431, %dma_wait3A_458] : memref<3x80xi32, #tpu.memory_space<vmem>> -> memref<1x80xi32, #tpu.memory_space<vmem>>
      %dma_wait3A_460 = tpu.memref_squeeze %dma_wait3A_459 : memref<1x80xi32, #tpu.memory_space<vmem>> -> memref<80xi32, #tpu.memory_space<vmem>>
      %dma_wait3A_461 = arith.constant 0 : i32
      %dma_wait3A_462 = arith.constant 0 : i32
      %dma_wait3A_463 = tpu.memref_slice %arg6[%dma_wait3A_461, %dma_wait3A_462] : memref<10112x128xf32, #tpu.memory_space<vmem_shared>> -> memref<10112x128xf32, #tpu.memory_space<vmem_shared>>
      tpu.wait_indirect_dma semaphore(%run_scoped3A_443 : memref<!tpu.dma_semaphore, #tpu.memory_space<semaphore_mem>>) src(%dma_wait3A_457 : memref<80x128xf32, #tpu.memory_space<vmem>>) dst(%dma_wait3A_463 : memref<10112x128xf32, #tpu.memory_space<vmem_shared>>)
      tpu.yield
    }) : () -> ()
    %barrier3A_432 = arith.constant 0 : index
    tpu.barrier barrier_id(%barrier3A_432)
    %lt3A_433 = arith.constant 15 : i32
    %lt3A_434 = arith.cmpi slt, %arg1, %lt3A_433 : i32
    %convert_element_type3A_435 = arith.extui %lt3A_434 : i1 to i32
    %cond3A_436 = arith.constant 0 : i32
    %cond3A_437 = arith.cmpi ne, %convert_element_type3A_435, %cond3A_436 : i32
    scf.if %cond3A_437 {
      "tpu.region"() ({
        %run_scoped3A_443 = tpu.sem_alloc : memref<!tpu.dma_semaphore, #tpu.memory_space<semaphore_mem>>
        %dma_start3A_444 = arith.constant 0 : i32
        %dma_start3A_445 = tpu.memref_slice %arg5[%arg0, %mul3A_9, %dma_start3A_444] : memref<2x10112x128xf32, #tpu.memory_space<hbm>> -> memref<1x632x128xf32, #tpu.memory_space<hbm>>
        %dma_start3A_446 = tpu.memref_squeeze %dma_start3A_445 : memref<1x632x128xf32, #tpu.memory_space<hbm>> -> memref<632x128xf32, #tpu.memory_space<hbm>>
        %dma_start3A_447 = arith.constant 0 : i32
        %dma_start3A_448 = tpu.memref_slice %arg6[%mul3A_9, %dma_start3A_447] : memref<10112x128xf32, #tpu.memory_space<vmem_shared>> -> memref<632x128xf32, #tpu.memory_space<vmem_shared>>
        tpu.enqueue_dma source(%dma_start3A_448 : memref<632x128xf32, #tpu.memory_space<vmem_shared>>) target(%dma_start3A_446 : memref<632x128xf32, #tpu.memory_space<hbm>>) target_semaphore(%run_scoped3A_443 : memref<!tpu.dma_semaphore, #tpu.memory_space<semaphore_mem>>)
        %dma_wait3A_449 = arith.constant 0 : i32
        %dma_wait3A_450 = tpu.memref_slice %arg5[%arg0, %mul3A_9, %dma_wait3A_449] : memref<2x10112x128xf32, #tpu.memory_space<hbm>> -> memref<1x632x128xf32, #tpu.memory_space<hbm>>
        %dma_wait3A_451 = tpu.memref_squeeze %dma_wait3A_450 : memref<1x632x128xf32, #tpu.memory_space<hbm>> -> memref<632x128xf32, #tpu.memory_space<hbm>>
        %dma_wait3A_452 = arith.constant 0 : i32
        %dma_wait3A_453 = tpu.memref_slice %arg6[%mul3A_9, %dma_wait3A_452] : memref<10112x128xf32, #tpu.memory_space<vmem_shared>> -> memref<632x128xf32, #tpu.memory_space<vmem_shared>>
        tpu.wait_dma2 semaphore(%run_scoped3A_443 : memref<!tpu.dma_semaphore, #tpu.memory_space<semaphore_mem>>) src(%dma_wait3A_453 : memref<632x128xf32, #tpu.memory_space<vmem_shared>>) dst(%dma_wait3A_451 : memref<632x128xf32, #tpu.memory_space<hbm>>)
        tpu.yield
      }) : () -> ()
    } else {
    }
    %eq3A_438 = arith.constant 15 : i32
    %eq3A_439 = arith.cmpi eq, %arg1, %eq3A_438 : i32
    %convert_element_type3A_440 = arith.extui %eq3A_439 : i1 to i32
    %cond3A_441 = arith.constant 0 : i32
    %cond3A_442 = arith.cmpi ne, %convert_element_type3A_440, %cond3A_441 : i32
    scf.if %cond3A_442 {
      "tpu.region"() ({
        %run_scoped3A_443 = tpu.sem_alloc : memref<!tpu.dma_semaphore, #tpu.memory_space<semaphore_mem>>
        %dma_start3A_444 = arith.constant 0 : i32
        %dma_start3A_445 = tpu.memref_slice %arg5[%arg0, %mul3A_9, %dma_start3A_444] : memref<2x10112x128xf32, #tpu.memory_space<hbm>> -> memref<1x520x128xf32, #tpu.memory_space<hbm>>
        %dma_start3A_446 = tpu.memref_squeeze %dma_start3A_445 : memref<1x520x128xf32, #tpu.memory_space<hbm>> -> memref<520x128xf32, #tpu.memory_space<hbm>>
        %dma_start3A_447 = arith.constant 0 : i32
        %dma_start3A_448 = tpu.memref_slice %arg6[%mul3A_9, %dma_start3A_447] : memref<10112x128xf32, #tpu.memory_space<vmem_shared>> -> memref<520x128xf32, #tpu.memory_space<vmem_shared>>
        tpu.enqueue_dma source(%dma_start3A_448 : memref<520x128xf32, #tpu.memory_space<vmem_shared>>) target(%dma_start3A_446 : memref<520x128xf32, #tpu.memory_space<hbm>>) target_semaphore(%run_scoped3A_443 : memref<!tpu.dma_semaphore, #tpu.memory_space<semaphore_mem>>)
        %dma_wait3A_449 = arith.constant 0 : i32
        %dma_wait3A_450 = tpu.memref_slice %arg5[%arg0, %mul3A_9, %dma_wait3A_449] : memref<2x10112x128xf32, #tpu.memory_space<hbm>> -> memref<1x520x128xf32, #tpu.memory_space<hbm>>
        %dma_wait3A_451 = tpu.memref_squeeze %dma_wait3A_450 : memref<1x520x128xf32, #tpu.memory_space<hbm>> -> memref<520x128xf32, #tpu.memory_space<hbm>>
        %dma_wait3A_452 = arith.constant 0 : i32
        %dma_wait3A_453 = tpu.memref_slice %arg6[%mul3A_9, %dma_wait3A_452] : memref<10112x128xf32, #tpu.memory_space<vmem_shared>> -> memref<520x128xf32, #tpu.memory_space<vmem_shared>>
        tpu.wait_dma2 semaphore(%run_scoped3A_443 : memref<!tpu.dma_semaphore, #tpu.memory_space<semaphore_mem>>) src(%dma_wait3A_453 : memref<520x128xf32, #tpu.memory_space<vmem_shared>>) dst(%dma_wait3A_451 : memref<520x128xf32, #tpu.memory_space<hbm>>)
        tpu.yield
      }) : () -> ()
    } else {
    }
    return
  }
}

module attributes {stable_mosaic.version = 14 : i64} {
  func.func @body(%arg0: i32, %arg1: memref<2x1000x128xf32, #tpu.memory_space<vmem>>, %arg2: memref<128x128xf32, #tpu.memory_space<vmem>>, %arg3: memref<1x128xf32, #tpu.memory_space<vmem>>, %arg4: memref<128x128xf32, #tpu.memory_space<vmem>>, %arg5: memref<1x128xf32, #tpu.memory_space<vmem>>, %arg6: memref<1000x128xf32, #tpu.memory_space<vmem>>) attributes {dimension_semantics = [#tpu.dimension_semantics<arbitrary>], iteration_bounds = array<i64: 10>, scalar_prefetch = 0 : i64, scratch_operands = 0 : i64, tpu.core_type = #tpu.core_type<tc>, window_params = [{transform_indices = @transform_0, window_bounds = array<i64: 2, 1000, 128>}, {pipeline_mode = #tpu.pipeline_mode<synchronous>, transform_indices = @transform_1, window_bounds = array<i64: 128, 128>}, {pipeline_mode = #tpu.pipeline_mode<synchronous>, transform_indices = @transform_2, window_bounds = array<i64: 1, 128>}, {pipeline_mode = #tpu.pipeline_mode<synchronous>, transform_indices = @transform_3, window_bounds = array<i64: 128, 128>}, {pipeline_mode = #tpu.pipeline_mode<synchronous>, transform_indices = @transform_4, window_bounds = array<i64: 1, 128>}, {transform_indices = @transform_5, window_bounds = array<i64: 1000, 128>}]} {
    %get3A = arith.constant 0 : index
    %get3A_0 = arith.constant 0 : index
    %get3A_1 = arith.constant 0 : index
    %get3A_2 = vector.load %arg1[%get3A, %get3A_0, %get3A_1] : memref<2x1000x128xf32, #tpu.memory_space<vmem>>, vector<1x1000x128xf32>
    %get3A_3 = vector.shape_cast %get3A_2 : vector<1x1000x128xf32> to vector<1000x128xf32>
    %get3A_4 = arith.constant 1 : index
    %get3A_5 = arith.constant 0 : index
    %get3A_6 = arith.constant 0 : index
    %get3A_7 = vector.load %arg1[%get3A_4, %get3A_5, %get3A_6] : memref<2x1000x128xf32, #tpu.memory_space<vmem>>, vector<1x1000x128xf32>
    %get3A_8 = vector.shape_cast %get3A_7 : vector<1x1000x128xf32> to vector<1000x128xf32>
    %add3A = arith.addf %get3A_3, %get3A_8 : vector<1000x128xf32>
    %get3A_9 = arith.constant 0 : index
    %get3A_10 = arith.constant 0 : index
    %get3A_11 = vector.load %arg2[%get3A_9, %get3A_10] : memref<128x128xf32, #tpu.memory_space<vmem>>, vector<128x128xf32>
    %dot_general3A = arith.constant dense<0.000000e+00> : vector<1000x128xf32>
    %dot_general3A_12 = tpu.matmul %add3A, %get3A_11, %dot_general3A {dimension_numbers = #tpu.dot_dimension_numbers<[1], [0], [0], [1], [0, 0, 1, 1], [], []>, transpose_lhs_hint = false} : vector<1000x128xf32>, vector<128x128xf32>, vector<1000x128xf32> -> vector<1000x128xf32>
    %get3A_13 = arith.constant 0 : index
    %get3A_14 = arith.constant 0 : index
    %get3A_15 = vector.load %arg3[%get3A_13, %get3A_14] : memref<1x128xf32, #tpu.memory_space<vmem>>, vector<1x128xf32>
    %add3A_16 = vector.broadcast %get3A_15 : vector<1x128xf32> to vector<1000x128xf32>
    %add3A_17 = arith.addf %dot_general3A_12, %add3A_16 : vector<1000x128xf32>
    %max3A = arith.constant 0.000000e+00 : f32
    %max3A_18 = vector.broadcast %max3A : f32 to vector<1000x128xf32>
    %max3A_19 = arith.maximumf %add3A_17, %max3A_18 : vector<1000x128xf32>
    %get3A_20 = arith.constant 0 : index
    %get3A_21 = arith.constant 0 : index
    %get3A_22 = vector.load %arg4[%get3A_20, %get3A_21] : memref<128x128xf32, #tpu.memory_space<vmem>>, vector<128x128xf32>
    %dot_general3A_23 = arith.constant dense<0.000000e+00> : vector<1000x128xf32>
    %dot_general3A_24 = tpu.matmul %max3A_19, %get3A_22, %dot_general3A_23 {dimension_numbers = #tpu.dot_dimension_numbers<[1], [0], [0], [1], [0, 0, 1, 1], [], []>, transpose_lhs_hint = false} : vector<1000x128xf32>, vector<128x128xf32>, vector<1000x128xf32> -> vector<1000x128xf32>
    %get3A_25 = arith.constant 0 : index
    %get3A_26 = arith.constant 0 : index
    %get3A_27 = vector.load %arg5[%get3A_25, %get3A_26] : memref<1x128xf32, #tpu.memory_space<vmem>>, vector<1x128xf32>
    %add3A_28 = vector.broadcast %get3A_27 : vector<1x128xf32> to vector<1000x128xf32>
    %add3A_29 = arith.addf %dot_general3A_24, %add3A_28 : vector<1000x128xf32>
    %swap3A = arith.constant 0 : index
    %swap3A_30 = arith.constant 0 : index
    %swap3A_31 = vector.load %arg6[%swap3A, %swap3A_30] : memref<1000x128xf32, #tpu.memory_space<vmem>>, vector<1000x128xf32>
    tpu.vector_store %arg6[%swap3A, %swap3A_30], %add3A_29 {strides = array<i32>} : memref<1000x128xf32, #tpu.memory_space<vmem>>, vector<1000x128xf32>,
    return
  }
  func.func @transform_0(%arg0: i32) -> (i32, i32, i32) {
    %c0_i32 = arith.constant 0 : i32
    %c0_i32_0 = arith.constant 0 : i32
    %c0_i32_1 = arith.constant 0 : i32
    return %c0_i32, %arg0, %c0_i32_0 : i32, i32, i32
  }
  func.func @transform_1(%arg0: i32) -> (i32, i32) {
    %c0_i32 = arith.constant 0 : i32
    %c0_i32_0 = arith.constant 0 : i32
    %c0_i32_1 = arith.constant 0 : i32
    return %c0_i32, %c0_i32_0 : i32, i32
  }
  func.func @transform_2(%arg0: i32) -> (i32, i32) {
    %c0_i32 = arith.constant 0 : i32
    %c0_i32_0 = arith.constant 0 : i32
    %c0_i32_1 = arith.constant 0 : i32
    return %c0_i32, %c0_i32_0 : i32, i32
  }
  func.func @transform_3(%arg0: i32) -> (i32, i32) {
    %c0_i32 = arith.constant 0 : i32
    %c0_i32_0 = arith.constant 0 : i32
    %c0_i32_1 = arith.constant 0 : i32
    return %c0_i32, %c0_i32_0 : i32, i32
  }
  func.func @transform_4(%arg0: i32) -> (i32, i32) {
    %c0_i32 = arith.constant 0 : i32
    %c0_i32_0 = arith.constant 0 : i32
    %c0_i32_1 = arith.constant 0 : i32
    return %c0_i32, %c0_i32_0 : i32, i32
  }
  func.func @transform_5(%arg0: i32) -> (i32, i32) {
    %c0_i32 = arith.constant 0 : i32
    %c0_i32_0 = arith.constant 0 : i32
    return %arg0, %c0_i32 : i32, i32
  }
}

module attributes {stable_mosaic.version = 14 : i64} {
  func.func @body(%arg0: i32, %arg1: memref<2x1000x128xf32, #tpu.memory_space<vmem>>, %arg2: memref<1x1x1000xi32, #tpu.memory_space<vmem>>, %arg3: memref<128x128xf32, #tpu.memory_space<vmem>>, %arg4: memref<1x128xf32, #tpu.memory_space<vmem>>, %arg5: memref<128x128xf32, #tpu.memory_space<vmem>>, %arg6: memref<1x128xf32, #tpu.memory_space<vmem>>, %arg7: memref<128x128xf32, #tpu.memory_space<vmem>>, %arg8: memref<1x128xf32, #tpu.memory_space<vmem>>, %arg9: memref<128x128xf32, #tpu.memory_space<vmem>>, %arg10: memref<1x128xf32, #tpu.memory_space<vmem>>, %arg11: memref<64x128xf32, #tpu.memory_space<vmem>>, %arg12: memref<64x128xf32, #tpu.memory_space<vmem>>, %arg13: memref<64x128xf32, #tpu.memory_space<vmem>>) attributes {dimension_semantics = [#tpu.dimension_semantics<arbitrary>], iteration_bounds = array<i64: 10>, scalar_prefetch = 0 : i64, scratch_operands = 2 : i64, tpu.core_type = #tpu.core_type<tc>, window_params = [{transform_indices = @transform_0, window_bounds = array<i64: 2, 1000, 128>}, {transform_indices = @transform_1, window_bounds = array<i64: 1, 1, 1000>}, {pipeline_mode = #tpu.pipeline_mode<synchronous>, transform_indices = @transform_2, window_bounds = array<i64: 128, 128>}, {pipeline_mode = #tpu.pipeline_mode<synchronous>, transform_indices = @transform_3, window_bounds = array<i64: 1, 128>}, {pipeline_mode = #tpu.pipeline_mode<synchronous>, transform_indices = @transform_4, window_bounds = array<i64: 128, 128>}, {pipeline_mode = #tpu.pipeline_mode<synchronous>, transform_indices = @transform_5, window_bounds = array<i64: 1, 128>}, {pipeline_mode = #tpu.pipeline_mode<synchronous>, transform_indices = @transform_6, window_bounds = array<i64: 128, 128>}, {pipeline_mode = #tpu.pipeline_mode<synchronous>, transform_indices = @transform_7, window_bounds = array<i64: 1, 128>}, {pipeline_mode = #tpu.pipeline_mode<synchronous>, transform_indices = @transform_8, window_bounds = array<i64: 128, 128>}, {pipeline_mode = #tpu.pipeline_mode<synchronous>, transform_indices = @transform_9, window_bounds = array<i64: 1, 128>}, {pipeline_mode = #tpu.pipeline_mode<synchronous>, transform_indices = @transform_10, window_bounds = array<i64: 64, 128>}]} {
    %eq3A = arith.constant 0 : i32
    %eq3A_0 = arith.cmpi eq, %arg0, %eq3A : i32
    %convert_element_type3A = arith.extui %eq3A_0 : i1 to i32
    %cond3A = arith.constant 0 : i32
    %cond3A_1 = arith.cmpi ne, %convert_element_type3A, %cond3A : i32
    scf.if %cond3A_1 {
      %broadcast_in_dim3A_65 = arith.constant 0.000000e+00 : f32
      %broadcast_in_dim3A_66 = vector.broadcast %broadcast_in_dim3A_65 : f32 to vector<64x128xf32>
      %swap3A_67 = arith.constant 0 : index
      %swap3A_68 = arith.constant 0 : index
      %swap3A_69 = vector.load %arg12[%swap3A_67, %swap3A_68] : memref<64x128xf32, #tpu.memory_space<vmem>>, vector<64x128xf32>
      tpu.vector_store %arg12[%swap3A_67, %swap3A_68], %broadcast_in_dim3A_66 {strides = array<i32>} : memref<64x128xf32, #tpu.memory_space<vmem>>, vector<64x128xf32>,
      %broadcast_in_dim3A_70 = arith.constant 0.000000e+00 : f32
      %broadcast_in_dim3A_71 = vector.broadcast %broadcast_in_dim3A_70 : f32 to vector<64x128xf32>
      %swap3A_72 = arith.constant 0 : index
      %swap3A_73 = arith.constant 0 : index
      %swap3A_74 = vector.load %arg13[%swap3A_72, %swap3A_73] : memref<64x128xf32, #tpu.memory_space<vmem>>, vector<64x128xf32>
      tpu.vector_store %arg13[%swap3A_72, %swap3A_73], %broadcast_in_dim3A_71 {strides = array<i32>} : memref<64x128xf32, #tpu.memory_space<vmem>>, vector<64x128xf32>,
    } else {
    }
    %get3A = arith.constant 0 : index
    %get3A_2 = arith.constant 0 : index
    %get3A_3 = arith.constant 0 : index
    %get3A_4 = vector.load %arg1[%get3A, %get3A_2, %get3A_3] : memref<2x1000x128xf32, #tpu.memory_space<vmem>>, vector<1x1000x128xf32>
    %get3A_5 = vector.shape_cast %get3A_4 : vector<1x1000x128xf32> to vector<1000x128xf32>
    %get3A_6 = arith.constant 1 : index
    %get3A_7 = arith.constant 0 : index
    %get3A_8 = arith.constant 0 : index
    %get3A_9 = vector.load %arg1[%get3A_6, %get3A_7, %get3A_8] : memref<2x1000x128xf32, #tpu.memory_space<vmem>>, vector<1x1000x128xf32>
    %get3A_10 = vector.shape_cast %get3A_9 : vector<1x1000x128xf32> to vector<1000x128xf32>
    %add3A = arith.addf %get3A_5, %get3A_10 : vector<1000x128xf32>
    %get3A_11 = arith.constant 0 : index
    %get3A_12 = arith.constant 0 : index
    %get3A_13 = vector.load %arg3[%get3A_11, %get3A_12] : memref<128x128xf32, #tpu.memory_space<vmem>>, vector<128x128xf32>
    %dot_general3A = arith.constant dense<0.000000e+00> : vector<1000x128xf32>
    %dot_general3A_14 = tpu.matmul %add3A, %get3A_13, %dot_general3A {dimension_numbers = #tpu.dot_dimension_numbers<[1], [0], [0], [1], [0, 0, 1, 1], [], []>, transpose_lhs_hint = false} : vector<1000x128xf32>, vector<128x128xf32>, vector<1000x128xf32> -> vector<1000x128xf32>
    %get3A_15 = arith.constant 0 : index
    %get3A_16 = arith.constant 0 : index
    %get3A_17 = vector.load %arg4[%get3A_15, %get3A_16] : memref<1x128xf32, #tpu.memory_space<vmem>>, vector<1x128xf32>
    %add3A_18 = vector.broadcast %get3A_17 : vector<1x128xf32> to vector<1000x128xf32>
    %add3A_19 = arith.addf %dot_general3A_14, %add3A_18 : vector<1000x128xf32>
    %max3A = arith.constant 0.000000e+00 : f32
    %max3A_20 = vector.broadcast %max3A : f32 to vector<1000x128xf32>
    %max3A_21 = arith.maximumf %add3A_19, %max3A_20 : vector<1000x128xf32>
    %get3A_22 = arith.constant 0 : index
    %get3A_23 = arith.constant 0 : index
    %get3A_24 = vector.load %arg5[%get3A_22, %get3A_23] : memref<128x128xf32, #tpu.memory_space<vmem>>, vector<128x128xf32>
    %dot_general3A_25 = arith.constant dense<0.000000e+00> : vector<1000x128xf32>
    %dot_general3A_26 = tpu.matmul %max3A_21, %get3A_24, %dot_general3A_25 {dimension_numbers = #tpu.dot_dimension_numbers<[1], [0], [0], [1], [0, 0, 1, 1], [], []>, transpose_lhs_hint = false} : vector<1000x128xf32>, vector<128x128xf32>, vector<1000x128xf32> -> vector<1000x128xf32>
    %get3A_27 = arith.constant 0 : index
    %get3A_28 = arith.constant 0 : index
    %get3A_29 = vector.load %arg6[%get3A_27, %get3A_28] : memref<1x128xf32, #tpu.memory_space<vmem>>, vector<1x128xf32>
    %add3A_30 = vector.broadcast %get3A_29 : vector<1x128xf32> to vector<1000x128xf32>
    %add3A_31 = arith.addf %dot_general3A_26, %add3A_30 : vector<1000x128xf32>
    %iota3A = tpu.iota {dimensions = array<i32: 0>} : vector<64x1000xi32>
    %get3A_32 = arith.constant 0 : index
    %get3A_33 = arith.constant 0 : index
    %get3A_34 = arith.constant 0 : index
    %get3A_35 = vector.load %arg2[%get3A_32, %get3A_33, %get3A_34] : memref<1x1x1000xi32, #tpu.memory_space<vmem>>, vector<1x1x1000xi32>
    %get3A_36 = vector.shape_cast %get3A_35 : vector<1x1x1000xi32> to vector<1x1000xi32>
    %broadcast_in_dim3A = vector.shape_cast %get3A_36 : vector<1x1000xi32> to vector<1x1000xi32>
    %broadcast_in_dim3A_37 = vector.broadcast %broadcast_in_dim3A : vector<1x1000xi32> to vector<64x1000xi32>
    %eq3A_38 = arith.cmpi eq, %broadcast_in_dim3A_37, %iota3A : vector<64x1000xi32>
    %convert_element_type3A_39 = arith.extui %eq3A_38 : vector<64x1000xi1> to vector<64x1000xi32>
    %convert_element_type3A_40 = arith.sitofp %convert_element_type3A_39 : vector<64x1000xi32> to vector<64x1000xf32>
    %get3A_41 = arith.constant 0 : index
    %get3A_42 = arith.constant 0 : index
    %get3A_43 = vector.load %arg12[%get3A_41, %get3A_42] : memref<64x128xf32, #tpu.memory_space<vmem>>, vector<64x128xf32>
    %dot_general3A_44 = arith.constant dense<0.000000e+00> : vector<64x128xf32>
    %dot_general3A_45 = tpu.matmul %convert_element_type3A_40, %add3A_31, %dot_general3A_44 {dimension_numbers = #tpu.dot_dimension_numbers<[1], [0], [0], [1], [0, 0, 1, 1], [], []>, transpose_lhs_hint = false} : vector<64x1000xf32>, vector<1000x128xf32>, vector<64x128xf32> -> vector<64x128xf32>
    %add3A_46 = arith.addf %get3A_43, %dot_general3A_45 : vector<64x128xf32>
    %swap3A = arith.constant 0 : index
    %swap3A_47 = arith.constant 0 : index
    %swap3A_48 = vector.load %arg12[%swap3A, %swap3A_47] : memref<64x128xf32, #tpu.memory_space<vmem>>, vector<64x128xf32>
    tpu.vector_store %arg12[%swap3A, %swap3A_47], %add3A_46 {strides = array<i32>} : memref<64x128xf32, #tpu.memory_space<vmem>>, vector<64x128xf32>,
    %get3A_49 = arith.constant 0 : index
    %get3A_50 = arith.constant 0 : index
    %get3A_51 = vector.load %arg13[%get3A_49, %get3A_50] : memref<64x128xf32, #tpu.memory_space<vmem>>, vector<64x128xf32>
    %reduce_sum3A = arith.constant dense<0.000000e+00> : vector<64xf32>
    %reduce_sum3A_52 = vector.multi_reduction <add>, %convert_element_type3A_40, %reduce_sum3A [1] : vector<64x1000xf32> to vector<64xf32>
    %broadcast_in_dim3A_53 = vector.shape_cast %reduce_sum3A_52 : vector<64xf32> to vector<64x1xf32>
    %broadcast_in_dim3A_54 = vector.shape_cast %broadcast_in_dim3A_53 : vector<64x1xf32> to vector<64x1xf32>
    %broadcast_in_dim3A_55 = vector.broadcast %broadcast_in_dim3A_54 : vector<64x1xf32> to vector<64x128xf32>
    %add3A_56 = arith.addf %get3A_51, %broadcast_in_dim3A_55 : vector<64x128xf32>
    %swap3A_57 = arith.constant 0 : index
    %swap3A_58 = arith.constant 0 : index
    %swap3A_59 = vector.load %arg13[%swap3A_57, %swap3A_58] : memref<64x128xf32, #tpu.memory_space<vmem>>, vector<64x128xf32>
    tpu.vector_store %arg13[%swap3A_57, %swap3A_58], %add3A_56 {strides = array<i32>} : memref<64x128xf32, #tpu.memory_space<vmem>>, vector<64x128xf32>,
    %eq3A_60 = arith.constant 9 : i32
    %eq3A_61 = arith.cmpi eq, %arg0, %eq3A_60 : i32
    %convert_element_type3A_62 = arith.extui %eq3A_61 : i1 to i32
    %cond3A_63 = arith.constant 0 : i32
    %cond3A_64 = arith.cmpi ne, %convert_element_type3A_62, %cond3A_63 : i32
    scf.if %cond3A_64 {
      %get3A_65 = arith.constant 0 : index
      %get3A_66 = arith.constant 0 : index
      %get3A_67 = vector.load %arg12[%get3A_65, %get3A_66] : memref<64x128xf32, #tpu.memory_space<vmem>>, vector<64x128xf32>
      %get3A_68 = arith.constant 0 : index
      %get3A_69 = arith.constant 0 : index
      %get3A_70 = vector.load %arg13[%get3A_68, %get3A_69] : memref<64x128xf32, #tpu.memory_space<vmem>>, vector<64x128xf32>
      %max3A_71 = arith.constant 1.000000e+00 : f32
      %max3A_72 = vector.broadcast %max3A_71 : f32 to vector<64x128xf32>
      %max3A_73 = arith.maximumf %get3A_70, %max3A_72 : vector<64x128xf32>
      %div3A = arith.divf %get3A_67, %max3A_73 : vector<64x128xf32>
      %get3A_74 = arith.constant 0 : index
      %get3A_75 = arith.constant 0 : index
      %get3A_76 = vector.load %arg7[%get3A_74, %get3A_75] : memref<128x128xf32, #tpu.memory_space<vmem>>, vector<128x128xf32>
      %dot_general3A_77 = arith.constant dense<0.000000e+00> : vector<64x128xf32>
      %dot_general3A_78 = tpu.matmul %div3A, %get3A_76, %dot_general3A_77 {dimension_numbers = #tpu.dot_dimension_numbers<[1], [0], [0], [1], [0, 0, 1, 1], [], []>, transpose_lhs_hint = false} : vector<64x128xf32>, vector<128x128xf32>, vector<64x128xf32> -> vector<64x128xf32>
      %get3A_79 = arith.constant 0 : index
      %get3A_80 = arith.constant 0 : index
      %get3A_81 = vector.load %arg8[%get3A_79, %get3A_80] : memref<1x128xf32, #tpu.memory_space<vmem>>, vector<1x128xf32>
      %add3A_82 = vector.broadcast %get3A_81 : vector<1x128xf32> to vector<64x128xf32>
      %add3A_83 = arith.addf %dot_general3A_78, %add3A_82 : vector<64x128xf32>
      %max3A_84 = arith.constant 0.000000e+00 : f32
      %max3A_85 = vector.broadcast %max3A_84 : f32 to vector<64x128xf32>
      %max3A_86 = arith.maximumf %add3A_83, %max3A_85 : vector<64x128xf32>
      %get3A_87 = arith.constant 0 : index
      %get3A_88 = arith.constant 0 : index
      %get3A_89 = vector.load %arg9[%get3A_87, %get3A_88] : memref<128x128xf32, #tpu.memory_space<vmem>>, vector<128x128xf32>
      %dot_general3A_90 = arith.constant dense<0.000000e+00> : vector<64x128xf32>
      %dot_general3A_91 = tpu.matmul %max3A_86, %get3A_89, %dot_general3A_90 {dimension_numbers = #tpu.dot_dimension_numbers<[1], [0], [0], [1], [0, 0, 1, 1], [], []>, transpose_lhs_hint = false} : vector<64x128xf32>, vector<128x128xf32>, vector<64x128xf32> -> vector<64x128xf32>
      %get3A_92 = arith.constant 0 : index
      %get3A_93 = arith.constant 0 : index
      %get3A_94 = vector.load %arg10[%get3A_92, %get3A_93] : memref<1x128xf32, #tpu.memory_space<vmem>>, vector<1x128xf32>
      %add3A_95 = vector.broadcast %get3A_94 : vector<1x128xf32> to vector<64x128xf32>
      %add3A_96 = arith.addf %dot_general3A_91, %add3A_95 : vector<64x128xf32>
      %swap3A_97 = arith.constant 0 : index
      %swap3A_98 = arith.constant 0 : index
      %swap3A_99 = vector.load %arg11[%swap3A_97, %swap3A_98] : memref<64x128xf32, #tpu.memory_space<vmem>>, vector<64x128xf32>
      tpu.vector_store %arg11[%swap3A_97, %swap3A_98], %add3A_96 {strides = array<i32>} : memref<64x128xf32, #tpu.memory_space<vmem>>, vector<64x128xf32>,
    } else {
    }
    return
  }
  func.func @transform_0(%arg0: i32) -> (i32, i32, i32) {
    %c0_i32 = arith.constant 0 : i32
    %c0_i32_0 = arith.constant 0 : i32
    %c0_i32_1 = arith.constant 0 : i32
    return %c0_i32, %arg0, %c0_i32_0 : i32, i32, i32
  }
  func.func @transform_1(%arg0: i32) -> (i32, i32, i32) {
    %c0_i32 = arith.constant 0 : i32
    %c0_i32_0 = arith.constant 0 : i32
    %c0_i32_1 = arith.constant 0 : i32
    return %arg0, %c0_i32, %c0_i32_0 : i32, i32, i32
  }
  func.func @transform_2(%arg0: i32) -> (i32, i32) {
    %c0_i32 = arith.constant 0 : i32
    %c0_i32_0 = arith.constant 0 : i32
    %c0_i32_1 = arith.constant 0 : i32
    return %c0_i32, %c0_i32_0 : i32, i32
  }
  func.func @transform_3(%arg0: i32) -> (i32, i32) {
    %c0_i32 = arith.constant 0 : i32
    %c0_i32_0 = arith.constant 0 : i32
    %c0_i32_1 = arith.constant 0 : i32
    return %c0_i32, %c0_i32_0 : i32, i32
  }
  func.func @transform_4(%arg0: i32) -> (i32, i32) {
    %c0_i32 = arith.constant 0 : i32
    %c0_i32_0 = arith.constant 0 : i32
    %c0_i32_1 = arith.constant 0 : i32
    return %c0_i32, %c0_i32_0 : i32, i32
  }
  func.func @transform_5(%arg0: i32) -> (i32, i32) {
    %c0_i32 = arith.constant 0 : i32
    %c0_i32_0 = arith.constant 0 : i32
    %c0_i32_1 = arith.constant 0 : i32
    return %c0_i32, %c0_i32_0 : i32, i32
  }
  func.func @transform_6(%arg0: i32) -> (i32, i32) {
    %c0_i32 = arith.constant 0 : i32
    %c0_i32_0 = arith.constant 0 : i32
    %c0_i32_1 = arith.constant 0 : i32
    return %c0_i32, %c0_i32_0 : i32, i32
  }
  func.func @transform_7(%arg0: i32) -> (i32, i32) {
    %c0_i32 = arith.constant 0 : i32
    %c0_i32_0 = arith.constant 0 : i32
    %c0_i32_1 = arith.constant 0 : i32
    return %c0_i32, %c0_i32_0 : i32, i32
  }
  func.func @transform_8(%arg0: i32) -> (i32, i32) {
    %c0_i32 = arith.constant 0 : i32
    %c0_i32_0 = arith.constant 0 : i32
    %c0_i32_1 = arith.constant 0 : i32
    return %c0_i32, %c0_i32_0 : i32, i32
  }
  func.func @transform_9(%arg0: i32) -> (i32, i32) {
    %c0_i32 = arith.constant 0 : i32
    %c0_i32_0 = arith.constant 0 : i32
    %c0_i32_1 = arith.constant 0 : i32
    return %c0_i32, %c0_i32_0 : i32, i32
  }
  func.func @transform_10(%arg0: i32) -> (i32, i32) {
    %c0_i32 = arith.constant 0 : i32
    %c0_i32_0 = arith.constant 0 : i32
    %c0_i32_1 = arith.constant 0 : i32
    return %c0_i32, %c0_i32_0 : i32, i32
  }
}

</mosaic_0001>

<sc_bundles>
// kernel: kernel.6.cloned.1.call-start
scs
__scs_entry_jumppad:
0x0: {  	(pc) =	sbr.rel $0x88, $3  }
0x1: {  	(tag) =	ssettag $0x0;
	lr =	simm.s32 $0x1  }
0x2: {  	[smem:$0x3F92] =	sst lr;
	_ =	strace $0xD0000000  }
0x3: {  	_ = 	snop  }
0x4: {  	_ = 	snop  }
0x5: {  	_ = 	snop  }
0x6: {  	_ = 	snop  }
0x7: {  	_ = 	snop  }
__scs_overlays_trampoline_lowered:
0x8: {  	[smem:$0x3FA1] =	sst s0  }
0x9: {  	[smem:$0x3FA2] =	sst s1  }
0xa: {  	[smem:$0x3FA3] =	sst s2  }
0xb: {  	[smem:$0x3FA4] =	sst s3  }
0xc: {  	[smem:$0x3FA5] =	sst s4  }
0xd: {  	[smem:$0x3FA6] =	sst s5  }
0xe: {  	[smem:$0x3FA7] =	sst s6  }
0xf: {  	[smem:$0x3FA8] =	sst s7  }
0x10: {  	[smem:$0x3FA9] =	sst s8  }
0x11: {  	[smem:$0x3FAA] =	sst s9;
	s0 =	simm.s32 @!p0 $0x0  }
0x12: {  	s1 =	sld [smem:$0x3F90];
	s0 =	simm.s32 @p0 $0x1  }
0x13: {  	[smem:$0x3FAB] =	sst s0;
	s0 =	simm.s32 @!p1 $0x0  }
0x14: {  	s2 =	sld [smem:$0x3F8F];
	s0 =	simm.s32 @p1 $0x1  }
0x15: {  	[smem:$0x3FAC] =	sst s0;
	s0 =	simm.s32 @!p2 $0x0  }
0x16: {  	s3 =	sld [smem:$0x3FDB];
	s0 =	simm.s32 @p2 $0x1  }
0x17: {  	s4 =	simm.s32 $0x1BF5;
	[smem:$0x3FAE] =	sst s0  }
0x18: {  	s0 =	sld [smem:$0x3F91];
	_ =	swait.ge [sflag:s4], $0x0  }
0x19: {  	s7 =	sld [smem:$0x3F92]  }
0x1a: {  	s8 =	sadd.s32 $0xFFFFE003, lr  }
0x1b: {  	s9 =	sadd.s32 $0xFFFFFEF7, lr;
	s5 =	simm.s32 $0xFFFFFFFF;
	p2 =	slt.u32 s8, $0xFFFFF086  }
0x1c: {  	p1 =	slt.u32 s9, $0xF7A;
	s5 =	simm.s32 @!p2 $0x0  }
0x1d: {  	s5 =	simm.s32 @p1 $0x1;
	p0 =	seq.s32 s7, s2  }
0x1e: {  	s7 =	smul.u32 @!p0 $0xF7A, s2;
	p2 =	seq.s32 @!p0 s5, $0x0  }
0x1f: {  	s9 =	smul.u32 $0xF7A, s1;
	s8 =	simm.s32 @!p0 $0x1BF5;
	p2 =	por !p2, p0  }
0x20: {  	[sflag:s8] =	ssyncset.s32 @!p0 $0xFFFFF086;
	s6 =	sadd.s32 @!p0 s3, s7;
	s7 =	simm.s32 @!p0 $0x108  }
0x21: {  	s3 =	sadd.s32 s3, s9;
	s6 =	sadd.s32 @!p0 $0x88, s6;
	s7 =	simm.s32 @p2 $0x1082  }
0x22: {  	[simem:s7], [sflag:s8] =	dma.local @!p0 [hbm:s6], $0xF7A  }
0x23: {  	s9 =	sor.u32 $0xD0000000, s2;
	s6 =	simm.s32 $0x108;
	_ =	swait.ge @!p0 [sflag:s8], $0x0  }
0x24: {  	s3 =	sadd.s32 $0x88, s3;
	s6 =	simm.s32 @!p1 $0x1082;
	[sflag:s4] =	ssyncset.s32 $0xFFFFF086  }
0x25: {  	[simem:s6], [sflag:s4] =	dma.local [hbm:s3], $0xF7A  }
0x26: {  	[smem:$0x3F92] =	sst s1;
	(tag) =	ssettag s2;
	_ =	strace s9  }
0x27: {  	s1 =	sld [smem:$0x3FA2]  }
0x28: {  	s2 =	sld [smem:$0x3FA3]  }
0x29: {  	s4 =	sld [smem:$0x3FA5]  }
0x2a: {  	p0 =	seq.s32 s5, $0x0;
	s5 =	sld [smem:$0x3FA6]  }
0x2b: {  	s6 =	sld [smem:$0x3FA7]  }
0x2c: {  	s7 =	sld [smem:$0x3FA8]  }
0x2d: {  	s3 =	simm.s32 $0x108;
	s8 =	sld [smem:$0x3FA9]  }
0x2e: {  	s3 =	simm.s32 @!p0 $0x1082;
	s9 =	sld [smem:$0x3FAA]  }
0x2f: {  	lr =	sadd.s32 s0, s3;
	s0 =	sld [smem:$0x3FA1]  }
0x30: {  	s3 =	sld [smem:$0x3FA4]  }
0x31: {  	[smem:$0x3FAD] =	sst s10  }
0x32: {  	s10 =	sld [smem:$0x3FAB];
	_ =	sdelay $0x3  }
0x33: {  	p0 =	seq.s32 s10, $0x1;
	s10 =	sld [smem:$0x3FAD];
	_ =	sdelay $0x3  }
0x34: {  	[smem:$0x3FAD] =	sst s10  }
0x35: {  	s10 =	sld [smem:$0x3FAC];
	_ =	sdelay $0x3  }
0x36: {  	p1 =	seq.s32 s10, $0x1;
	s10 =	sld [smem:$0x3FAD];
	_ =	sdelay $0x3  }
0x37: {  	[smem:$0x3FAD] =	sst s10  }
0x38: {  	s10 =	sld [smem:$0x3FAE]  }
0x39: {  	_ = 	snop;
	(pc) =	sbr.ind lr, $3  }
0x3a: {  	_ = 	snop  }
0x3b: {  	_ = 	snop  }
0x3c: {  	p2 =	seq.s32 s10, $0x1;
	s10 =	sld [smem:$0x3FAD]  }
0x3d: {  	_ =	shalt  }
0x3e: {  	_ =	shalt  }
0x3f: {  	_ =	shalt  }
0x40: {  	_ =	shalt  }
0x41: {  	_ =	shalt  }
0x42: {  	_ =	shalt  }
0x43: {  	_ =	shalt  }
0x44: {  	_ =	shalt  }
0x45: {  	_ =	shalt  }
0x46: {  	_ =	shalt  }
0x47: {  	_ =	shalt  }
0x48: {  	_ =	shalt  }
0x49: {  	_ =	shalt  }
0x4a: {  	_ =	shalt  }
0x4b: {  	_ =	shalt  }
0x4c: {  	_ =	shalt  }
0x4d: {  	_ =	shalt  }
0x4e: {  	_ =	shalt  }
0x4f: {  	_ =	shalt  }
0x50: {  	_ =	shalt  }
0x51: {  	_ =	shalt  }
0x52: {  	_ =	shalt  }
0x53: {  	_ =	shalt  }
0x54: {  	_ =	shalt  }
0x55: {  	_ =	shalt  }
0x56: {  	_ =	shalt  }
0x57: {  	_ =	shalt  }
0x58: {  	_ =	shalt  }
0x59: {  	_ =	shalt  }
0x5a: {  	_ =	shalt  }
0x5b: {  	_ =	shalt  }
0x5c: {  	_ =	shalt  }
0x5d: {  	_ =	shalt  }
0x5e: {  	_ =	shalt  }
0x5f: {  	_ =	shalt  }
0x60: {  	_ =	shalt  }
0x61: {  	_ =	shalt  }
0x62: {  	_ =	shalt  }
0x63: {  	_ =	shalt  }
0x64: {  	_ =	shalt  }
0x65: {  	_ =	shalt  }
0x66: {  	_ =	shalt  }
0x67: {  	_ =	shalt  }
0x68: {  	_ =	shalt  }
0x69: {  	_ =	shalt  }
0x6a: {  	_ =	shalt  }
0x6b: {  	_ =	shalt  }
0x6c: {  	_ =	shalt  }
0x6d: {  	_ =	shalt  }
0x6e: {  	_ =	shalt  }
0x6f: {  	_ =	shalt  }
0x70: {  	_ =	shalt  }
0x71: {  	_ =	shalt  }
0x72: {  	_ =	shalt  }
0x73: {  	_ =	shalt  }
0x74: {  	_ =	shalt  }
0x75: {  	_ =	shalt  }
0x76: {  	_ =	shalt  }
0x77: {  	_ =	shalt  }
0x78: {  	_ =	shalt  }
0x79: {  	_ =	shalt  }
0x7a: {  	_ =	shalt  }
0x7b: {  	_ =	shalt  }
0x7c: {  	_ =	shalt  }
0x7d: {  	_ =	shalt  }
0x7e: {  	_ =	shalt  }
0x7f: {  	_ =	shalt  }
0x80: {  	_ =	shalt  }
0x81: {  	_ =	shalt  }
0x82: {  	_ =	shalt  }
0x83: {  	_ =	shalt  }
0x84: {  	_ =	shalt  }
0x85: {  	_ =	shalt  }
0x86: {  	_ =	shalt  }
0x87: {  	_ =	shalt  }
.Lfunc_end0:
.L_simem_size_0:
called_computation_lowered:
.L_overlay_start_0:
0x88: {  	s2 =	sld [smem:$0x3FD9]  }
0x89: {  	s3 =	sld [smem:$0x3FFE];
	_ =	sdelay $0x1  }
0x8a: {  	s1 =	srdreg.scid  }
0x8b: {  	s0 =	sand.u32 $0x1, s1  }
0x8c: {  	s17 =	sshll.u32 s0, $0xA;
	s2 =	sadd.s32 s3, s2  }
0x8d: {  	s2 =	sadd.s32 s2, s17  }
0x8e: {  	[smem:$0x3FB9] =	sst s2  }
0x8f: {  	_ = 	snop  }
0x90: {  	s2 =	sld [smem:$0x3FC9];
	(tm) =	ssettm $0x1  }
0x91: {  	s18 =	sld [smem:$0x3FFB];
	_ =	sdelay $0x3  }
0x92: {  	_ =	strace s18  }
0x93: {  	s3 =	sld [smem:$0x3FFC];
	_ =	sdelay $0x3  }
0x94: {  	_ =	strace s3  }
0x95: {  	s3 =	sld [smem:$0x3FFD];
	_ =	sdelay $0x3  }
0x96: {  	_ =	strace s3  }
0x97: {  	_ =	strace $0x8FFFFFFF  }
0x98: {  	s19 =	sld [smem:$0x3FDB];
	_ =	sdelay $0x1  }
0x99: {  	s4 =	simm.s32 $_scs_section_size  }
0x9a: {  	s5 =	simm.s32 $_size__tile_overlayer_lowered;
	s6 =	simm.s32 $_tile_overlayer_lowered  }
0x9b: {  	s22 =	simm.s32 $0x1BFF;
	s21 =	sshll.u32 s6, $0x1;
	s3 =	sadd.s32 s4, s19  }
0x9c: {  	s7 =	simm.s32 $0x0;
	s20 =	sshll.u32 s5, $0x1;
	s5 =	sadd.s32 s21, s3  }
0x9d: {  	[timem:s7], [sflag:s22] =	dma.local [hbm:s5], s20  }
0x9e: {  	_ =	swait.ge [sflag:s22], s20  }
0x9f: {  	s4 =	ssub.s32 $0x0, s20;
	[sflag:s22] =	ssyncset.done $0x0  }
0xa0: {  	[sflag:s22] =	ssyncadd.s32 s4;
	_ =	sdelay $0x1  }
0xa1: {  	s23 =	simm.s32 $0x1B8B  }
0xa2: {  	_ =	swait.ge [sflag:s23], $0x1  }
0xa3: {  	[sflag:s23] =	ssyncset.done $0x0  }
0xa4: {  	s25 =	simm.s32 $0x1B8E;
	s24 =	sld [smem:$0x3FFE];
	[sflag:s23] =	ssyncadd.s32 $0xFFFFFFFF  }
0xa5: {  	s26 =	simm.s32 $execute0_lowered;
	[smem:$0x3FD2] =	sst s25  }
0xa6: {  	s5 =	sshll.u32 s26, $0x1;
	_ =	strace $0x80000046;
	[dreg:$0x1] =	wrdreg $0xFFFFFFFF  }
0xa7: {  	s28 =	simm.s32 $_size_execute0_lowered;
	s3 =	sadd.s32 s3, s5;
	[dreg:$0x0] =	wrdreg $0x0  }
0xa8: {  	s5 =	sshll.u32 s28, $0x1;
	[dreg:$0x2] =	wrdreg s3  }
0xa9: {  	[dreg:$0x3] =	wrdreg s5  }
0xaa: {  	[dreg:$0x4] =	wrdreg $0xC0  }
0xab: {  	_ =	task [dreg:s7], $0x5FFFF  }
0xac: {  	[dreg:$0x1] =	wrdreg $0xFFFFFFFF  }
0xad: {  	[dreg:$0x0] =	wrdreg $0x60  }
0xae: {  	[dreg:$0x2] =	wrdreg s2  }
0xaf: {  	[dreg:$0x3] =	wrdreg s24  }
0xb0: {  	[dreg:$0x4] =	wrdreg $0x0  }
0xb1: {  	[dreg:$0x5] =	wrdreg $0x9  }
0xb2: {  	_ =	task.clear_ibuf [dreg:s7], $0x6FFFF;
	_ =	strace $0x90000046  }
0xb3: {  	s29 =	simm.s32 $0x9;
	_ =	strace $0x80000048  }
0xb4: {  	_ =	swait.ge [sflag:s29], $0x1  }
0xb5: {  	[sflag:s29] =	ssyncadd.s32 $0xFFFFFFFF  }
0xb6: {  	_ =	strace $0x90000048  }
0xb7: {  	_ =	sfence  }
0xb8: {  	s30 =	sld [smem:$0x0];
	_ =	sdelay $0x2  }
0xb9: {  	s31 =	sshll.u32 s1, $0xD;
	s1 =	sshrl.u32 s1, $0x2  }
0xba: {  	s3 =	sand.u32 $0x4000, s31;
	s1 =	sadd.s32 s1, s30  }
0xbb: {  	s0 =	sor.u32 s3, s0;
	s1 =	sshll.u32 s1, $0x11  }
0xbc: {  	s0 =	sor.u32 s1, s0  }
0xbd: {  	s0 =	sadd.s32 $0x8F2B, s0  }
0xbe: {  	[sflag:s0] =	ssyncadd.remote.s32 $0x1  }
0xbf: {  	_ =	sfence.sel $0xFFFF  }
0xc0: {  	[dreg:$0x0] =	wrdreg $0xFFFFFFFF;
	(pc) =	sbr.abs _section_cstart, $3  }
0xc1: {  	[dreg:$0x1] =	wrdreg $0xFFFFFFFF  }
0xc2: {  	_ =	task.clear_ibuf [dreg:s7], $0x2FFFF;
	_ =	strace $0x9FFFFFFF  }
0xc3: {  	(tm) =	ssettm $0x7FFFFFFF  }
tec
execute0_lowered:
.L_overlay_start_1:
0x0: {  	(tag) =	ssettag $0x1  }
0x1: {  	s1 =	rddreg [dreg:$0x0]  }
0x2: {  	s0 =	rddreg [dreg:$0x1]  }
0x3: {  	s3 =	rddreg [dreg:$0x2]  }
0x4: {  	s2 =	simm.s32 $0x0;
	s14 =	stileid.u32;
	s4 =	srdreg.scid  }
0x5: {  	s28 =	simm.s32 $0x17D00;
	s29 =	simm.s32 $0x1D000;
	s30 =	simm.s32 $0x1  }
0x6: {  	s31 =	simm.s32 $0x17E00;
	s10 =	simm.s32 $0x13C00;
	s7 =	smul.u32 $0x4F000, s14  }
0x7: {  	[smem:$0x7FF] =	sst s2;
	s20 =	sshll.u32 s14, $0xB;
	s9 =	smul.u32 $0x2780, s14  }
0x8: {  	s4 =	sand.u32 $0x1, s4;
	s5 =	sadd.s32 $0x12200, s0;
	s22 =	smul.u32 $0x13C00, s14  }
0x9: {  	s24 =	sadd.s32 $0x25080, s1;
	p0 =	seq.s32 s14, $0xF;
	_ =	strace $0x80000047  }
0xa: {  	s2 =	sadd.s32 s20, s0;
	s6 =	ssub.s32 $0x2, s4;
	s0 =	sadd.s32 $0x14A00, s0  }
0xb: {  	s21 =	sshll.u32 s4, $0xF;
	s11 =	smul.u32 $0x13C000, s4;
	[dreg:$0x6] =	wrdreg s24  }
0xc: {  	p2 =	sne.s32 @p0 s4, $0x0;
	p4 =	sne.s32 @!p0 s4, $0x0;
	s24 =	simm.s32 $0x18000  }
0xd: {  	s4 =	simm.s32 $0x17E80;
	s8 =	sshrl.u32 s6, $0x1;
	s2 =	sadd.s32 s21, s2  }
0xe: {  	s7 =	sshrl.u32 s7, $0x2;
	s23 =	sadd.s32 s1, s9;
	s9 =	sadd.s32 $0x128400, s3  }
0xf: {  	p1 =	por !p2, !p0;
	p2 =	por p2, !p0;
	p3 =	por !p4, p0  }
0x10: {  	p4 =	por p4, p0;
	s21 =	simm.s32 $0x2;
	s6 =	ssub.s32 s6, s8  }
0x11: {  	s2 =	sadd.s32 $0x2200, s2;
	s7 =	sadd.s32 s7, s3;
	[dreg:$0x5] =	wrdreg s23  }
0x12: {  	s25 =	sadd.s32 s22, s11;
	s26 =	sshrl.u32 s11, $0x3;
	s15 =	sshrl.u32 @!p1 s9, $0x3  }
0x13: {  	s16 =	sshrl.u32 @!p2 s9, $0x3;
	s22 =	simm.s32 $0x50;
	s23 =	simm.s32 $0x17C00  }
0x14: {  	[dreg:$0x4] =	wrdreg s2;
	s2 =	sshrl.u32 s25, $0x3;
	s13 =	smax.u32 s6, $0x1  }
.Ltmp0:
0x15: {  	s18 =	sshrl.u32 @!p3 s7, $0x3;
	s20 =	sshrl.u32 @!p4 s7, $0x3;
	(pc) =	sbr.rel .LBB2_1-.Ltmp0, $4  }
0x16: {  	s25 =	simm.s32 $0x17C80;
	s11 =	sadd.s32 s0, s2;
	s0 =	sadd.s32 s0, s26  }
0x17: {  	s2 =	sshll.u32 @!p4 s14, $0x6;
	s26 =	simm.s32 $0x1A800;
	s12 =	sadd.s32 $0x25080, s0  }
0x18: {  	s0 =	sshll.u32 @!p3 s14, $0x6;
	s19 =	sor.u32 @!p4 $0x1C03, s2;
	s14 =	simm.s32 $0x17F00  }
0x19: {  	s2 =	simm.s32 $0x0;
	s17 =	sor.u32 @!p3 $0x1C03, s0;
	s0 =	simm.s32 $0x3  }
.LBB2_4:
0x1a: {  	_ =	swait.ge [sflag:s30], $0x2800  }
0x1b: {  	[sflag:s30] =	ssyncset.done $0x0  }
0x1c: {  	[sflag:s30] =	ssyncadd.s32 $0xFFFFD800  }
0x1d: {  	[spmem:s3] =	stream.indirect.scatter.add.f32 [tilespmem:s24], [sflag:$0x3], $0x80, s31, s22, $0xb8;
	[tilespmem:$0x1F800] =	vst v63  }
0x1e: {  	_ =	swait.ge [sflag:s0], $0x2800  }
0x1f: {  	[sflag:s0] =	ssyncset.done $0x0  }
0x20: {  	[sflag:s0] =	ssyncadd.s32 $0xFFFFD800  }
0x21: {  	_ =	swait.ge [sflag:s30], $0x2800  }
0x22: {  	[sflag:s30] =	ssyncset.done $0x0  }
0x23: {  	[sflag:s30] =	ssyncadd.s32 $0xFFFFD800  }
0x24: {  	[spmem:s3] =	stream.indirect.scatter.add.f32 [tilespmem:s26], [sflag:$0x3], $0x80, s4, s22, $0xb8;
	[tilespmem:$0x1F800] =	vst v63  }
0x25: {  	_ =	swait.ge [sflag:s0], $0x2800  }
0x26: {  	[sflag:s0] =	ssyncset.done $0x0  }
0x27: {  	[sflag:s0] =	ssyncadd.s32 $0xFFFFD800  }
0x28: {  	s6 =	sshrl.u32 @p0 s9, $0x3;
	s8 =	simm.s32 @p0 $0x1FC3;
	[bflag:$0x0] =	sbarrier.arrive $0xFFFF  }
0x29: {  	[hbm:s12], [sflag:s8] =	dma.local @p0 [spmem:s6], $0x2080  }
0x2a: {  	s6 =	simm.s32 @p0 $0x3  }
0x2b: {  	s2 =	sadd.s32 $0x1, s2;
	s8 =	stileid.u32;
	_ =	swait.ge @p0 [sflag:s6], $0x2080  }
0x2c: {  	p5 =	sne.s32 s2, s13;
	s8 =	sshll.u32 @!p0 s8, $0x6;
	[sflag:s6] =	ssyncset.done @p0 $0x0  }
0x2d: {  	[sflag:s6] =	ssyncadd.s32 @p0 $0xFFFFDF80;
	s6 =	sor.u32 @!p0 $0x1C03, s8;
	s8 =	sshrl.u32 @!p0 s7, $0x3  }
0x2e: {  	[hbm:s11], [sflag:s6] =	dma.local @!p0 [spmem:s8], $0x2780  }
.Ltmp1:
0x2f: {  	_ = 	snop;
	(pc) =	sbr.rel @!p5 .LBB2_5-.Ltmp1, $4  }
0x30: {  	s6 =	simm.s32 @!p0 $0x3  }
0x31: {  	_ =	swait.ge @!p0 [sflag:s6], $0x2780  }
0x32: {  	[sflag:s6] =	ssyncset.done @!p0 $0x0  }
0x33: {  	[sflag:s6] =	ssyncadd.s32 @!p0 $0xFFFFD880  }
.LBB2_1:
0x34: {  	s6 =	simm.s32 $0x0;
	s8 =	rddreg [dreg:$0x4]  }
0x35: {  	[tilespmem:s10], [sflag:$0x2] =	stream.linear.gather [hbm4b:s8+s6], $0x3E80, $0x38;
	[tilespmem:$0x1F800] =	vst v63  }
0x36: {  	s6 =	simm.s32 @!p1 $0x1FC3  }
0x37: {  	[spmem:s15], [sflag:s6] =	dma.local @!p1 [hbm:s5], $0x2080  }
0x38: {  	s6 =	simm.s32 @!p1 $0x3  }
0x39: {  	_ =	swait.ge @!p1 [sflag:s6], $0x2080  }
0x3a: {  	[sflag:s6] =	ssyncset.done @!p1 $0x0  }
0x3b: {  	s8 =	rddreg [dreg:$0x6];
	[sflag:s6] =	ssyncadd.s32 @!p1 $0xFFFFDF80;
	s6 =	simm.s32 @!p2 $0x1FC3  }
0x3c: {  	[spmem:s16], [sflag:s6] =	dma.local @!p2 [hbm:s8], $0x2080  }
0x3d: {  	s6 =	simm.s32 @!p2 $0x3  }
0x3e: {  	_ =	swait.ge @!p2 [sflag:s6], $0x2080  }
0x3f: {  	[sflag:s6] =	ssyncset.done @!p2 $0x0  }
0x40: {  	[sflag:s6] =	ssyncadd.s32 @!p2 $0xFFFFDF80;
	s6 =	simm.s32 @!p3 $0x3  }
0x41: {  	[spmem:s18], [sflag:s17] =	dma.local @!p3 [hbm:s5], $0x2780  }
0x42: {  	_ =	swait.ge @!p3 [sflag:s6], $0x2780  }
0x43: {  	[sflag:s6] =	ssyncset.done @!p3 $0x0  }
0x44: {  	[sflag:s6] =	ssyncadd.s32 @!p3 $0xFFFFD880;
	s6 =	rddreg [dreg:$0x5]  }
0x45: {  	[spmem:s20], [sflag:s19] =	dma.local @!p4 [hbm:s6], $0x2780  }
0x46: {  	s6 =	simm.s32 @!p4 $0x3  }
0x47: {  	_ =	swait.ge @!p4 [sflag:s6], $0x2780  }
0x48: {  	[sflag:s6] =	ssyncset.done @!p4 $0x0  }
0x49: {  	[sflag:s6] =	ssyncadd.s32 @!p4 $0xFFFFD880  }
0x4a: {  	_ =	swait.ge [sflag:s21], $0x3E80  }
0x4b: {  	[sflag:s21] =	ssyncset.done $0x0  }
0x4c: {  	[sflag:s21] =	ssyncadd.s32 $0xFFFFC180  }
0x4d: {  	v0 =	vld [tilespmem:$0x13C00];
	_ =	sdelay $0x1  }
0x4e: {  	v1 =	vld [tilespmem:$0x13C10];
	_ =	sdelay $0x1  }
0x4f: {  	v2 =	vld [tilespmem:$0x13C20]  }
0x50: {  	v3 =	vand.u32 $0xFFFF, v0  }
0x51: {  	v26 =	vld [tilespmem:$0x13C30];
	v0 =	vshrl.u32 v0, $0x10;
	[tilespmem:$0x17C00] =	vst v3  }
0x52: {  	v27 =	vand.u32 $0xFFFF, v1;
	[tilespmem:$0x17E00] =	vst v0  }
0x53: {  	v29 =	vld [tilespmem:$0x13C40];
	v28 =	vshrl.u32 v1, $0x10;
	[tilespmem:$0x17C10] =	vst v27  }
0x54: {  	v30 =	vand.u32 $0xFFFF, v2;
	[tilespmem:$0x17E10] =	vst v28  }
0x55: {  	v31 =	vshrl.u32 v2, $0x10;
	[tilespmem:$0x17C20] =	vst v30  }
0x56: {  	v32 =	vand.u32 $0xFFFF, v26;
	[tilespmem:$0x17E20] =	vst v31  }
0x57: {  	v33 =	vshrl.u32 v26, $0x10;
	[tilespmem:$0x17C30] =	vst v32  }
0x58: {  	v34 =	vand.u32 $0xFFFF, v29;
	[tilespmem:$0x17E30] =	vst v33  }
0x59: {  	v35 =	vshrl.u32 v29, $0x10;
	[tilespmem:$0x17C40] =	vst v34  }
0x5a: {  	[tilespmem:$0x17E40] =	vst v35  }
0x5b: {  	[tilespmem:s24], [sflag:$0x1] =	stream.indirect.gather [hbm4b:s1+s22], $0x80, s23, s22, $0xb8;
	[tilespmem:$0x1F800] =	vst v63  }
0x5c: {  	v36 =	vld [tilespmem:$0x13C80];
	_ =	sdelay $0x1  }
0x5d: {  	v37 =	vld [tilespmem:$0x13C90];
	_ =	sdelay $0x1  }
0x5e: {  	v38 =	vld [tilespmem:$0x13CA0]  }
0x5f: {  	v39 =	vand.u32 $0xFFFF, v36  }
0x60: {  	v40 =	vld [tilespmem:$0x13CB0];
	v0 =	vshrl.u32 v36, $0x10;
	[tilespmem:$0x17C80] =	vst v39  }
0x61: {  	v41 =	vand.u32 $0xFFFF, v37;
	[tilespmem:$0x17E80] =	vst v0  }
0x62: {  	v43 =	vld [tilespmem:$0x13CC0];
	v42 =	vshrl.u32 v37, $0x10;
	[tilespmem:$0x17C90] =	vst v41  }
0x63: {  	v44 =	vand.u32 $0xFFFF, v38;
	[tilespmem:$0x17E90] =	vst v42  }
0x64: {  	v45 =	vshrl.u32 v38, $0x10;
	[tilespmem:$0x17CA0] =	vst v44  }
0x65: {  	v46 =	vand.u32 $0xFFFF, v40;
	[tilespmem:$0x17EA0] =	vst v45  }
0x66: {  	v47 =	vshrl.u32 v40, $0x10;
	[tilespmem:$0x17CB0] =	vst v46  }
0x67: {  	v48 =	vand.u32 $0xFFFF, v43;
	[tilespmem:$0x17EB0] =	vst v47  }
0x68: {  	v49 =	vshrl.u32 v43, $0x10;
	[tilespmem:$0x17CC0] =	vst v48  }
0x69: {  	[tilespmem:$0x17EC0] =	vst v49  }
0x6a: {  	[tilespmem:s26], [sflag:$0x1] =	stream.indirect.gather [hbm4b:s1+s22], $0x80, s25, s22, $0xb8;
	[tilespmem:$0x1F800] =	vst v63  }
0x6b: {  	v50 =	vld [tilespmem:$0x13D00];
	_ =	sdelay $0x1  }
0x6c: {  	v51 =	vld [tilespmem:$0x13D10];
	_ =	sdelay $0x1  }
0x6d: {  	v52 =	vld [tilespmem:$0x13D20]  }
0x6e: {  	v53 =	vand.u32 $0xFFFF, v50  }
0x6f: {  	v54 =	vld [tilespmem:$0x13D30];
	v0 =	vshrl.u32 v50, $0x10;
	[tilespmem:$0x17D00] =	vst v53  }
0x70: {  	v55 =	vand.u32 $0xFFFF, v51;
	[tilespmem:$0x17F00] =	vst v0  }
0x71: {  	v57 =	vld [tilespmem:$0x13D40];
	v56 =	vshrl.u32 v51, $0x10;
	[tilespmem:$0x17D10] =	vst v55  }
0x72: {  	v58 =	vand.u32 $0xFFFF, v52;
	[tilespmem:$0x17F10] =	vst v56  }
0x73: {  	v59 =	vshrl.u32 v52, $0x10;
	[tilespmem:$0x17D20] =	vst v58  }
0x74: {  	v60 =	vand.u32 $0xFFFF, v54;
	[tilespmem:$0x17F20] =	vst v59  }
0x75: {  	v61 =	vshrl.u32 v54, $0x10;
	[tilespmem:$0x17D30] =	vst v60  }
0x76: {  	v62 =	vand.u32 $0xFFFF, v57;
	[tilespmem:$0x17F30] =	vst v61  }
0x77: {  	v63 =	vshrl.u32 v57, $0x10;
	[tilespmem:$0x17D40] =	vst v62  }
0x78: {  	[tilespmem:$0x17F40] =	vst v63  }
0x79: {  	[tilespmem:s29], [sflag:$0x1] =	stream.indirect.gather [hbm4b:s1+s22], $0x80, s28, s22, $0xb8;
	[tilespmem:$0x1F800] =	vst v63  }
0x7a: {  	s6 =	simm.s32 $0xB00;
	[bflag:$0x0] =	sbarrier.arrive $0xFFFF  }
.LBB2_2:
0x7b: {  	_ =	swait.ge [sflag:s30], $0x2800  }
0x7c: {  	[sflag:s30] =	ssyncset.done $0x0  }
0x7d: {  	[sflag:s30] =	ssyncadd.s32 $0xFFFFD800  }
0x7e: {  	[spmem:s3] =	stream.indirect.scatter.add.f32 [tilespmem:s24], [sflag:$0x3], $0x80, s31, s22, $0xb8;
	[tilespmem:$0x1F800] =	vst v63  }
0x7f: {  	_ =	swait.ge [sflag:s0], $0x2800  }
0x80: {  	[sflag:s0] =	ssyncset.done $0x0  }
0x81: {  	s8 =	sshra.s32 s6, $0x2;
	[sflag:s0] =	ssyncadd.s32 $0xFFFFD800  }
0x82: {  	v0 =	vld [tilespmem:s8+$0x13AC0];
	_ =	sdelay $0x4  }
0x83: {  	v1 =	vand.u32 $0xFFFF, v0  }
0x84: {  	v0 =	vshrl.u32 v0, $0x10;
	[tilespmem:$0x17C00] =	vst v1  }
0x85: {  	[tilespmem:$0x17E00] =	vst v0  }
0x86: {  	v0 =	vld [tilespmem:s8+$0x13AD0];
	_ =	sdelay $0x4  }
0x87: {  	v54 =	vand.u32 $0xFFFF, v0  }
0x88: {  	v0 =	vshrl.u32 v0, $0x10;
	[tilespmem:$0x17C10] =	vst v54  }
0x89: {  	[tilespmem:$0x17E10] =	vst v0  }
0x8a: {  	v0 =	vld [tilespmem:s8+$0x13AE0];
	_ =	sdelay $0x4  }
0x8b: {  	v55 =	vand.u32 $0xFFFF, v0  }
0x8c: {  	v0 =	vshrl.u32 v0, $0x10;
	[tilespmem:$0x17C20] =	vst v55  }
0x8d: {  	[tilespmem:$0x17E20] =	vst v0  }
0x8e: {  	v0 =	vld [tilespmem:s8+$0x13AF0];
	_ =	sdelay $0x4  }
0x8f: {  	v56 =	vand.u32 $0xFFFF, v0  }
0x90: {  	v0 =	vshrl.u32 v0, $0x10;
	[tilespmem:$0x17C30] =	vst v56  }
0x91: {  	[tilespmem:$0x17E30] =	vst v0  }
0x92: {  	v0 =	vld [tilespmem:s8+$0x13B00];
	_ =	sdelay $0x4  }
0x93: {  	v57 =	vand.u32 $0xFFFF, v0  }
0x94: {  	v0 =	vshrl.u32 v0, $0x10;
	[tilespmem:$0x17C40] =	vst v57  }
0x95: {  	[tilespmem:$0x17E40] =	vst v0  }
0x96: {  	[tilespmem:s24], [sflag:$0x1] =	stream.indirect.gather [hbm4b:s1+s22], $0x80, s23, s22, $0xb8;
	[tilespmem:$0x1F800] =	vst v63  }
0x97: {  	_ =	swait.ge [sflag:s30], $0x2800  }
0x98: {  	[sflag:s30] =	ssyncset.done $0x0  }
0x99: {  	[sflag:s30] =	ssyncadd.s32 $0xFFFFD800  }
0x9a: {  	[spmem:s3] =	stream.indirect.scatter.add.f32 [tilespmem:s26], [sflag:$0x3], $0x80, s4, s22, $0xb8;
	[tilespmem:$0x1F800] =	vst v63  }
0x9b: {  	_ =	swait.ge [sflag:s0], $0x2800  }
0x9c: {  	[sflag:s0] =	ssyncset.done $0x0  }
0x9d: {  	[sflag:s0] =	ssyncadd.s32 $0xFFFFD800  }
0x9e: {  	v58 =	vld [tilespmem:s8+$0x13B40];
	_ =	sdelay $0x4  }
0x9f: {  	v59 =	vand.u32 $0xFFFF, v58  }
0xa0: {  	v0 =	vshrl.u32 v58, $0x10;
	[tilespmem:$0x17C80] =	vst v59  }
0xa1: {  	[tilespmem:$0x17E80] =	vst v0  }
0xa2: {  	v0 =	vld [tilespmem:s8+$0x13B50];
	_ =	sdelay $0x4  }
0xa3: {  	v60 =	vand.u32 $0xFFFF, v0  }
0xa4: {  	v0 =	vshrl.u32 v0, $0x10;
	[tilespmem:$0x17C90] =	vst v60  }
0xa5: {  	[tilespmem:$0x17E90] =	vst v0  }
0xa6: {  	v0 =	vld [tilespmem:s8+$0x13B60];
	_ =	sdelay $0x4  }
0xa7: {  	v61 =	vand.u32 $0xFFFF, v0  }
0xa8: {  	v0 =	vshrl.u32 v0, $0x10;
	[tilespmem:$0x17CA0] =	vst v61  }
0xa9: {  	[tilespmem:$0x17EA0] =	vst v0  }
0xaa: {  	v0 =	vld [tilespmem:s8+$0x13B70];
	_ =	sdelay $0x4  }
0xab: {  	v62 =	vand.u32 $0xFFFF, v0  }
0xac: {  	v0 =	vshrl.u32 v0, $0x10;
	[tilespmem:$0x17CB0] =	vst v62  }
0xad: {  	[tilespmem:$0x17EB0] =	vst v0  }
0xae: {  	v0 =	vld [tilespmem:s8+$0x13B80];
	_ =	sdelay $0x4  }
0xaf: {  	v63 =	vand.u32 $0xFFFF, v0  }
0xb0: {  	v0 =	vshrl.u32 v0, $0x10;
	[tilespmem:$0x17CC0] =	vst v63  }
0xb1: {  	[tilespmem:$0x17EC0] =	vst v0  }
0xb2: {  	[tilespmem:s26], [sflag:$0x1] =	stream.indirect.gather [hbm4b:s1+s22], $0x80, s25, s22, $0xb8;
	[tilespmem:$0x1F800] =	vst v63  }
0xb3: {  	_ =	swait.ge [sflag:s30], $0x2800  }
0xb4: {  	p5 =	seq.s32 s6, $0xFB00;
	[sflag:s30] =	ssyncset.done $0x0  }
.Ltmp2:
0xb5: {  	[sflag:s30] =	ssyncadd.s32 $0xFFFFD800;
	(pc) =	sbr.rel @p5 .LBB2_4-.Ltmp2, $4  }
0xb6: {  	[spmem:s3] =	stream.indirect.scatter.add.f32 [tilespmem:s29], [sflag:$0x3], $0x80, s14, s22, $0xb8;
	[tilespmem:$0x1F800] =	vst v63  }
0xb7: {  	_ =	swait.ge [sflag:s0], $0x2800  }
0xb8: {  	[sflag:s0] =	ssyncset.done $0x0  }
0xb9: {  	[sflag:s0] =	ssyncadd.s32 $0xFFFFD800  }
0xba: {  	v0 =	vld [tilespmem:s8+$0x13BC0];
	_ =	sdelay $0x4  }
0xbb: {  	v1 =	vand.u32 $0xFFFF, v0  }
0xbc: {  	v0 =	vshrl.u32 v0, $0x10;
	[tilespmem:$0x17D00] =	vst v1  }
0xbd: {  	[tilespmem:$0x17F00] =	vst v0  }
0xbe: {  	v0 =	vld [tilespmem:s8+$0x13BD0];
	_ =	sdelay $0x4  }
0xbf: {  	v60 =	vand.u32 $0xFFFF, v0  }
0xc0: {  	v0 =	vshrl.u32 v0, $0x10;
	[tilespmem:$0x17D10] =	vst v60  }
0xc1: {  	[tilespmem:$0x17F10] =	vst v0  }
0xc2: {  	v0 =	vld [tilespmem:s8+$0x13BE0];
	_ =	sdelay $0x4  }
0xc3: {  	v61 =	vand.u32 $0xFFFF, v0  }
0xc4: {  	v0 =	vshrl.u32 v0, $0x10;
	[tilespmem:$0x17D20] =	vst v61  }
0xc5: {  	[tilespmem:$0x17F20] =	vst v0  }
0xc6: {  	v0 =	vld [tilespmem:s8+$0x13BF0];
	_ =	sdelay $0x4  }
0xc7: {  	v62 =	vand.u32 $0xFFFF, v0  }
0xc8: {  	v0 =	vshrl.u32 v0, $0x10;
	[tilespmem:$0x17D30] =	vst v62  }
0xc9: {  	[tilespmem:$0x17F30] =	vst v0  }
0xca: {  	v0 =	vld [tilespmem:s8+$0x13C00];
	_ =	sdelay $0x3  }
.Ltmp3:
0xcb: {  	_ = 	snop;
	(pc) =	sbr.rel .LBB2_2-.Ltmp3, $4  }
0xcc: {  	v63 =	vand.u32 $0xFFFF, v0  }
0xcd: {  	v0 =	vshrl.u32 v0, $0x10;
	[tilespmem:$0x17D40] =	vst v63  }
0xce: {  	s6 =	sadd.s32 $0x600, s6;
	[tilespmem:$0x17F40] =	vst v0  }
0xcf: {  	[tilespmem:s29], [sflag:$0x1] =	stream.indirect.gather [hbm4b:s1+s22], $0x80, s28, s22, $0xb8;
	[tilespmem:$0x1F800] =	vst v63  }
.LBB2_5:
0xd0: {  	_ =	sfence.sel $0x180000  }
0xd1: {  	[bflag:$0x0] =	sbarrier.arrive $0xFFFF  }
0xd2: {  	_ =	strace $0x90000047  }
0xd3: {  	s0 =	stileid.u32;
	[bflag:$0x2] =	sbarrier.arrive $0xFFFF  }
0xd4: {  	p0 =	sne.s32 s0, $0x0;
	s0 =	rddreg [dreg:$0x3]  }
0xd5: {  	s0 =	sadd.s32 @!p0 $0x100000, s0  }
0xd6: {  	[sflag:s0] =	ssyncadd.tile.s32 @!p0 $0x1;
	_ =	shalt  }
.Lfunc_end2:
_tile_overlayer_lowered:
.L_overlay_start_2:
0xd7: {  	(tag) =	ssettag $0x2  }
0xd8: {  	s0 =	rddreg [dreg:$0x0];
	s2 =	stileid.u32  }
0xd9: {  	s1 =	rddreg [dreg:$0x1];
	p0 =	sne.s32 s2, $0x0  }
0xda: {  	s3 =	rddreg [dreg:$0x2];
	[bflag:$0x3] =	sbarrier.arrive $0xFFFF;
	s2 =	simm.s32 @!p0 $0x1C03  }
0xdb: {  	[timem:s3], [sflag:s2] =	dma.local @!p0 [hbm:s0], s1  }
0xdc: {  	s0 =	simm.s32 @!p0 $0x3  }
0xdd: {  	_ =	swait.ge @!p0 [sflag:s0], s1  }
0xde: {  	s1 =	ssub.s32 @!p0 $0x0, s1;
	[sflag:s0] =	ssyncset.done @!p0 $0x0  }
0xdf: {  	[sflag:s0] =	ssyncadd.s32 @!p0 s1  }
0xe0: {  	[bflag:$0x3] =	sbarrier.arrive $0xFFFF  }
0xe1: {  	_ =	shalt  }

// kernel: kernel.9.cloned.1.call-start
scs
__scs_entry_jumppad:
0x0: {  	(pc) =	sbr.rel $0x88, $3  }
0x1: {  	(tag) =	ssettag $0x0;
	lr =	simm.s32 $0x1  }
0x2: {  	[smem:$0x3F92] =	sst lr;
	_ =	strace $0xD0000000  }
0x3: {  	_ = 	snop  }
0x4: {  	_ = 	snop  }
0x5: {  	_ = 	snop  }
0x6: {  	_ = 	snop  }
0x7: {  	_ = 	snop  }
__scs_overlays_trampoline_lowered:
0x8: {  	[smem:$0x3FA1] =	sst s0  }
0x9: {  	[smem:$0x3FA2] =	sst s1  }
0xa: {  	[smem:$0x3FA3] =	sst s2  }
0xb: {  	[smem:$0x3FA4] =	sst s3  }
0xc: {  	[smem:$0x3FA5] =	sst s4  }
0xd: {  	[smem:$0x3FA6] =	sst s5  }
0xe: {  	[smem:$0x3FA7] =	sst s6  }
0xf: {  	[smem:$0x3FA8] =	sst s7  }
0x10: {  	[smem:$0x3FA9] =	sst s8  }
0x11: {  	[smem:$0x3FAA] =	sst s9;
	s0 =	simm.s32 @!p0 $0x0  }
0x12: {  	s1 =	sld [smem:$0x3F90];
	s0 =	simm.s32 @p0 $0x1  }
0x13: {  	[smem:$0x3FAB] =	sst s0;
	s0 =	simm.s32 @!p1 $0x0  }
0x14: {  	s2 =	sld [smem:$0x3F8F];
	s0 =	simm.s32 @p1 $0x1  }
0x15: {  	[smem:$0x3FAC] =	sst s0;
	s0 =	simm.s32 @!p2 $0x0  }
0x16: {  	s3 =	sld [smem:$0x3FDB];
	s0 =	simm.s32 @p2 $0x1  }
0x17: {  	s4 =	simm.s32 $0x1BF5;
	[smem:$0x3FAE] =	sst s0  }
0x18: {  	s0 =	sld [smem:$0x3F91];
	_ =	swait.ge [sflag:s4], $0x0  }
0x19: {  	s7 =	sld [smem:$0x3F92]  }
0x1a: {  	s8 =	sadd.s32 $0xFFFFE003, lr  }
0x1b: {  	s9 =	sadd.s32 $0xFFFFFEF7, lr;
	s5 =	simm.s32 $0xFFFFFFFF;
	p2 =	slt.u32 s8, $0xFFFFF086  }
0x1c: {  	p1 =	slt.u32 s9, $0xF7A;
	s5 =	simm.s32 @!p2 $0x0  }
0x1d: {  	s5 =	simm.s32 @p1 $0x1;
	p0 =	seq.s32 s7, s2  }
0x1e: {  	s7 =	smul.u32 @!p0 $0xF7A, s2;
	p2 =	seq.s32 @!p0 s5, $0x0  }
0x1f: {  	s9 =	smul.u32 $0xF7A, s1;
	s8 =	simm.s32 @!p0 $0x1BF5;
	p2 =	por !p2, p0  }
0x20: {  	[sflag:s8] =	ssyncset.s32 @!p0 $0xFFFFF086;
	s6 =	sadd.s32 @!p0 s3, s7;
	s7 =	simm.s32 @!p0 $0x108  }
0x21: {  	s3 =	sadd.s32 s3, s9;
	s6 =	sadd.s32 @!p0 $0x88, s6;
	s7 =	simm.s32 @p2 $0x1082  }
0x22: {  	[simem:s7], [sflag:s8] =	dma.local @!p0 [hbm:s6], $0xF7A  }
0x23: {  	s9 =	sor.u32 $0xD0000000, s2;
	s6 =	simm.s32 $0x108;
	_ =	swait.ge @!p0 [sflag:s8], $0x0  }
0x24: {  	s3 =	sadd.s32 $0x88, s3;
	s6 =	simm.s32 @!p1 $0x1082;
	[sflag:s4] =	ssyncset.s32 $0xFFFFF086  }
0x25: {  	[simem:s6], [sflag:s4] =	dma.local [hbm:s3], $0xF7A  }
0x26: {  	[smem:$0x3F92] =	sst s1;
	(tag) =	ssettag s2;
	_ =	strace s9  }
0x27: {  	s1 =	sld [smem:$0x3FA2]  }
0x28: {  	s2 =	sld [smem:$0x3FA3]  }
0x29: {  	s4 =	sld [smem:$0x3FA5]  }
0x2a: {  	p0 =	seq.s32 s5, $0x0;
	s5 =	sld [smem:$0x3FA6]  }
0x2b: {  	s6 =	sld [smem:$0x3FA7]  }
0x2c: {  	s7 =	sld [smem:$0x3FA8]  }
0x2d: {  	s3 =	simm.s32 $0x108;
	s8 =	sld [smem:$0x3FA9]  }
0x2e: {  	s3 =	simm.s32 @!p0 $0x1082;
	s9 =	sld [smem:$0x3FAA]  }
0x2f: {  	lr =	sadd.s32 s0, s3;
	s0 =	sld [smem:$0x3FA1]  }
0x30: {  	s3 =	sld [smem:$0x3FA4]  }
0x31: {  	[smem:$0x3FAD] =	sst s10  }
0x32: {  	s10 =	sld [smem:$0x3FAB];
	_ =	sdelay $0x3  }
0x33: {  	p0 =	seq.s32 s10, $0x1;
	s10 =	sld [smem:$0x3FAD];
	_ =	sdelay $0x3  }
0x34: {  	[smem:$0x3FAD] =	sst s10  }
0x35: {  	s10 =	sld [smem:$0x3FAC];
	_ =	sdelay $0x3  }
0x36: {  	p1 =	seq.s32 s10, $0x1;
	s10 =	sld [smem:$0x3FAD];
	_ =	sdelay $0x3  }
0x37: {  	[smem:$0x3FAD] =	sst s10  }
0x38: {  	s10 =	sld [smem:$0x3FAE]  }
0x39: {  	_ = 	snop;
	(pc) =	sbr.ind lr, $3  }
0x3a: {  	_ = 	snop  }
0x3b: {  	_ = 	snop  }
0x3c: {  	p2 =	seq.s32 s10, $0x1;
	s10 =	sld [smem:$0x3FAD]  }
0x3d: {  	_ =	shalt  }
0x3e: {  	_ =	shalt  }
0x3f: {  	_ =	shalt  }
0x40: {  	_ =	shalt  }
0x41: {  	_ =	shalt  }
0x42: {  	_ =	shalt  }
0x43: {  	_ =	shalt  }
0x44: {  	_ =	shalt  }
0x45: {  	_ =	shalt  }
0x46: {  	_ =	shalt  }
0x47: {  	_ =	shalt  }
0x48: {  	_ =	shalt  }
0x49: {  	_ =	shalt  }
0x4a: {  	_ =	shalt  }
0x4b: {  	_ =	shalt  }
0x4c: {  	_ =	shalt  }
0x4d: {  	_ =	shalt  }
0x4e: {  	_ =	shalt  }
0x4f: {  	_ =	shalt  }
0x50: {  	_ =	shalt  }
0x51: {  	_ =	shalt  }
0x52: {  	_ =	shalt  }
0x53: {  	_ =	shalt  }
0x54: {  	_ =	shalt  }
0x55: {  	_ =	shalt  }
0x56: {  	_ =	shalt  }
0x57: {  	_ =	shalt  }
0x58: {  	_ =	shalt  }
0x59: {  	_ =	shalt  }
0x5a: {  	_ =	shalt  }
0x5b: {  	_ =	shalt  }
0x5c: {  	_ =	shalt  }
0x5d: {  	_ =	shalt  }
0x5e: {  	_ =	shalt  }
0x5f: {  	_ =	shalt  }
0x60: {  	_ =	shalt  }
0x61: {  	_ =	shalt  }
0x62: {  	_ =	shalt  }
0x63: {  	_ =	shalt  }
0x64: {  	_ =	shalt  }
0x65: {  	_ =	shalt  }
0x66: {  	_ =	shalt  }
0x67: {  	_ =	shalt  }
0x68: {  	_ =	shalt  }
0x69: {  	_ =	shalt  }
0x6a: {  	_ =	shalt  }
0x6b: {  	_ =	shalt  }
0x6c: {  	_ =	shalt  }
0x6d: {  	_ =	shalt  }
0x6e: {  	_ =	shalt  }
0x6f: {  	_ =	shalt  }
0x70: {  	_ =	shalt  }
0x71: {  	_ =	shalt  }
0x72: {  	_ =	shalt  }
0x73: {  	_ =	shalt  }
0x74: {  	_ =	shalt  }
0x75: {  	_ =	shalt  }
0x76: {  	_ =	shalt  }
0x77: {  	_ =	shalt  }
0x78: {  	_ =	shalt  }
0x79: {  	_ =	shalt  }
0x7a: {  	_ =	shalt  }
0x7b: {  	_ =	shalt  }
0x7c: {  	_ =	shalt  }
0x7d: {  	_ =	shalt  }
0x7e: {  	_ =	shalt  }
0x7f: {  	_ =	shalt  }
0x80: {  	_ =	shalt  }
0x81: {  	_ =	shalt  }
0x82: {  	_ =	shalt  }
0x83: {  	_ =	shalt  }
0x84: {  	_ =	shalt  }
0x85: {  	_ =	shalt  }
0x86: {  	_ =	shalt  }
0x87: {  	_ =	shalt  }
.Lfunc_end0:
.L_simem_size_0:
called_computation.1_lowered:
.L_overlay_start_0:
0x88: {  	s2 =	sld [smem:$0x3FD9]  }
0x89: {  	s3 =	sld [smem:$0x3FFE];
	_ =	sdelay $0x1  }
0x8a: {  	s1 =	srdreg.scid  }
0x8b: {  	s0 =	sand.u32 $0x1, s1  }
0x8c: {  	s16 =	sshll.u32 s0, $0xA;
	s2 =	sadd.s32 s3, s2  }
0x8d: {  	s2 =	sadd.s32 s2, s16  }
0x8e: {  	[smem:$0x3FB9] =	sst s2  }
0x8f: {  	_ = 	snop  }
0x90: {  	(tm) =	ssettm $0x1  }
0x91: {  	s17 =	sld [smem:$0x3FFB];
	_ =	sdelay $0x3  }
0x92: {  	_ =	strace s17  }
0x93: {  	s2 =	sld [smem:$0x3FFC];
	_ =	sdelay $0x3  }
0x94: {  	_ =	strace s2  }
0x95: {  	s2 =	sld [smem:$0x3FFD];
	_ =	sdelay $0x3  }
0x96: {  	_ =	strace s2  }
0x97: {  	_ =	strace $0x8FFFFFFF  }
0x98: {  	s18 =	sld [smem:$0x3FDB];
	_ =	sdelay $0x1  }
0x99: {  	s19 =	simm.s32 $_scs_section_size  }
0x9a: {  	s4 =	simm.s32 $_size__tile_overlayer_lowered;
	s5 =	simm.s32 $_tile_overlayer_lowered  }
0x9b: {  	s22 =	simm.s32 $0x1BFF;
	s21 =	sshll.u32 s5, $0x1;
	s2 =	sadd.s32 s19, s18  }
0x9c: {  	s6 =	simm.s32 $0x0;
	s20 =	sshll.u32 s4, $0x1;
	s4 =	sadd.s32 s21, s2  }
0x9d: {  	[timem:s6], [sflag:s22] =	dma.local [hbm:s4], s20  }
0x9e: {  	_ =	swait.ge [sflag:s22], s20  }
0x9f: {  	s3 =	ssub.s32 $0x0, s20;
	[sflag:s22] =	ssyncset.done $0x0  }
0xa0: {  	[sflag:s22] =	ssyncadd.s32 s3;
	_ =	sdelay $0x1  }
0xa1: {  	s23 =	simm.s32 $0x1B8B  }
0xa2: {  	_ =	swait.ge [sflag:s23], $0x1  }
0xa3: {  	[sflag:s23] =	ssyncset.done $0x0  }
0xa4: {  	s25 =	simm.s32 $0x1B8E;
	s24 =	sld [smem:$0x3FFE];
	[sflag:s23] =	ssyncadd.s32 $0xFFFFFFFF  }
0xa5: {  	s26 =	simm.s32 $execute0_lowered;
	[smem:$0x3FD2] =	sst s25  }
0xa6: {  	s4 =	sshll.u32 s26, $0x1;
	_ =	strace $0x80000049;
	[dreg:$0x1] =	wrdreg $0xFFFFFFFF  }
0xa7: {  	s28 =	simm.s32 $_size_execute0_lowered;
	s2 =	sadd.s32 s2, s4;
	[dreg:$0x0] =	wrdreg $0x0  }
0xa8: {  	s4 =	sshll.u32 s28, $0x1;
	[dreg:$0x2] =	wrdreg s2  }
0xa9: {  	[dreg:$0x3] =	wrdreg s4  }
0xaa: {  	[dreg:$0x4] =	wrdreg $0xC0  }
0xab: {  	_ =	task [dreg:s6], $0x5FFFF  }
0xac: {  	[dreg:$0x1] =	wrdreg $0xFFFFFFFF  }
0xad: {  	[dreg:$0x0] =	wrdreg $0x60  }
0xae: {  	[dreg:$0x2] =	wrdreg s24  }
0xaf: {  	[dreg:$0x3] =	wrdreg $0x0  }
0xb0: {  	[dreg:$0x4] =	wrdreg $0x9  }
0xb1: {  	_ =	task.clear_ibuf [dreg:s6], $0x5FFFF;
	_ =	strace $0x90000049  }
0xb2: {  	s29 =	simm.s32 $0x9;
	_ =	strace $0x8000004B  }
0xb3: {  	_ =	swait.ge [sflag:s29], $0x1  }
0xb4: {  	[sflag:s29] =	ssyncadd.s32 $0xFFFFFFFF  }
0xb5: {  	_ =	strace $0x9000004B  }
0xb6: {  	_ =	sfence  }
0xb7: {  	s30 =	sld [smem:$0x0];
	_ =	sdelay $0x2  }
0xb8: {  	s31 =	sshll.u32 s1, $0xD;
	s1 =	sshrl.u32 s1, $0x2  }
0xb9: {  	s3 =	sand.u32 $0x4000, s31;
	s1 =	sadd.s32 s1, s30  }
0xba: {  	s0 =	sor.u32 s3, s0;
	s1 =	sshll.u32 s1, $0x11  }
0xbb: {  	s0 =	sor.u32 s1, s0  }
0xbc: {  	s0 =	sadd.s32 $0x8F2B, s0  }
0xbd: {  	[sflag:s0] =	ssyncadd.remote.s32 $0x1  }
0xbe: {  	_ =	sfence.sel $0xFFFF  }
0xbf: {  	[dreg:$0x0] =	wrdreg $0xFFFFFFFF;
	(pc) =	sbr.abs _section_cstart, $3  }
0xc0: {  	[dreg:$0x1] =	wrdreg $0xFFFFFFFF  }
0xc1: {  	_ =	task.clear_ibuf [dreg:s6], $0x2FFFF;
	_ =	strace $0x9FFFFFFF  }
0xc2: {  	(tm) =	ssettm $0x7FFFFFFF  }
0xc3: {  	_ =	shalt  }
tec
execute0_lowered:
.L_overlay_start_1:
0x0: {  	(tag) =	ssettag $0x1  }
0x1: {  	s0 =	rddreg [dreg:$0x0]  }
0x2: {  	s2 =	rddreg [dreg:$0x1];
	s1 =	simm.s32 $0x0  }
0x3: {  	s14 =	stileid.u32;
	s3 =	srdreg.scid;
	s28 =	simm.s32 $0x17D00  }
0x4: {  	s29 =	simm.s32 $0x1D000;
	s30 =	simm.s32 $0x1;
	s31 =	simm.s32 $0x17E00  }
0x5: {  	[smem:$0x7FF] =	sst s1;
	s21 =	sshll.u32 s14, $0xB;
	s7 =	smul.u32 $0x4F000, s14  }
0x6: {  	s4 =	sadd.s32 $0x14A00, s0;
	s3 =	sand.u32 $0x1, s3;
	s10 =	smul.u32 $0x2780, s14  }
0x7: {  	s5 =	sadd.s32 $0x12200, s0;
	s8 =	sadd.s32 $0x3BC00, s0;
	s12 =	smul.u32 $0x13C00, s14  }
0x8: {  	p0 =	seq.s32 s14, $0xF;
	_ =	strace $0x8000004A;
	s1 =	sadd.s32 s21, s0  }
0x9: {  	s6 =	ssub.s32 $0x2, s3;
	s22 =	sshll.u32 s3, $0xF;
	s11 =	smul.u32 $0x13C000, s3  }
0xa: {  	s0 =	sadd.s32 $0x39A80, s0;
	p2 =	sne.s32 @p0 s3, $0x0;
	p4 =	sne.s32 @!p0 s3, $0x0  }
0xb: {  	s21 =	simm.s32 $0x2;
	s3 =	simm.s32 $0x17E80;
	s9 =	sshrl.u32 s6, $0x1  }
0xc: {  	s1 =	sadd.s32 s22, s1;
	s7 =	sshrl.u32 s7, $0x2;
	s23 =	sadd.s32 s4, s10  }
0xd: {  	[dreg:$0x5] =	wrdreg s0;
	p1 =	por !p2, !p0;
	p2 =	por p2, !p0  }
0xe: {  	p3 =	por !p4, p0;
	p4 =	por p4, p0;
	s22 =	simm.s32 $0x50  }
0xf: {  	s10 =	simm.s32 $0x13C00;
	s6 =	ssub.s32 s6, s9;
	s1 =	sadd.s32 $0x2200, s1  }
0x10: {  	s7 =	sadd.s32 s7, s2;
	[dreg:$0x4] =	wrdreg s23;
	s9 =	sadd.s32 $0x128400, s2  }
0x11: {  	s24 =	sadd.s32 s12, s11;
	s25 =	sshrl.u32 s11, $0x3;
	s23 =	simm.s32 $0x17C00  }
0x12: {  	[dreg:$0x3] =	wrdreg s1;
	s0 =	sshrl.u32 s24, $0x3;
	s26 =	sadd.s32 s8, s25  }
0x13: {  	s13 =	smax.u32 s6, $0x1;
	s15 =	sshrl.u32 @!p1 s9, $0x3;
	s16 =	sshrl.u32 @!p2 s9, $0x3  }
.Ltmp0:
0x14: {  	s1 =	sshll.u32 @!p4 s14, $0x6;
	s18 =	sshrl.u32 @!p3 s7, $0x3;
	(pc) =	sbr.rel .LBB2_1-.Ltmp0, $4  }
0x15: {  	s20 =	sshrl.u32 @!p4 s7, $0x3;
	s24 =	simm.s32 $0x18000;
	s25 =	simm.s32 $0x17C80  }
0x16: {  	s11 =	sadd.s32 s8, s0;
	s12 =	sadd.s32 $0x25080, s26;
	s0 =	sshll.u32 @!p3 s14, $0x6  }
0x17: {  	s19 =	sor.u32 @!p4 $0x1C03, s1;
	s26 =	simm.s32 $0x1A800;
	s14 =	simm.s32 $0x17F00  }
0x18: {  	s1 =	simm.s32 $0x0;
	s17 =	sor.u32 @!p3 $0x1C03, s0;
	s0 =	simm.s32 $0x3  }
.LBB2_4:
0x19: {  	_ =	swait.ge [sflag:s30], $0x2800  }
0x1a: {  	[sflag:s30] =	ssyncset.done $0x0  }
0x1b: {  	[sflag:s30] =	ssyncadd.s32 $0xFFFFD800  }
0x1c: {  	[spmem:s2] =	stream.indirect.scatter.add.f32 [tilespmem:s24], [sflag:$0x3], $0x80, s31, s22, $0xb8;
	[tilespmem:$0x1F800] =	vst v63  }
0x1d: {  	_ =	swait.ge [sflag:s0], $0x2800  }
0x1e: {  	[sflag:s0] =	ssyncset.done $0x0  }
0x1f: {  	[sflag:s0] =	ssyncadd.s32 $0xFFFFD800  }
0x20: {  	_ =	swait.ge [sflag:s30], $0x2800  }
0x21: {  	[sflag:s30] =	ssyncset.done $0x0  }
0x22: {  	[sflag:s30] =	ssyncadd.s32 $0xFFFFD800  }
0x23: {  	[spmem:s2] =	stream.indirect.scatter.add.f32 [tilespmem:s26], [sflag:$0x3], $0x80, s3, s22, $0xb8;
	[tilespmem:$0x1F800] =	vst v63  }
0x24: {  	_ =	swait.ge [sflag:s0], $0x2800  }
0x25: {  	[sflag:s0] =	ssyncset.done $0x0  }
0x26: {  	[sflag:s0] =	ssyncadd.s32 $0xFFFFD800  }
0x27: {  	s6 =	sshrl.u32 @p0 s9, $0x3;
	s8 =	simm.s32 @p0 $0x1FC3;
	[bflag:$0x0] =	sbarrier.arrive $0xFFFF  }
0x28: {  	[hbm:s12], [sflag:s8] =	dma.local @p0 [spmem:s6], $0x2080  }
0x29: {  	s6 =	simm.s32 @p0 $0x3  }
0x2a: {  	s1 =	sadd.s32 $0x1, s1;
	s8 =	stileid.u32;
	_ =	swait.ge @p0 [sflag:s6], $0x2080  }
0x2b: {  	p5 =	sne.s32 s1, s13;
	s8 =	sshll.u32 @!p0 s8, $0x6;
	[sflag:s6] =	ssyncset.done @p0 $0x0  }
0x2c: {  	[sflag:s6] =	ssyncadd.s32 @p0 $0xFFFFDF80;
	s6 =	sor.u32 @!p0 $0x1C03, s8;
	s8 =	sshrl.u32 @!p0 s7, $0x3  }
0x2d: {  	[hbm:s11], [sflag:s6] =	dma.local @!p0 [spmem:s8], $0x2780  }
.Ltmp1:
0x2e: {  	_ = 	snop;
	(pc) =	sbr.rel @!p5 .LBB2_5-.Ltmp1, $4  }
0x2f: {  	s6 =	simm.s32 @!p0 $0x3  }
0x30: {  	_ =	swait.ge @!p0 [sflag:s6], $0x2780  }
0x31: {  	[sflag:s6] =	ssyncset.done @!p0 $0x0  }
0x32: {  	[sflag:s6] =	ssyncadd.s32 @!p0 $0xFFFFD880  }
.LBB2_1:
0x33: {  	s6 =	simm.s32 $0x0;
	s8 =	rddreg [dreg:$0x3]  }
0x34: {  	[tilespmem:s10], [sflag:$0x2] =	stream.linear.gather [hbm4b:s8+s6], $0x3E80, $0x38;
	[tilespmem:$0x1F800] =	vst v63  }
0x35: {  	s6 =	simm.s32 @!p1 $0x1FC3  }
0x36: {  	[spmem:s15], [sflag:s6] =	dma.local @!p1 [hbm:s5], $0x2080  }
0x37: {  	s6 =	simm.s32 @!p1 $0x3  }
0x38: {  	_ =	swait.ge @!p1 [sflag:s6], $0x2080  }
0x39: {  	[sflag:s6] =	ssyncset.done @!p1 $0x0  }
0x3a: {  	s8 =	rddreg [dreg:$0x5];
	[sflag:s6] =	ssyncadd.s32 @!p1 $0xFFFFDF80;
	s6 =	simm.s32 @!p2 $0x1FC3  }
0x3b: {  	[spmem:s16], [sflag:s6] =	dma.local @!p2 [hbm:s8], $0x2080  }
0x3c: {  	s6 =	simm.s32 @!p2 $0x3  }
0x3d: {  	_ =	swait.ge @!p2 [sflag:s6], $0x2080  }
0x3e: {  	[sflag:s6] =	ssyncset.done @!p2 $0x0  }
0x3f: {  	[sflag:s6] =	ssyncadd.s32 @!p2 $0xFFFFDF80;
	s6 =	simm.s32 @!p3 $0x3  }
0x40: {  	[spmem:s18], [sflag:s17] =	dma.local @!p3 [hbm:s5], $0x2780  }
0x41: {  	_ =	swait.ge @!p3 [sflag:s6], $0x2780  }
0x42: {  	[sflag:s6] =	ssyncset.done @!p3 $0x0  }
0x43: {  	[sflag:s6] =	ssyncadd.s32 @!p3 $0xFFFFD880;
	s6 =	rddreg [dreg:$0x4]  }
0x44: {  	[spmem:s20], [sflag:s19] =	dma.local @!p4 [hbm:s6], $0x2780  }
0x45: {  	s6 =	simm.s32 @!p4 $0x3  }
0x46: {  	_ =	swait.ge @!p4 [sflag:s6], $0x2780  }
0x47: {  	[sflag:s6] =	ssyncset.done @!p4 $0x0  }
0x48: {  	[sflag:s6] =	ssyncadd.s32 @!p4 $0xFFFFD880  }
0x49: {  	_ =	swait.ge [sflag:s21], $0x3E80  }
0x4a: {  	[sflag:s21] =	ssyncset.done $0x0  }
0x4b: {  	[sflag:s21] =	ssyncadd.s32 $0xFFFFC180  }
0x4c: {  	v0 =	vld [tilespmem:$0x13C00];
	_ =	sdelay $0x1  }
0x4d: {  	v1 =	vld [tilespmem:$0x13C10];
	_ =	sdelay $0x1  }
0x4e: {  	v2 =	vld [tilespmem:$0x13C20]  }
0x4f: {  	v3 =	vand.u32 $0xFFFF, v0  }
0x50: {  	v26 =	vld [tilespmem:$0x13C30];
	v0 =	vshrl.u32 v0, $0x10;
	[tilespmem:$0x17C00] =	vst v3  }
0x51: {  	v27 =	vand.u32 $0xFFFF, v1;
	[tilespmem:$0x17E00] =	vst v0  }
0x52: {  	v29 =	vld [tilespmem:$0x13C40];
	v28 =	vshrl.u32 v1, $0x10;
	[tilespmem:$0x17C10] =	vst v27  }
0x53: {  	v30 =	vand.u32 $0xFFFF, v2;
	[tilespmem:$0x17E10] =	vst v28  }
0x54: {  	v31 =	vshrl.u32 v2, $0x10;
	[tilespmem:$0x17C20] =	vst v30  }
0x55: {  	v32 =	vand.u32 $0xFFFF, v26;
	[tilespmem:$0x17E20] =	vst v31  }
0x56: {  	v33 =	vshrl.u32 v26, $0x10;
	[tilespmem:$0x17C30] =	vst v32  }
0x57: {  	v34 =	vand.u32 $0xFFFF, v29;
	[tilespmem:$0x17E30] =	vst v33  }
0x58: {  	v35 =	vshrl.u32 v29, $0x10;
	[tilespmem:$0x17C40] =	vst v34  }
0x59: {  	[tilespmem:$0x17E40] =	vst v35  }
0x5a: {  	[tilespmem:s24], [sflag:$0x1] =	stream.indirect.gather [hbm4b:s4+s22], $0x80, s23, s22, $0xb8;
	[tilespmem:$0x1F800] =	vst v63  }
0x5b: {  	v36 =	vld [tilespmem:$0x13C80];
	_ =	sdelay $0x1  }
0x5c: {  	v37 =	vld [tilespmem:$0x13C90];
	_ =	sdelay $0x1  }
0x5d: {  	v38 =	vld [tilespmem:$0x13CA0]  }
0x5e: {  	v39 =	vand.u32 $0xFFFF, v36  }
0x5f: {  	v40 =	vld [tilespmem:$0x13CB0];
	v0 =	vshrl.u32 v36, $0x10;
	[tilespmem:$0x17C80] =	vst v39  }
0x60: {  	v41 =	vand.u32 $0xFFFF, v37;
	[tilespmem:$0x17E80] =	vst v0  }
0x61: {  	v43 =	vld [tilespmem:$0x13CC0];
	v42 =	vshrl.u32 v37, $0x10;
	[tilespmem:$0x17C90] =	vst v41  }
0x62: {  	v44 =	vand.u32 $0xFFFF, v38;
	[tilespmem:$0x17E90] =	vst v42  }
0x63: {  	v45 =	vshrl.u32 v38, $0x10;
	[tilespmem:$0x17CA0] =	vst v44  }
0x64: {  	v46 =	vand.u32 $0xFFFF, v40;
	[tilespmem:$0x17EA0] =	vst v45  }
0x65: {  	v47 =	vshrl.u32 v40, $0x10;
	[tilespmem:$0x17CB0] =	vst v46  }
0x66: {  	v48 =	vand.u32 $0xFFFF, v43;
	[tilespmem:$0x17EB0] =	vst v47  }
0x67: {  	v49 =	vshrl.u32 v43, $0x10;
	[tilespmem:$0x17CC0] =	vst v48  }
0x68: {  	[tilespmem:$0x17EC0] =	vst v49  }
0x69: {  	[tilespmem:s26], [sflag:$0x1] =	stream.indirect.gather [hbm4b:s4+s22], $0x80, s25, s22, $0xb8;
	[tilespmem:$0x1F800] =	vst v63  }
0x6a: {  	v50 =	vld [tilespmem:$0x13D00];
	_ =	sdelay $0x1  }
0x6b: {  	v51 =	vld [tilespmem:$0x13D10];
	_ =	sdelay $0x1  }
0x6c: {  	v52 =	vld [tilespmem:$0x13D20]  }
0x6d: {  	v53 =	vand.u32 $0xFFFF, v50  }
0x6e: {  	v54 =	vld [tilespmem:$0x13D30];
	v0 =	vshrl.u32 v50, $0x10;
	[tilespmem:$0x17D00] =	vst v53  }
0x6f: {  	v55 =	vand.u32 $0xFFFF, v51;
	[tilespmem:$0x17F00] =	vst v0  }
0x70: {  	v57 =	vld [tilespmem:$0x13D40];
	v56 =	vshrl.u32 v51, $0x10;
	[tilespmem:$0x17D10] =	vst v55  }
0x71: {  	v58 =	vand.u32 $0xFFFF, v52;
	[tilespmem:$0x17F10] =	vst v56  }
0x72: {  	v59 =	vshrl.u32 v52, $0x10;
	[tilespmem:$0x17D20] =	vst v58  }
0x73: {  	v60 =	vand.u32 $0xFFFF, v54;
	[tilespmem:$0x17F20] =	vst v59  }
0x74: {  	v61 =	vshrl.u32 v54, $0x10;
	[tilespmem:$0x17D30] =	vst v60  }
0x75: {  	v62 =	vand.u32 $0xFFFF, v57;
	[tilespmem:$0x17F30] =	vst v61  }
0x76: {  	v63 =	vshrl.u32 v57, $0x10;
	[tilespmem:$0x17D40] =	vst v62  }
0x77: {  	[tilespmem:$0x17F40] =	vst v63  }
0x78: {  	[tilespmem:s29], [sflag:$0x1] =	stream.indirect.gather [hbm4b:s4+s22], $0x80, s28, s22, $0xb8;
	[tilespmem:$0x1F800] =	vst v63  }
0x79: {  	s6 =	simm.s32 $0xB00;
	[bflag:$0x0] =	sbarrier.arrive $0xFFFF  }
.LBB2_2:
0x7a: {  	_ =	swait.ge [sflag:s30], $0x2800  }
0x7b: {  	[sflag:s30] =	ssyncset.done $0x0  }
0x7c: {  	[sflag:s30] =	ssyncadd.s32 $0xFFFFD800  }
0x7d: {  	[spmem:s2] =	stream.indirect.scatter.add.f32 [tilespmem:s24], [sflag:$0x3], $0x80, s31, s22, $0xb8;
	[tilespmem:$0x1F800] =	vst v63  }
0x7e: {  	_ =	swait.ge [sflag:s0], $0x2800  }
0x7f: {  	[sflag:s0] =	ssyncset.done $0x0  }
0x80: {  	s8 =	sshra.s32 s6, $0x2;
	[sflag:s0] =	ssyncadd.s32 $0xFFFFD800  }
0x81: {  	v0 =	vld [tilespmem:s8+$0x13AC0];
	_ =	sdelay $0x4  }
0x82: {  	v1 =	vand.u32 $0xFFFF, v0  }
0x83: {  	v0 =	vshrl.u32 v0, $0x10;
	[tilespmem:$0x17C00] =	vst v1  }
0x84: {  	[tilespmem:$0x17E00] =	vst v0  }
0x85: {  	v0 =	vld [tilespmem:s8+$0x13AD0];
	_ =	sdelay $0x4  }
0x86: {  	v54 =	vand.u32 $0xFFFF, v0  }
0x87: {  	v0 =	vshrl.u32 v0, $0x10;
	[tilespmem:$0x17C10] =	vst v54  }
0x88: {  	[tilespmem:$0x17E10] =	vst v0  }
0x89: {  	v0 =	vld [tilespmem:s8+$0x13AE0];
	_ =	sdelay $0x4  }
0x8a: {  	v55 =	vand.u32 $0xFFFF, v0  }
0x8b: {  	v0 =	vshrl.u32 v0, $0x10;
	[tilespmem:$0x17C20] =	vst v55  }
0x8c: {  	[tilespmem:$0x17E20] =	vst v0  }
0x8d: {  	v0 =	vld [tilespmem:s8+$0x13AF0];
	_ =	sdelay $0x4  }
0x8e: {  	v56 =	vand.u32 $0xFFFF, v0  }
0x8f: {  	v0 =	vshrl.u32 v0, $0x10;
	[tilespmem:$0x17C30] =	vst v56  }
0x90: {  	[tilespmem:$0x17E30] =	vst v0  }
0x91: {  	v0 =	vld [tilespmem:s8+$0x13B00];
	_ =	sdelay $0x4  }
0x92: {  	v57 =	vand.u32 $0xFFFF, v0  }
0x93: {  	v0 =	vshrl.u32 v0, $0x10;
	[tilespmem:$0x17C40] =	vst v57  }
0x94: {  	[tilespmem:$0x17E40] =	vst v0  }
0x95: {  	[tilespmem:s24], [sflag:$0x1] =	stream.indirect.gather [hbm4b:s4+s22], $0x80, s23, s22, $0xb8;
	[tilespmem:$0x1F800] =	vst v63  }
0x96: {  	_ =	swait.ge [sflag:s30], $0x2800  }
0x97: {  	[sflag:s30] =	ssyncset.done $0x0  }
0x98: {  	[sflag:s30] =	ssyncadd.s32 $0xFFFFD800  }
0x99: {  	[spmem:s2] =	stream.indirect.scatter.add.f32 [tilespmem:s26], [sflag:$0x3], $0x80, s3, s22, $0xb8;
	[tilespmem:$0x1F800] =	vst v63  }
0x9a: {  	_ =	swait.ge [sflag:s0], $0x2800  }
0x9b: {  	[sflag:s0] =	ssyncset.done $0x0  }
0x9c: {  	[sflag:s0] =	ssyncadd.s32 $0xFFFFD800  }
0x9d: {  	v58 =	vld [tilespmem:s8+$0x13B40];
	_ =	sdelay $0x4  }
0x9e: {  	v59 =	vand.u32 $0xFFFF, v58  }
0x9f: {  	v0 =	vshrl.u32 v58, $0x10;
	[tilespmem:$0x17C80] =	vst v59  }
0xa0: {  	[tilespmem:$0x17E80] =	vst v0  }
0xa1: {  	v0 =	vld [tilespmem:s8+$0x13B50];
	_ =	sdelay $0x4  }
0xa2: {  	v60 =	vand.u32 $0xFFFF, v0  }
0xa3: {  	v0 =	vshrl.u32 v0, $0x10;
	[tilespmem:$0x17C90] =	vst v60  }
0xa4: {  	[tilespmem:$0x17E90] =	vst v0  }
0xa5: {  	v0 =	vld [tilespmem:s8+$0x13B60];
	_ =	sdelay $0x4  }
0xa6: {  	v61 =	vand.u32 $0xFFFF, v0  }
0xa7: {  	v0 =	vshrl.u32 v0, $0x10;
	[tilespmem:$0x17CA0] =	vst v61  }
0xa8: {  	[tilespmem:$0x17EA0] =	vst v0  }
0xa9: {  	v0 =	vld [tilespmem:s8+$0x13B70];
	_ =	sdelay $0x4  }
0xaa: {  	v62 =	vand.u32 $0xFFFF, v0  }
0xab: {  	v0 =	vshrl.u32 v0, $0x10;
	[tilespmem:$0x17CB0] =	vst v62  }
0xac: {  	[tilespmem:$0x17EB0] =	vst v0  }
0xad: {  	v0 =	vld [tilespmem:s8+$0x13B80];
	_ =	sdelay $0x4  }
0xae: {  	v63 =	vand.u32 $0xFFFF, v0  }
0xaf: {  	v0 =	vshrl.u32 v0, $0x10;
	[tilespmem:$0x17CC0] =	vst v63  }
0xb0: {  	[tilespmem:$0x17EC0] =	vst v0  }
0xb1: {  	[tilespmem:s26], [sflag:$0x1] =	stream.indirect.gather [hbm4b:s4+s22], $0x80, s25, s22, $0xb8;
	[tilespmem:$0x1F800] =	vst v63  }
0xb2: {  	_ =	swait.ge [sflag:s30], $0x2800  }
0xb3: {  	p5 =	seq.s32 s6, $0xFB00;
	[sflag:s30] =	ssyncset.done $0x0  }
.Ltmp2:
0xb4: {  	[sflag:s30] =	ssyncadd.s32 $0xFFFFD800;
	(pc) =	sbr.rel @p5 .LBB2_4-.Ltmp2, $4  }
0xb5: {  	[spmem:s2] =	stream.indirect.scatter.add.f32 [tilespmem:s29], [sflag:$0x3], $0x80, s14, s22, $0xb8;
	[tilespmem:$0x1F800] =	vst v63  }
0xb6: {  	_ =	swait.ge [sflag:s0], $0x2800  }
0xb7: {  	[sflag:s0] =	ssyncset.done $0x0  }
0xb8: {  	[sflag:s0] =	ssyncadd.s32 $0xFFFFD800  }
0xb9: {  	v0 =	vld [tilespmem:s8+$0x13BC0];
	_ =	sdelay $0x4  }
0xba: {  	v1 =	vand.u32 $0xFFFF, v0  }
0xbb: {  	v0 =	vshrl.u32 v0, $0x10;
	[tilespmem:$0x17D00] =	vst v1  }
0xbc: {  	[tilespmem:$0x17F00] =	vst v0  }
0xbd: {  	v0 =	vld [tilespmem:s8+$0x13BD0];
	_ =	sdelay $0x4  }
0xbe: {  	v60 =	vand.u32 $0xFFFF, v0  }
0xbf: {  	v0 =	vshrl.u32 v0, $0x10;
	[tilespmem:$0x17D10] =	vst v60  }
0xc0: {  	[tilespmem:$0x17F10] =	vst v0  }
0xc1: {  	v0 =	vld [tilespmem:s8+$0x13BE0];
	_ =	sdelay $0x4  }
0xc2: {  	v61 =	vand.u32 $0xFFFF, v0  }
0xc3: {  	v0 =	vshrl.u32 v0, $0x10;
	[tilespmem:$0x17D20] =	vst v61  }
0xc4: {  	[tilespmem:$0x17F20] =	vst v0  }
0xc5: {  	v0 =	vld [tilespmem:s8+$0x13BF0];
	_ =	sdelay $0x4  }
0xc6: {  	v62 =	vand.u32 $0xFFFF, v0  }
0xc7: {  	v0 =	vshrl.u32 v0, $0x10;
	[tilespmem:$0x17D30] =	vst v62  }
0xc8: {  	[tilespmem:$0x17F30] =	vst v0  }
0xc9: {  	v0 =	vld [tilespmem:s8+$0x13C00];
	_ =	sdelay $0x3  }
.Ltmp3:
0xca: {  	_ = 	snop;
	(pc) =	sbr.rel .LBB2_2-.Ltmp3, $4  }
0xcb: {  	v63 =	vand.u32 $0xFFFF, v0  }
0xcc: {  	v0 =	vshrl.u32 v0, $0x10;
	[tilespmem:$0x17D40] =	vst v63  }
0xcd: {  	s6 =	sadd.s32 $0x600, s6;
	[tilespmem:$0x17F40] =	vst v0  }
0xce: {  	[tilespmem:s29], [sflag:$0x1] =	stream.indirect.gather [hbm4b:s4+s22], $0x80, s28, s22, $0xb8;
	[tilespmem:$0x1F800] =	vst v63  }
.LBB2_5:
0xcf: {  	_ =	sfence.sel $0x180000  }
0xd0: {  	[bflag:$0x0] =	sbarrier.arrive $0xFFFF  }
0xd1: {  	_ =	strace $0x9000004A  }
0xd2: {  	s0 =	stileid.u32;
	[bflag:$0x2] =	sbarrier.arrive $0xFFFF  }
0xd3: {  	p0 =	sne.s32 s0, $0x0;
	s0 =	rddreg [dreg:$0x2]  }
0xd4: {  	s0 =	sadd.s32 @!p0 $0x100000, s0  }
0xd5: {  	[sflag:s0] =	ssyncadd.tile.s32 @!p0 $0x1;
	_ =	shalt  }
.Lfunc_end2:
_tile_overlayer_lowered:
.L_overlay_start_2:
0xd6: {  	(tag) =	ssettag $0x2  }
0xd7: {  	s0 =	rddreg [dreg:$0x0];
	s2 =	stileid.u32  }
0xd8: {  	s1 =	rddreg [dreg:$0x1];
	p0 =	sne.s32 s2, $0x0  }
0xd9: {  	s3 =	rddreg [dreg:$0x2];
	[bflag:$0x3] =	sbarrier.arrive $0xFFFF;
	s2 =	simm.s32 @!p0 $0x1C03  }
0xda: {  	[timem:s3], [sflag:s2] =	dma.local @!p0 [hbm:s0], s1  }
0xdb: {  	s0 =	simm.s32 @!p0 $0x3  }
0xdc: {  	_ =	swait.ge @!p0 [sflag:s0], s1  }
0xdd: {  	s1 =	ssub.s32 @!p0 $0x0, s1;
	[sflag:s0] =	ssyncset.done @!p0 $0x0  }
0xde: {  	[sflag:s0] =	ssyncadd.s32 @!p0 s1  }
0xdf: {  	[bflag:$0x3] =	sbarrier.arrive $0xFFFF  }
0xe0: {  	_ =	shalt  }

</sc_bundles>
